<compile_context>
chip_gen: v7x
topology: tpu7x:2x2x1
jax: 0.10.2.dev20260603
libtpu: 0.0.44.dev20260713+nightly
codegen_flags: <defaults>
</compile_context>

<pallas_src>
import functools

import jax
import jax.numpy as jnp
from jax import lax
from jax.experimental import pallas as pl
from jax.experimental.pallas import tpu as pltpu
from jax.experimental.pallas import tpu_sc as plsc

VOCAB = 1000
DIM = 32
B = 16384
H = 50
NC, NS = 2, 16
NW = NC * NS
B_PER_W = B // NW
NB = 16
MACROS = B_PER_W // NB


def _make_sc_gather():
    mesh = plsc.VectorSubcoreMesh(core_axis_name="c", subcore_axis_name="s")

    @functools.partial(
        pl.kernel,
        mesh=mesh,
        compiler_params=pltpu.CompilerParams(use_tc_tiling_on_sc=False),
        out_type=jax.ShapeDtypeStruct((B, H, DIM), jnp.float32),
        scratch_types=[
            pltpu.VMEM((B_PER_W, H), jnp.int32),
            pltpu.VMEM((NB, H, DIM), jnp.float32),
            pltpu.VMEM((NB, H, DIM), jnp.float32),
            pltpu.SemaphoreType.DMA,
            pltpu.SemaphoreType.DMA,
        ],
    )
    def k(table_hbm, idx_hbm, out_hbm, idx_v, rows0_v, rows1_v, sem_g, sem_o):
        wid = lax.axis_index("s") * NC + lax.axis_index("c")
        b0 = wid * B_PER_W
        pltpu.sync_copy(idx_hbm.at[pl.ds(b0, B_PER_W)], idx_v)

        def gather_into(m, buf):
            r0 = m * NB
            cps = [
                pltpu.async_copy(
                    table_hbm.at[idx_v.at[r0 + i]], buf.at[i], sem_g
                )
                for i in range(NB)
            ]
            for cp in cps:
                cp.wait()

        def start_write(m, buf):
            pltpu.async_copy(
                buf, out_hbm.at[pl.ds(b0 + m * NB, NB)], sem_o
            )

        def wait_write(buf):
            pltpu.make_async_copy(
                buf, out_hbm.at[pl.ds(b0, NB)], sem_o
            ).wait()

        gather_into(0, rows0_v)
        start_write(0, rows0_v)
        gather_into(1, rows1_v)
        start_write(1, rows1_v)

        def macro(mm, carry):
            m = 2 * mm
            wait_write(rows0_v)
            gather_into(m, rows0_v)
            start_write(m, rows0_v)
            wait_write(rows1_v)
            gather_into(m + 1, rows1_v)
            start_write(m + 1, rows1_v)
            return carry

        lax.fori_loop(1, MACROS // 2, macro, 0, unroll=False)

        wait_write(rows0_v)
        wait_write(rows1_v)

    return k


_sc_gather = _make_sc_gather()


def kernel(batch, weight):
    return _sc_gather(weight, batch.astype(jnp.int32))

# --- scband reference (transcript-rebuilt; emitter-appended) ---
"""Pipeline reference for scband-simple-embedding-51960514347654 (READ-ONLY COPY).

The authoritative reference and input builder live on the scoring server;
editing this copy changes nothing except your own understanding.
"""

import jax, jax.numpy as jnp
import numpy as np

VOCAB_SIZE = 1000
DIM = 32
BATCH = 16384
HIST = 50

def setup_inputs(seed: int = 0) -> dict:
    key = jax.random.key(seed)
    k_idx, k_w = jax.random.split(key)
    batch = jax.random.randint(k_idx, (BATCH, HIST), 0, VOCAB_SIZE, dtype=jnp.int64 if jax.config.jax_enable_x64 else jnp.int32)
    weight = jax.random.normal(k_w, (VOCAB_SIZE, DIM), dtype=jnp.float32)
    return {"batch": batch, "weight": weight}

def reference(batch, weight):
    # nn.Embedding forward: simple row gather from the table
    embeds = jnp.take(weight, batch, axis=0)
    return embeds

if __name__ == "__main__":
    import jax
    _d = setup_inputs()
    print(jax.jit(kernel)(*tuple(_d.values())))

</pallas_src>

<mosaic_0001>
#map = affine_map<(d0, d1) -> (0, 0)>
#map1 = affine_map<(d0, d1) -> (0, 0, 0)>
module attributes {stable_mosaic.version = 14 : i64} {
  func.func @k(%arg0: i32, %arg1: i32, %arg2: memref<1000x32xf32, #tpu.memory_space<hbm>>, %arg3: memref<16384x50xi32, #tpu.memory_space<hbm>>, %arg4: memref<16384x50x32xf32, #tpu.memory_space<hbm>>, %arg5: memref<512x50xi32, #tpu.memory_space<vmem>>, %arg6: memref<16x50x32xf32, #tpu.memory_space<vmem>>, %arg7: memref<16x50x32xf32, #tpu.memory_space<vmem>>, %arg8: memref<!tpu.dma_semaphore, #tpu.memory_space<semaphore_mem>>, %arg9: memref<!tpu.dma_semaphore, #tpu.memory_space<semaphore_mem>>) attributes {dimension_semantics = [#tpu.dimension_semantics<core_parallel>, #tpu.dimension_semantics<subcore_parallel>], iteration_bounds = array<i64: 2, 16>, scalar_prefetch = 0 : i64, scratch_operands = 5 : i64, tpu.core_type = #tpu.core_type<sc_vector_subcore>, window_params = [{transform_indices = #map}, {transform_indices = #map}, {transform_indices = #map1}]} {
    %mul3A = arith.constant 2 : i32
    %mul3A_0 = arith.muli %arg1, %mul3A : i32
    %add3A = arith.addi %mul3A_0, %arg0 : i32
    %mul3A_1 = arith.constant 512 : i32
    %mul3A_2 = arith.muli %add3A, %mul3A_1 : i32
    "tpu.region"() ({
      %run_scoped3A = tpu.sem_alloc : memref<!tpu.dma_semaphore, #tpu.memory_space<semaphore_mem>>
      %dma_start3A_802 = arith.constant 0 : i32
      %dma_start3A_803 = tpu.memref_slice %arg3[%mul3A_2, %dma_start3A_802] : memref<16384x50xi32, #tpu.memory_space<hbm>> -> memref<512x50xi32, #tpu.memory_space<hbm>>
      %dma_start3A_804 = arith.constant 0 : i32
      %dma_start3A_805 = tpu.memref_slice %arg3[%mul3A_2, %dma_start3A_804] : memref<16384x50xi32, #tpu.memory_space<hbm>> -> memref<512x50xi32, #tpu.memory_space<hbm>>
      tpu.enqueue_dma source(%dma_start3A_805 : memref<512x50xi32, #tpu.memory_space<hbm>>) target(%arg5 : memref<512x50xi32, #tpu.memory_space<vmem>>) target_semaphore(%run_scoped3A : memref<!tpu.dma_semaphore, #tpu.memory_space<semaphore_mem>>)
      %dma_wait3A_806 = arith.constant 0 : i32
      %dma_wait3A_807 = tpu.memref_slice %arg3[%mul3A_2, %dma_wait3A_806] : memref<16384x50xi32, #tpu.memory_space<hbm>> -> memref<512x50xi32, #tpu.memory_space<hbm>>
      %dma_wait3A_808 = arith.constant 0 : i32
      %dma_wait3A_809 = tpu.memref_slice %arg3[%mul3A_2, %dma_wait3A_808] : memref<16384x50xi32, #tpu.memory_space<hbm>> -> memref<512x50xi32, #tpu.memory_space<hbm>>
      tpu.wait_dma2 semaphore(%run_scoped3A : memref<!tpu.dma_semaphore, #tpu.memory_space<semaphore_mem>>) src(%dma_wait3A_809 : memref<512x50xi32, #tpu.memory_space<hbm>>) dst(%arg5 : memref<512x50xi32, #tpu.memory_space<vmem>>)
      tpu.yield
    }) : () -> ()
    %dma_start3A = arith.constant 0 : i32
    %dma_start3A_3 = arith.constant 0 : i32
    %dma_start3A_4 = arith.constant 0 : i32
    %dma_start3A_5 = arith.constant 0 : i32
    %dma_start3A_6 = tpu.memref_slice %arg6[%dma_start3A_3, %dma_start3A_4, %dma_start3A_5] : memref<16x50x32xf32, #tpu.memory_space<vmem>> -> memref<1x50x32xf32, #tpu.memory_space<vmem>>
    %dma_start3A_7 = tpu.memref_squeeze %dma_start3A_6 : memref<1x50x32xf32, #tpu.memory_space<vmem>> -> memref<50x32xf32, #tpu.memory_space<vmem>>
    %dma_start3A_8 = arith.constant 0 : i32
    %dma_start3A_9 = tpu.memref_slice %arg5[%dma_start3A, %dma_start3A_8] : memref<512x50xi32, #tpu.memory_space<vmem>> -> memref<1x50xi32, #tpu.memory_space<vmem>>
    %dma_start3A_10 = tpu.memref_squeeze %dma_start3A_9 : memref<1x50xi32, #tpu.memory_space<vmem>> -> memref<50xi32, #tpu.memory_space<vmem>>
    %dma_start3A_11 = arith.constant 0 : i32
    %dma_start3A_12 = arith.constant 0 : i32
    %dma_start3A_13 = tpu.memref_slice %arg2[%dma_start3A_11, %dma_start3A_12] : memref<1000x32xf32, #tpu.memory_space<hbm>> -> memref<1000x32xf32, #tpu.memory_space<hbm>>
    tpu.enqueue_indirect_dma source(%dma_start3A_13 : memref<1000x32xf32, #tpu.memory_space<hbm>>) target(%dma_start3A_7 : memref<50x32xf32, #tpu.memory_space<vmem>>) offsets(%dma_start3A_10 : memref<50xi32, #tpu.memory_space<vmem>>) semaphore(%arg8 : memref<!tpu.dma_semaphore, #tpu.memory_space<semaphore_mem>>)
    %dma_start3A_14 = arith.constant 1 : i32
    %dma_start3A_15 = arith.constant 1 : i32
    %dma_start3A_16 = arith.constant 0 : i32
    %dma_start3A_17 = arith.constant 0 : i32
    %dma_start3A_18 = tpu.memref_slice %arg6[%dma_start3A_15, %dma_start3A_16, %dma_start3A_17] : memref<16x50x32xf32, #tpu.memory_space<vmem>> -> memref<1x50x32xf32, #tpu.memory_space<vmem>>
    %dma_start3A_19 = tpu.memref_squeeze %dma_start3A_18 : memref<1x50x32xf32, #tpu.memory_space<vmem>> -> memref<50x32xf32, #tpu.memory_space<vmem>>
    %dma_start3A_20 = arith.constant 0 : i32
    %dma_start3A_21 = tpu.memref_slice %arg5[%dma_start3A_14, %dma_start3A_20] : memref<512x50xi32, #tpu.memory_space<vmem>> -> memref<1x50xi32, #tpu.memory_space<vmem>>
    %dma_start3A_22 = tpu.memref_squeeze %dma_start3A_21 : memref<1x50xi32, #tpu.memory_space<vmem>> -> memref<50xi32, #tpu.memory_space<vmem>>
    %dma_start3A_23 = arith.constant 0 : i32
    %dma_start3A_24 = arith.constant 0 : i32
    %dma_start3A_25 = tpu.memref_slice %arg2[%dma_start3A_23, %dma_start3A_24] : memref<1000x32xf32, #tpu.memory_space<hbm>> -> memref<1000x32xf32, #tpu.memory_space<hbm>>
    tpu.enqueue_indirect_dma source(%dma_start3A_25 : memref<1000x32xf32, #tpu.memory_space<hbm>>) target(%dma_start3A_19 : memref<50x32xf32, #tpu.memory_space<vmem>>) offsets(%dma_start3A_22 : memref<50xi32, #tpu.memory_space<vmem>>) semaphore(%arg8 : memref<!tpu.dma_semaphore, #tpu.memory_space<semaphore_mem>>)
    %dma_start3A_26 = arith.constant 2 : i32
    %dma_start3A_27 = arith.constant 2 : i32
    %dma_start3A_28 = arith.constant 0 : i32
    %dma_start3A_29 = arith.constant 0 : i32
    %dma_start3A_30 = tpu.memref_slice %arg6[%dma_start3A_27, %dma_start3A_28, %dma_start3A_29] : memref<16x50x32xf32, #tpu.memory_space<vmem>> -> memref<1x50x32xf32, #tpu.memory_space<vmem>>
    %dma_start3A_31 = tpu.memref_squeeze %dma_start3A_30 : memref<1x50x32xf32, #tpu.memory_space<vmem>> -> memref<50x32xf32, #tpu.memory_space<vmem>>
    %dma_start3A_32 = arith.constant 0 : i32
    %dma_start3A_33 = tpu.memref_slice %arg5[%dma_start3A_26, %dma_start3A_32] : memref<512x50xi32, #tpu.memory_space<vmem>> -> memref<1x50xi32, #tpu.memory_space<vmem>>
    %dma_start3A_34 = tpu.memref_squeeze %dma_start3A_33 : memref<1x50xi32, #tpu.memory_space<vmem>> -> memref<50xi32, #tpu.memory_space<vmem>>
    %dma_start3A_35 = arith.constant 0 : i32
    %dma_start3A_36 = arith.constant 0 : i32
    %dma_start3A_37 = tpu.memref_slice %arg2[%dma_start3A_35, %dma_start3A_36] : memref<1000x32xf32, #tpu.memory_space<hbm>> -> memref<1000x32xf32, #tpu.memory_space<hbm>>
    tpu.enqueue_indirect_dma source(%dma_start3A_37 : memref<1000x32xf32, #tpu.memory_space<hbm>>) target(%dma_start3A_31 : memref<50x32xf32, #tpu.memory_space<vmem>>) offsets(%dma_start3A_34 : memref<50xi32, #tpu.memory_space<vmem>>) semaphore(%arg8 : memref<!tpu.dma_semaphore, #tpu.memory_space<semaphore_mem>>)
    %dma_start3A_38 = arith.constant 3 : i32
    %dma_start3A_39 = arith.constant 3 : i32
    %dma_start3A_40 = arith.constant 0 : i32
    %dma_start3A_41 = arith.constant 0 : i32
    %dma_start3A_42 = tpu.memref_slice %arg6[%dma_start3A_39, %dma_start3A_40, %dma_start3A_41] : memref<16x50x32xf32, #tpu.memory_space<vmem>> -> memref<1x50x32xf32, #tpu.memory_space<vmem>>
    %dma_start3A_43 = tpu.memref_squeeze %dma_start3A_42 : memref<1x50x32xf32, #tpu.memory_space<vmem>> -> memref<50x32xf32, #tpu.memory_space<vmem>>
    %dma_start3A_44 = arith.constant 0 : i32
    %dma_start3A_45 = tpu.memref_slice %arg5[%dma_start3A_38, %dma_start3A_44] : memref<512x50xi32, #tpu.memory_space<vmem>> -> memref<1x50xi32, #tpu.memory_space<vmem>>
    %dma_start3A_46 = tpu.memref_squeeze %dma_start3A_45 : memref<1x50xi32, #tpu.memory_space<vmem>> -> memref<50xi32, #tpu.memory_space<vmem>>
    %dma_start3A_47 = arith.constant 0 : i32
    %dma_start3A_48 = arith.constant 0 : i32
    %dma_start3A_49 = tpu.memref_slice %arg2[%dma_start3A_47, %dma_start3A_48] : memref<1000x32xf32, #tpu.memory_space<hbm>> -> memref<1000x32xf32, #tpu.memory_space<hbm>>
    tpu.enqueue_indirect_dma source(%dma_start3A_49 : memref<1000x32xf32, #tpu.memory_space<hbm>>) target(%dma_start3A_43 : memref<50x32xf32, #tpu.memory_space<vmem>>) offsets(%dma_start3A_46 : memref<50xi32, #tpu.memory_space<vmem>>) semaphore(%arg8 : memref<!tpu.dma_semaphore, #tpu.memory_space<semaphore_mem>>)
    %dma_start3A_50 = arith.constant 4 : i32
    %dma_start3A_51 = arith.constant 4 : i32
    %dma_start3A_52 = arith.constant 0 : i32
    %dma_start3A_53 = arith.constant 0 : i32
    %dma_start3A_54 = tpu.memref_slice %arg6[%dma_start3A_51, %dma_start3A_52, %dma_start3A_53] : memref<16x50x32xf32, #tpu.memory_space<vmem>> -> memref<1x50x32xf32, #tpu.memory_space<vmem>>
    %dma_start3A_55 = tpu.memref_squeeze %dma_start3A_54 : memref<1x50x32xf32, #tpu.memory_space<vmem>> -> memref<50x32xf32, #tpu.memory_space<vmem>>
    %dma_start3A_56 = arith.constant 0 : i32
    %dma_start3A_57 = tpu.memref_slice %arg5[%dma_start3A_50, %dma_start3A_56] : memref<512x50xi32, #tpu.memory_space<vmem>> -> memref<1x50xi32, #tpu.memory_space<vmem>>
    %dma_start3A_58 = tpu.memref_squeeze %dma_start3A_57 : memref<1x50xi32, #tpu.memory_space<vmem>> -> memref<50xi32, #tpu.memory_space<vmem>>
    %dma_start3A_59 = arith.constant 0 : i32
    %dma_start3A_60 = arith.constant 0 : i32
    %dma_start3A_61 = tpu.memref_slice %arg2[%dma_start3A_59, %dma_start3A_60] : memref<1000x32xf32, #tpu.memory_space<hbm>> -> memref<1000x32xf32, #tpu.memory_space<hbm>>
    tpu.enqueue_indirect_dma source(%dma_start3A_61 : memref<1000x32xf32, #tpu.memory_space<hbm>>) target(%dma_start3A_55 : memref<50x32xf32, #tpu.memory_space<vmem>>) offsets(%dma_start3A_58 : memref<50xi32, #tpu.memory_space<vmem>>) semaphore(%arg8 : memref<!tpu.dma_semaphore, #tpu.memory_space<semaphore_mem>>)
    %dma_start3A_62 = arith.constant 5 : i32
    %dma_start3A_63 = arith.constant 5 : i32
    %dma_start3A_64 = arith.constant 0 : i32
    %dma_start3A_65 = arith.constant 0 : i32
    %dma_start3A_66 = tpu.memref_slice %arg6[%dma_start3A_63, %dma_start3A_64, %dma_start3A_65] : memref<16x50x32xf32, #tpu.memory_space<vmem>> -> memref<1x50x32xf32, #tpu.memory_space<vmem>>
    %dma_start3A_67 = tpu.memref_squeeze %dma_start3A_66 : memref<1x50x32xf32, #tpu.memory_space<vmem>> -> memref<50x32xf32, #tpu.memory_space<vmem>>
    %dma_start3A_68 = arith.constant 0 : i32
    %dma_start3A_69 = tpu.memref_slice %arg5[%dma_start3A_62, %dma_start3A_68] : memref<512x50xi32, #tpu.memory_space<vmem>> -> memref<1x50xi32, #tpu.memory_space<vmem>>
    %dma_start3A_70 = tpu.memref_squeeze %dma_start3A_69 : memref<1x50xi32, #tpu.memory_space<vmem>> -> memref<50xi32, #tpu.memory_space<vmem>>
    %dma_start3A_71 = arith.constant 0 : i32
    %dma_start3A_72 = arith.constant 0 : i32
    %dma_start3A_73 = tpu.memref_slice %arg2[%dma_start3A_71, %dma_start3A_72] : memref<1000x32xf32, #tpu.memory_space<hbm>> -> memref<1000x32xf32, #tpu.memory_space<hbm>>
    tpu.enqueue_indirect_dma source(%dma_start3A_73 : memref<1000x32xf32, #tpu.memory_space<hbm>>) target(%dma_start3A_67 : memref<50x32xf32, #tpu.memory_space<vmem>>) offsets(%dma_start3A_70 : memref<50xi32, #tpu.memory_space<vmem>>) semaphore(%arg8 : memref<!tpu.dma_semaphore, #tpu.memory_space<semaphore_mem>>)
    %dma_start3A_74 = arith.constant 6 : i32
    %dma_start3A_75 = arith.constant 6 : i32
    %dma_start3A_76 = arith.constant 0 : i32
    %dma_start3A_77 = arith.constant 0 : i32
    %dma_start3A_78 = tpu.memref_slice %arg6[%dma_start3A_75, %dma_start3A_76, %dma_start3A_77] : memref<16x50x32xf32, #tpu.memory_space<vmem>> -> memref<1x50x32xf32, #tpu.memory_space<vmem>>
    %dma_start3A_79 = tpu.memref_squeeze %dma_start3A_78 : memref<1x50x32xf32, #tpu.memory_space<vmem>> -> memref<50x32xf32, #tpu.memory_space<vmem>>
    %dma_start3A_80 = arith.constant 0 : i32
    %dma_start3A_81 = tpu.memref_slice %arg5[%dma_start3A_74, %dma_start3A_80] : memref<512x50xi32, #tpu.memory_space<vmem>> -> memref<1x50xi32, #tpu.memory_space<vmem>>
    %dma_start3A_82 = tpu.memref_squeeze %dma_start3A_81 : memref<1x50xi32, #tpu.memory_space<vmem>> -> memref<50xi32, #tpu.memory_space<vmem>>
    %dma_start3A_83 = arith.constant 0 : i32
    %dma_start3A_84 = arith.constant 0 : i32
    %dma_start3A_85 = tpu.memref_slice %arg2[%dma_start3A_83, %dma_start3A_84] : memref<1000x32xf32, #tpu.memory_space<hbm>> -> memref<1000x32xf32, #tpu.memory_space<hbm>>
    tpu.enqueue_indirect_dma source(%dma_start3A_85 : memref<1000x32xf32, #tpu.memory_space<hbm>>) target(%dma_start3A_79 : memref<50x32xf32, #tpu.memory_space<vmem>>) offsets(%dma_start3A_82 : memref<50xi32, #tpu.memory_space<vmem>>) semaphore(%arg8 : memref<!tpu.dma_semaphore, #tpu.memory_space<semaphore_mem>>)
    %dma_start3A_86 = arith.constant 7 : i32
    %dma_start3A_87 = arith.constant 7 : i32
    %dma_start3A_88 = arith.constant 0 : i32
    %dma_start3A_89 = arith.constant 0 : i32
    %dma_start3A_90 = tpu.memref_slice %arg6[%dma_start3A_87, %dma_start3A_88, %dma_start3A_89] : memref<16x50x32xf32, #tpu.memory_space<vmem>> -> memref<1x50x32xf32, #tpu.memory_space<vmem>>
    %dma_start3A_91 = tpu.memref_squeeze %dma_start3A_90 : memref<1x50x32xf32, #tpu.memory_space<vmem>> -> memref<50x32xf32, #tpu.memory_space<vmem>>
    %dma_start3A_92 = arith.constant 0 : i32
    %dma_start3A_93 = tpu.memref_slice %arg5[%dma_start3A_86, %dma_start3A_92] : memref<512x50xi32, #tpu.memory_space<vmem>> -> memref<1x50xi32, #tpu.memory_space<vmem>>
    %dma_start3A_94 = tpu.memref_squeeze %dma_start3A_93 : memref<1x50xi32, #tpu.memory_space<vmem>> -> memref<50xi32, #tpu.memory_space<vmem>>
    %dma_start3A_95 = arith.constant 0 : i32
    %dma_start3A_96 = arith.constant 0 : i32
    %dma_start3A_97 = tpu.memref_slice %arg2[%dma_start3A_95, %dma_start3A_96] : memref<1000x32xf32, #tpu.memory_space<hbm>> -> memref<1000x32xf32, #tpu.memory_space<hbm>>
    tpu.enqueue_indirect_dma source(%dma_start3A_97 : memref<1000x32xf32, #tpu.memory_space<hbm>>) target(%dma_start3A_91 : memref<50x32xf32, #tpu.memory_space<vmem>>) offsets(%dma_start3A_94 : memref<50xi32, #tpu.memory_space<vmem>>) semaphore(%arg8 : memref<!tpu.dma_semaphore, #tpu.memory_space<semaphore_mem>>)
    %dma_start3A_98 = arith.constant 8 : i32
    %dma_start3A_99 = arith.constant 8 : i32
    %dma_start3A_100 = arith.constant 0 : i32
    %dma_start3A_101 = arith.constant 0 : i32
    %dma_start3A_102 = tpu.memref_slice %arg6[%dma_start3A_99, %dma_start3A_100, %dma_start3A_101] : memref<16x50x32xf32, #tpu.memory_space<vmem>> -> memref<1x50x32xf32, #tpu.memory_space<vmem>>
    %dma_start3A_103 = tpu.memref_squeeze %dma_start3A_102 : memref<1x50x32xf32, #tpu.memory_space<vmem>> -> memref<50x32xf32, #tpu.memory_space<vmem>>
    %dma_start3A_104 = arith.constant 0 : i32
    %dma_start3A_105 = tpu.memref_slice %arg5[%dma_start3A_98, %dma_start3A_104] : memref<512x50xi32, #tpu.memory_space<vmem>> -> memref<1x50xi32, #tpu.memory_space<vmem>>
    %dma_start3A_106 = tpu.memref_squeeze %dma_start3A_105 : memref<1x50xi32, #tpu.memory_space<vmem>> -> memref<50xi32, #tpu.memory_space<vmem>>
    %dma_start3A_107 = arith.constant 0 : i32
    %dma_start3A_108 = arith.constant 0 : i32
    %dma_start3A_109 = tpu.memref_slice %arg2[%dma_start3A_107, %dma_start3A_108] : memref<1000x32xf32, #tpu.memory_space<hbm>> -> memref<1000x32xf32, #tpu.memory_space<hbm>>
    tpu.enqueue_indirect_dma source(%dma_start3A_109 : memref<1000x32xf32, #tpu.memory_space<hbm>>) target(%dma_start3A_103 : memref<50x32xf32, #tpu.memory_space<vmem>>) offsets(%dma_start3A_106 : memref<50xi32, #tpu.memory_space<vmem>>) semaphore(%arg8 : memref<!tpu.dma_semaphore, #tpu.memory_space<semaphore_mem>>)
    %dma_start3A_110 = arith.constant 9 : i32
    %dma_start3A_111 = arith.constant 9 : i32
    %dma_start3A_112 = arith.constant 0 : i32
    %dma_start3A_113 = arith.constant 0 : i32
    %dma_start3A_114 = tpu.memref_slice %arg6[%dma_start3A_111, %dma_start3A_112, %dma_start3A_113] : memref<16x50x32xf32, #tpu.memory_space<vmem>> -> memref<1x50x32xf32, #tpu.memory_space<vmem>>
    %dma_start3A_115 = tpu.memref_squeeze %dma_start3A_114 : memref<1x50x32xf32, #tpu.memory_space<vmem>> -> memref<50x32xf32, #tpu.memory_space<vmem>>
    %dma_start3A_116 = arith.constant 0 : i32
    %dma_start3A_117 = tpu.memref_slice %arg5[%dma_start3A_110, %dma_start3A_116] : memref<512x50xi32, #tpu.memory_space<vmem>> -> memref<1x50xi32, #tpu.memory_space<vmem>>
    %dma_start3A_118 = tpu.memref_squeeze %dma_start3A_117 : memref<1x50xi32, #tpu.memory_space<vmem>> -> memref<50xi32, #tpu.memory_space<vmem>>
    %dma_start3A_119 = arith.constant 0 : i32
    %dma_start3A_120 = arith.constant 0 : i32
    %dma_start3A_121 = tpu.memref_slice %arg2[%dma_start3A_119, %dma_start3A_120] : memref<1000x32xf32, #tpu.memory_space<hbm>> -> memref<1000x32xf32, #tpu.memory_space<hbm>>
    tpu.enqueue_indirect_dma source(%dma_start3A_121 : memref<1000x32xf32, #tpu.memory_space<hbm>>) target(%dma_start3A_115 : memref<50x32xf32, #tpu.memory_space<vmem>>) offsets(%dma_start3A_118 : memref<50xi32, #tpu.memory_space<vmem>>) semaphore(%arg8 : memref<!tpu.dma_semaphore, #tpu.memory_space<semaphore_mem>>)
    %dma_start3A_122 = arith.constant 10 : i32
    %dma_start3A_123 = arith.constant 10 : i32
    %dma_start3A_124 = arith.constant 0 : i32
    %dma_start3A_125 = arith.constant 0 : i32
    %dma_start3A_126 = tpu.memref_slice %arg6[%dma_start3A_123, %dma_start3A_124, %dma_start3A_125] : memref<16x50x32xf32, #tpu.memory_space<vmem>> -> memref<1x50x32xf32, #tpu.memory_space<vmem>>
    %dma_start3A_127 = tpu.memref_squeeze %dma_start3A_126 : memref<1x50x32xf32, #tpu.memory_space<vmem>> -> memref<50x32xf32, #tpu.memory_space<vmem>>
    %dma_start3A_128 = arith.constant 0 : i32
    %dma_start3A_129 = tpu.memref_slice %arg5[%dma_start3A_122, %dma_start3A_128] : memref<512x50xi32, #tpu.memory_space<vmem>> -> memref<1x50xi32, #tpu.memory_space<vmem>>
    %dma_start3A_130 = tpu.memref_squeeze %dma_start3A_129 : memref<1x50xi32, #tpu.memory_space<vmem>> -> memref<50xi32, #tpu.memory_space<vmem>>
    %dma_start3A_131 = arith.constant 0 : i32
    %dma_start3A_132 = arith.constant 0 : i32
    %dma_start3A_133 = tpu.memref_slice %arg2[%dma_start3A_131, %dma_start3A_132] : memref<1000x32xf32, #tpu.memory_space<hbm>> -> memref<1000x32xf32, #tpu.memory_space<hbm>>
    tpu.enqueue_indirect_dma source(%dma_start3A_133 : memref<1000x32xf32, #tpu.memory_space<hbm>>) target(%dma_start3A_127 : memref<50x32xf32, #tpu.memory_space<vmem>>) offsets(%dma_start3A_130 : memref<50xi32, #tpu.memory_space<vmem>>) semaphore(%arg8 : memref<!tpu.dma_semaphore, #tpu.memory_space<semaphore_mem>>)
    %dma_start3A_134 = arith.constant 11 : i32
    %dma_start3A_135 = arith.constant 11 : i32
    %dma_start3A_136 = arith.constant 0 : i32
    %dma_start3A_137 = arith.constant 0 : i32
    %dma_start3A_138 = tpu.memref_slice %arg6[%dma_start3A_135, %dma_start3A_136, %dma_start3A_137] : memref<16x50x32xf32, #tpu.memory_space<vmem>> -> memref<1x50x32xf32, #tpu.memory_space<vmem>>
    %dma_start3A_139 = tpu.memref_squeeze %dma_start3A_138 : memref<1x50x32xf32, #tpu.memory_space<vmem>> -> memref<50x32xf32, #tpu.memory_space<vmem>>
    %dma_start3A_140 = arith.constant 0 : i32
    %dma_start3A_141 = tpu.memref_slice %arg5[%dma_start3A_134, %dma_start3A_140] : memref<512x50xi32, #tpu.memory_space<vmem>> -> memref<1x50xi32, #tpu.memory_space<vmem>>
    %dma_start3A_142 = tpu.memref_squeeze %dma_start3A_141 : memref<1x50xi32, #tpu.memory_space<vmem>> -> memref<50xi32, #tpu.memory_space<vmem>>
    %dma_start3A_143 = arith.constant 0 : i32
    %dma_start3A_144 = arith.constant 0 : i32
    %dma_start3A_145 = tpu.memref_slice %arg2[%dma_start3A_143, %dma_start3A_144] : memref<1000x32xf32, #tpu.memory_space<hbm>> -> memref<1000x32xf32, #tpu.memory_space<hbm>>
    tpu.enqueue_indirect_dma source(%dma_start3A_145 : memref<1000x32xf32, #tpu.memory_space<hbm>>) target(%dma_start3A_139 : memref<50x32xf32, #tpu.memory_space<vmem>>) offsets(%dma_start3A_142 : memref<50xi32, #tpu.memory_space<vmem>>) semaphore(%arg8 : memref<!tpu.dma_semaphore, #tpu.memory_space<semaphore_mem>>)
    %dma_start3A_146 = arith.constant 12 : i32
    %dma_start3A_147 = arith.constant 12 : i32
    %dma_start3A_148 = arith.constant 0 : i32
    %dma_start3A_149 = arith.constant 0 : i32
    %dma_start3A_150 = tpu.memref_slice %arg6[%dma_start3A_147, %dma_start3A_148, %dma_start3A_149] : memref<16x50x32xf32, #tpu.memory_space<vmem>> -> memref<1x50x32xf32, #tpu.memory_space<vmem>>
    %dma_start3A_151 = tpu.memref_squeeze %dma_start3A_150 : memref<1x50x32xf32, #tpu.memory_space<vmem>> -> memref<50x32xf32, #tpu.memory_space<vmem>>
    %dma_start3A_152 = arith.constant 0 : i32
    %dma_start3A_153 = tpu.memref_slice %arg5[%dma_start3A_146, %dma_start3A_152] : memref<512x50xi32, #tpu.memory_space<vmem>> -> memref<1x50xi32, #tpu.memory_space<vmem>>
    %dma_start3A_154 = tpu.memref_squeeze %dma_start3A_153 : memref<1x50xi32, #tpu.memory_space<vmem>> -> memref<50xi32, #tpu.memory_space<vmem>>
    %dma_start3A_155 = arith.constant 0 : i32
    %dma_start3A_156 = arith.constant 0 : i32
    %dma_start3A_157 = tpu.memref_slice %arg2[%dma_start3A_155, %dma_start3A_156] : memref<1000x32xf32, #tpu.memory_space<hbm>> -> memref<1000x32xf32, #tpu.memory_space<hbm>>
    tpu.enqueue_indirect_dma source(%dma_start3A_157 : memref<1000x32xf32, #tpu.memory_space<hbm>>) target(%dma_start3A_151 : memref<50x32xf32, #tpu.memory_space<vmem>>) offsets(%dma_start3A_154 : memref<50xi32, #tpu.memory_space<vmem>>) semaphore(%arg8 : memref<!tpu.dma_semaphore, #tpu.memory_space<semaphore_mem>>)
    %dma_start3A_158 = arith.constant 13 : i32
    %dma_start3A_159 = arith.constant 13 : i32
    %dma_start3A_160 = arith.constant 0 : i32
    %dma_start3A_161 = arith.constant 0 : i32
    %dma_start3A_162 = tpu.memref_slice %arg6[%dma_start3A_159, %dma_start3A_160, %dma_start3A_161] : memref<16x50x32xf32, #tpu.memory_space<vmem>> -> memref<1x50x32xf32, #tpu.memory_space<vmem>>
    %dma_start3A_163 = tpu.memref_squeeze %dma_start3A_162 : memref<1x50x32xf32, #tpu.memory_space<vmem>> -> memref<50x32xf32, #tpu.memory_space<vmem>>
    %dma_start3A_164 = arith.constant 0 : i32
    %dma_start3A_165 = tpu.memref_slice %arg5[%dma_start3A_158, %dma_start3A_164] : memref<512x50xi32, #tpu.memory_space<vmem>> -> memref<1x50xi32, #tpu.memory_space<vmem>>
    %dma_start3A_166 = tpu.memref_squeeze %dma_start3A_165 : memref<1x50xi32, #tpu.memory_space<vmem>> -> memref<50xi32, #tpu.memory_space<vmem>>
    %dma_start3A_167 = arith.constant 0 : i32
    %dma_start3A_168 = arith.constant 0 : i32
    %dma_start3A_169 = tpu.memref_slice %arg2[%dma_start3A_167, %dma_start3A_168] : memref<1000x32xf32, #tpu.memory_space<hbm>> -> memref<1000x32xf32, #tpu.memory_space<hbm>>
    tpu.enqueue_indirect_dma source(%dma_start3A_169 : memref<1000x32xf32, #tpu.memory_space<hbm>>) target(%dma_start3A_163 : memref<50x32xf32, #tpu.memory_space<vmem>>) offsets(%dma_start3A_166 : memref<50xi32, #tpu.memory_space<vmem>>) semaphore(%arg8 : memref<!tpu.dma_semaphore, #tpu.memory_space<semaphore_mem>>)
    %dma_start3A_170 = arith.constant 14 : i32
    %dma_start3A_171 = arith.constant 14 : i32
    %dma_start3A_172 = arith.constant 0 : i32
    %dma_start3A_173 = arith.constant 0 : i32
    %dma_start3A_174 = tpu.memref_slice %arg6[%dma_start3A_171, %dma_start3A_172, %dma_start3A_173] : memref<16x50x32xf32, #tpu.memory_space<vmem>> -> memref<1x50x32xf32, #tpu.memory_space<vmem>>
    %dma_start3A_175 = tpu.memref_squeeze %dma_start3A_174 : memref<1x50x32xf32, #tpu.memory_space<vmem>> -> memref<50x32xf32, #tpu.memory_space<vmem>>
    %dma_start3A_176 = arith.constant 0 : i32
    %dma_start3A_177 = tpu.memref_slice %arg5[%dma_start3A_170, %dma_start3A_176] : memref<512x50xi32, #tpu.memory_space<vmem>> -> memref<1x50xi32, #tpu.memory_space<vmem>>
    %dma_start3A_178 = tpu.memref_squeeze %dma_start3A_177 : memref<1x50xi32, #tpu.memory_space<vmem>> -> memref<50xi32, #tpu.memory_space<vmem>>
    %dma_start3A_179 = arith.constant 0 : i32
    %dma_start3A_180 = arith.constant 0 : i32
    %dma_start3A_181 = tpu.memref_slice %arg2[%dma_start3A_179, %dma_start3A_180] : memref<1000x32xf32, #tpu.memory_space<hbm>> -> memref<1000x32xf32, #tpu.memory_space<hbm>>
    tpu.enqueue_indirect_dma source(%dma_start3A_181 : memref<1000x32xf32, #tpu.memory_space<hbm>>) target(%dma_start3A_175 : memref<50x32xf32, #tpu.memory_space<vmem>>) offsets(%dma_start3A_178 : memref<50xi32, #tpu.memory_space<vmem>>) semaphore(%arg8 : memref<!tpu.dma_semaphore, #tpu.memory_space<semaphore_mem>>)
    %dma_start3A_182 = arith.constant 15 : i32
    %dma_start3A_183 = arith.constant 15 : i32
    %dma_start3A_184 = arith.constant 0 : i32
    %dma_start3A_185 = arith.constant 0 : i32
    %dma_start3A_186 = tpu.memref_slice %arg6[%dma_start3A_183, %dma_start3A_184, %dma_start3A_185] : memref<16x50x32xf32, #tpu.memory_space<vmem>> -> memref<1x50x32xf32, #tpu.memory_space<vmem>>
    %dma_start3A_187 = tpu.memref_squeeze %dma_start3A_186 : memref<1x50x32xf32, #tpu.memory_space<vmem>> -> memref<50x32xf32, #tpu.memory_space<vmem>>
    %dma_start3A_188 = arith.constant 0 : i32
    %dma_start3A_189 = tpu.memref_slice %arg5[%dma_start3A_182, %dma_start3A_188] : memref<512x50xi32, #tpu.memory_space<vmem>> -> memref<1x50xi32, #tpu.memory_space<vmem>>
    %dma_start3A_190 = tpu.memref_squeeze %dma_start3A_189 : memref<1x50xi32, #tpu.memory_space<vmem>> -> memref<50xi32, #tpu.memory_space<vmem>>
    %dma_start3A_191 = arith.constant 0 : i32
    %dma_start3A_192 = arith.constant 0 : i32
    %dma_start3A_193 = tpu.memref_slice %arg2[%dma_start3A_191, %dma_start3A_192] : memref<1000x32xf32, #tpu.memory_space<hbm>> -> memref<1000x32xf32, #tpu.memory_space<hbm>>
    tpu.enqueue_indirect_dma source(%dma_start3A_193 : memref<1000x32xf32, #tpu.memory_space<hbm>>) target(%dma_start3A_187 : memref<50x32xf32, #tpu.memory_space<vmem>>) offsets(%dma_start3A_190 : memref<50xi32, #tpu.memory_space<vmem>>) semaphore(%arg8 : memref<!tpu.dma_semaphore, #tpu.memory_space<semaphore_mem>>)
    %dma_wait3A = arith.constant 0 : i32
    %dma_wait3A_194 = arith.constant 0 : i32
    %dma_wait3A_195 = arith.constant 0 : i32
    %dma_wait3A_196 = arith.constant 0 : i32
    %dma_wait3A_197 = tpu.memref_slice %arg6[%dma_wait3A_194, %dma_wait3A_195, %dma_wait3A_196] : memref<16x50x32xf32, #tpu.memory_space<vmem>> -> memref<1x50x32xf32, #tpu.memory_space<vmem>>
    %dma_wait3A_198 = tpu.memref_squeeze %dma_wait3A_197 : memref<1x50x32xf32, #tpu.memory_space<vmem>> -> memref<50x32xf32, #tpu.memory_space<vmem>>
    %dma_wait3A_199 = arith.constant 0 : i32
    %dma_wait3A_200 = tpu.memref_slice %arg5[%dma_wait3A, %dma_wait3A_199] : memref<512x50xi32, #tpu.memory_space<vmem>> -> memref<1x50xi32, #tpu.memory_space<vmem>>
    %dma_wait3A_201 = tpu.memref_squeeze %dma_wait3A_200 : memref<1x50xi32, #tpu.memory_space<vmem>> -> memref<50xi32, #tpu.memory_space<vmem>>
    %dma_wait3A_202 = arith.constant 0 : i32
    %dma_wait3A_203 = arith.constant 0 : i32
    %dma_wait3A_204 = tpu.memref_slice %arg2[%dma_wait3A_202, %dma_wait3A_203] : memref<1000x32xf32, #tpu.memory_space<hbm>> -> memref<1000x32xf32, #tpu.memory_space<hbm>>
    tpu.wait_indirect_dma semaphore(%arg8 : memref<!tpu.dma_semaphore, #tpu.memory_space<semaphore_mem>>) src(%dma_wait3A_204 : memref<1000x32xf32, #tpu.memory_space<hbm>>) dst(%dma_wait3A_198 : memref<50x32xf32, #tpu.memory_space<vmem>>)
    %dma_wait3A_205 = arith.constant 1 : i32
    %dma_wait3A_206 = arith.constant 1 : i32
    %dma_wait3A_207 = arith.constant 0 : i32
    %dma_wait3A_208 = arith.constant 0 : i32
    %dma_wait3A_209 = tpu.memref_slice %arg6[%dma_wait3A_206, %dma_wait3A_207, %dma_wait3A_208] : memref<16x50x32xf32, #tpu.memory_space<vmem>> -> memref<1x50x32xf32, #tpu.memory_space<vmem>>
    %dma_wait3A_210 = tpu.memref_squeeze %dma_wait3A_209 : memref<1x50x32xf32, #tpu.memory_space<vmem>> -> memref<50x32xf32, #tpu.memory_space<vmem>>
    %dma_wait3A_211 = arith.constant 0 : i32
    %dma_wait3A_212 = tpu.memref_slice %arg5[%dma_wait3A_205, %dma_wait3A_211] : memref<512x50xi32, #tpu.memory_space<vmem>> -> memref<1x50xi32, #tpu.memory_space<vmem>>
    %dma_wait3A_213 = tpu.memref_squeeze %dma_wait3A_212 : memref<1x50xi32, #tpu.memory_space<vmem>> -> memref<50xi32, #tpu.memory_space<vmem>>
    %dma_wait3A_214 = arith.constant 0 : i32
    %dma_wait3A_215 = arith.constant 0 : i32
    %dma_wait3A_216 = tpu.memref_slice %arg2[%dma_wait3A_214, %dma_wait3A_215] : memref<1000x32xf32, #tpu.memory_space<hbm>> -> memref<1000x32xf32, #tpu.memory_space<hbm>>
    tpu.wait_indirect_dma semaphore(%arg8 : memref<!tpu.dma_semaphore, #tpu.memory_space<semaphore_mem>>) src(%dma_wait3A_216 : memref<1000x32xf32, #tpu.memory_space<hbm>>) dst(%dma_wait3A_210 : memref<50x32xf32, #tpu.memory_space<vmem>>)
    %dma_wait3A_217 = arith.constant 2 : i32
    %dma_wait3A_218 = arith.constant 2 : i32
    %dma_wait3A_219 = arith.constant 0 : i32
    %dma_wait3A_220 = arith.constant 0 : i32
    %dma_wait3A_221 = tpu.memref_slice %arg6[%dma_wait3A_218, %dma_wait3A_219, %dma_wait3A_220] : memref<16x50x32xf32, #tpu.memory_space<vmem>> -> memref<1x50x32xf32, #tpu.memory_space<vmem>>
    %dma_wait3A_222 = tpu.memref_squeeze %dma_wait3A_221 : memref<1x50x32xf32, #tpu.memory_space<vmem>> -> memref<50x32xf32, #tpu.memory_space<vmem>>
    %dma_wait3A_223 = arith.constant 0 : i32
    %dma_wait3A_224 = tpu.memref_slice %arg5[%dma_wait3A_217, %dma_wait3A_223] : memref<512x50xi32, #tpu.memory_space<vmem>> -> memref<1x50xi32, #tpu.memory_space<vmem>>
    %dma_wait3A_225 = tpu.memref_squeeze %dma_wait3A_224 : memref<1x50xi32, #tpu.memory_space<vmem>> -> memref<50xi32, #tpu.memory_space<vmem>>
    %dma_wait3A_226 = arith.constant 0 : i32
    %dma_wait3A_227 = arith.constant 0 : i32
    %dma_wait3A_228 = tpu.memref_slice %arg2[%dma_wait3A_226, %dma_wait3A_227] : memref<1000x32xf32, #tpu.memory_space<hbm>> -> memref<1000x32xf32, #tpu.memory_space<hbm>>
    tpu.wait_indirect_dma semaphore(%arg8 : memref<!tpu.dma_semaphore, #tpu.memory_space<semaphore_mem>>) src(%dma_wait3A_228 : memref<1000x32xf32, #tpu.memory_space<hbm>>) dst(%dma_wait3A_222 : memref<50x32xf32, #tpu.memory_space<vmem>>)
    %dma_wait3A_229 = arith.constant 3 : i32
    %dma_wait3A_230 = arith.constant 3 : i32
    %dma_wait3A_231 = arith.constant 0 : i32
    %dma_wait3A_232 = arith.constant 0 : i32
    %dma_wait3A_233 = tpu.memref_slice %arg6[%dma_wait3A_230, %dma_wait3A_231, %dma_wait3A_232] : memref<16x50x32xf32, #tpu.memory_space<vmem>> -> memref<1x50x32xf32, #tpu.memory_space<vmem>>
    %dma_wait3A_234 = tpu.memref_squeeze %dma_wait3A_233 : memref<1x50x32xf32, #tpu.memory_space<vmem>> -> memref<50x32xf32, #tpu.memory_space<vmem>>
    %dma_wait3A_235 = arith.constant 0 : i32
    %dma_wait3A_236 = tpu.memref_slice %arg5[%dma_wait3A_229, %dma_wait3A_235] : memref<512x50xi32, #tpu.memory_space<vmem>> -> memref<1x50xi32, #tpu.memory_space<vmem>>
    %dma_wait3A_237 = tpu.memref_squeeze %dma_wait3A_236 : memref<1x50xi32, #tpu.memory_space<vmem>> -> memref<50xi32, #tpu.memory_space<vmem>>
    %dma_wait3A_238 = arith.constant 0 : i32
    %dma_wait3A_239 = arith.constant 0 : i32
    %dma_wait3A_240 = tpu.memref_slice %arg2[%dma_wait3A_238, %dma_wait3A_239] : memref<1000x32xf32, #tpu.memory_space<hbm>> -> memref<1000x32xf32, #tpu.memory_space<hbm>>
    tpu.wait_indirect_dma semaphore(%arg8 : memref<!tpu.dma_semaphore, #tpu.memory_space<semaphore_mem>>) src(%dma_wait3A_240 : memref<1000x32xf32, #tpu.memory_space<hbm>>) dst(%dma_wait3A_234 : memref<50x32xf32, #tpu.memory_space<vmem>>)
    %dma_wait3A_241 = arith.constant 4 : i32
    %dma_wait3A_242 = arith.constant 4 : i32
    %dma_wait3A_243 = arith.constant 0 : i32
    %dma_wait3A_244 = arith.constant 0 : i32
    %dma_wait3A_245 = tpu.memref_slice %arg6[%dma_wait3A_242, %dma_wait3A_243, %dma_wait3A_244] : memref<16x50x32xf32, #tpu.memory_space<vmem>> -> memref<1x50x32xf32, #tpu.memory_space<vmem>>
    %dma_wait3A_246 = tpu.memref_squeeze %dma_wait3A_245 : memref<1x50x32xf32, #tpu.memory_space<vmem>> -> memref<50x32xf32, #tpu.memory_space<vmem>>
    %dma_wait3A_247 = arith.constant 0 : i32
    %dma_wait3A_248 = tpu.memref_slice %arg5[%dma_wait3A_241, %dma_wait3A_247] : memref<512x50xi32, #tpu.memory_space<vmem>> -> memref<1x50xi32, #tpu.memory_space<vmem>>
    %dma_wait3A_249 = tpu.memref_squeeze %dma_wait3A_248 : memref<1x50xi32, #tpu.memory_space<vmem>> -> memref<50xi32, #tpu.memory_space<vmem>>
    %dma_wait3A_250 = arith.constant 0 : i32
    %dma_wait3A_251 = arith.constant 0 : i32
    %dma_wait3A_252 = tpu.memref_slice %arg2[%dma_wait3A_250, %dma_wait3A_251] : memref<1000x32xf32, #tpu.memory_space<hbm>> -> memref<1000x32xf32, #tpu.memory_space<hbm>>
    tpu.wait_indirect_dma semaphore(%arg8 : memref<!tpu.dma_semaphore, #tpu.memory_space<semaphore_mem>>) src(%dma_wait3A_252 : memref<1000x32xf32, #tpu.memory_space<hbm>>) dst(%dma_wait3A_246 : memref<50x32xf32, #tpu.memory_space<vmem>>)
    %dma_wait3A_253 = arith.constant 5 : i32
    %dma_wait3A_254 = arith.constant 5 : i32
    %dma_wait3A_255 = arith.constant 0 : i32
    %dma_wait3A_256 = arith.constant 0 : i32
    %dma_wait3A_257 = tpu.memref_slice %arg6[%dma_wait3A_254, %dma_wait3A_255, %dma_wait3A_256] : memref<16x50x32xf32, #tpu.memory_space<vmem>> -> memref<1x50x32xf32, #tpu.memory_space<vmem>>
    %dma_wait3A_258 = tpu.memref_squeeze %dma_wait3A_257 : memref<1x50x32xf32, #tpu.memory_space<vmem>> -> memref<50x32xf32, #tpu.memory_space<vmem>>
    %dma_wait3A_259 = arith.constant 0 : i32
    %dma_wait3A_260 = tpu.memref_slice %arg5[%dma_wait3A_253, %dma_wait3A_259] : memref<512x50xi32, #tpu.memory_space<vmem>> -> memref<1x50xi32, #tpu.memory_space<vmem>>
    %dma_wait3A_261 = tpu.memref_squeeze %dma_wait3A_260 : memref<1x50xi32, #tpu.memory_space<vmem>> -> memref<50xi32, #tpu.memory_space<vmem>>
    %dma_wait3A_262 = arith.constant 0 : i32
    %dma_wait3A_263 = arith.constant 0 : i32
    %dma_wait3A_264 = tpu.memref_slice %arg2[%dma_wait3A_262, %dma_wait3A_263] : memref<1000x32xf32, #tpu.memory_space<hbm>> -> memref<1000x32xf32, #tpu.memory_space<hbm>>
    tpu.wait_indirect_dma semaphore(%arg8 : memref<!tpu.dma_semaphore, #tpu.memory_space<semaphore_mem>>) src(%dma_wait3A_264 : memref<1000x32xf32, #tpu.memory_space<hbm>>) dst(%dma_wait3A_258 : memref<50x32xf32, #tpu.memory_space<vmem>>)
    %dma_wait3A_265 = arith.constant 6 : i32
    %dma_wait3A_266 = arith.constant 6 : i32
    %dma_wait3A_267 = arith.constant 0 : i32
    %dma_wait3A_268 = arith.constant 0 : i32
    %dma_wait3A_269 = tpu.memref_slice %arg6[%dma_wait3A_266, %dma_wait3A_267, %dma_wait3A_268] : memref<16x50x32xf32, #tpu.memory_space<vmem>> -> memref<1x50x32xf32, #tpu.memory_space<vmem>>
    %dma_wait3A_270 = tpu.memref_squeeze %dma_wait3A_269 : memref<1x50x32xf32, #tpu.memory_space<vmem>> -> memref<50x32xf32, #tpu.memory_space<vmem>>
    %dma_wait3A_271 = arith.constant 0 : i32
    %dma_wait3A_272 = tpu.memref_slice %arg5[%dma_wait3A_265, %dma_wait3A_271] : memref<512x50xi32, #tpu.memory_space<vmem>> -> memref<1x50xi32, #tpu.memory_space<vmem>>
    %dma_wait3A_273 = tpu.memref_squeeze %dma_wait3A_272 : memref<1x50xi32, #tpu.memory_space<vmem>> -> memref<50xi32, #tpu.memory_space<vmem>>
    %dma_wait3A_274 = arith.constant 0 : i32
    %dma_wait3A_275 = arith.constant 0 : i32
    %dma_wait3A_276 = tpu.memref_slice %arg2[%dma_wait3A_274, %dma_wait3A_275] : memref<1000x32xf32, #tpu.memory_space<hbm>> -> memref<1000x32xf32, #tpu.memory_space<hbm>>
    tpu.wait_indirect_dma semaphore(%arg8 : memref<!tpu.dma_semaphore, #tpu.memory_space<semaphore_mem>>) src(%dma_wait3A_276 : memref<1000x32xf32, #tpu.memory_space<hbm>>) dst(%dma_wait3A_270 : memref<50x32xf32, #tpu.memory_space<vmem>>)
    %dma_wait3A_277 = arith.constant 7 : i32
    %dma_wait3A_278 = arith.constant 7 : i32
    %dma_wait3A_279 = arith.constant 0 : i32
    %dma_wait3A_280 = arith.constant 0 : i32
    %dma_wait3A_281 = tpu.memref_slice %arg6[%dma_wait3A_278, %dma_wait3A_279, %dma_wait3A_280] : memref<16x50x32xf32, #tpu.memory_space<vmem>> -> memref<1x50x32xf32, #tpu.memory_space<vmem>>
    %dma_wait3A_282 = tpu.memref_squeeze %dma_wait3A_281 : memref<1x50x32xf32, #tpu.memory_space<vmem>> -> memref<50x32xf32, #tpu.memory_space<vmem>>
    %dma_wait3A_283 = arith.constant 0 : i32
    %dma_wait3A_284 = tpu.memref_slice %arg5[%dma_wait3A_277, %dma_wait3A_283] : memref<512x50xi32, #tpu.memory_space<vmem>> -> memref<1x50xi32, #tpu.memory_space<vmem>>
    %dma_wait3A_285 = tpu.memref_squeeze %dma_wait3A_284 : memref<1x50xi32, #tpu.memory_space<vmem>> -> memref<50xi32, #tpu.memory_space<vmem>>
    %dma_wait3A_286 = arith.constant 0 : i32
    %dma_wait3A_287 = arith.constant 0 : i32
    %dma_wait3A_288 = tpu.memref_slice %arg2[%dma_wait3A_286, %dma_wait3A_287] : memref<1000x32xf32, #tpu.memory_space<hbm>> -> memref<1000x32xf32, #tpu.memory_space<hbm>>
    tpu.wait_indirect_dma semaphore(%arg8 : memref<!tpu.dma_semaphore, #tpu.memory_space<semaphore_mem>>) src(%dma_wait3A_288 : memref<1000x32xf32, #tpu.memory_space<hbm>>) dst(%dma_wait3A_282 : memref<50x32xf32, #tpu.memory_space<vmem>>)
    %dma_wait3A_289 = arith.constant 8 : i32
    %dma_wait3A_290 = arith.constant 8 : i32
    %dma_wait3A_291 = arith.constant 0 : i32
    %dma_wait3A_292 = arith.constant 0 : i32
    %dma_wait3A_293 = tpu.memref_slice %arg6[%dma_wait3A_290, %dma_wait3A_291, %dma_wait3A_292] : memref<16x50x32xf32, #tpu.memory_space<vmem>> -> memref<1x50x32xf32, #tpu.memory_space<vmem>>
    %dma_wait3A_294 = tpu.memref_squeeze %dma_wait3A_293 : memref<1x50x32xf32, #tpu.memory_space<vmem>> -> memref<50x32xf32, #tpu.memory_space<vmem>>
    %dma_wait3A_295 = arith.constant 0 : i32
    %dma_wait3A_296 = tpu.memref_slice %arg5[%dma_wait3A_289, %dma_wait3A_295] : memref<512x50xi32, #tpu.memory_space<vmem>> -> memref<1x50xi32, #tpu.memory_space<vmem>>
    %dma_wait3A_297 = tpu.memref_squeeze %dma_wait3A_296 : memref<1x50xi32, #tpu.memory_space<vmem>> -> memref<50xi32, #tpu.memory_space<vmem>>
    %dma_wait3A_298 = arith.constant 0 : i32
    %dma_wait3A_299 = arith.constant 0 : i32
    %dma_wait3A_300 = tpu.memref_slice %arg2[%dma_wait3A_298, %dma_wait3A_299] : memref<1000x32xf32, #tpu.memory_space<hbm>> -> memref<1000x32xf32, #tpu.memory_space<hbm>>
    tpu.wait_indirect_dma semaphore(%arg8 : memref<!tpu.dma_semaphore, #tpu.memory_space<semaphore_mem>>) src(%dma_wait3A_300 : memref<1000x32xf32, #tpu.memory_space<hbm>>) dst(%dma_wait3A_294 : memref<50x32xf32, #tpu.memory_space<vmem>>)
    %dma_wait3A_301 = arith.constant 9 : i32
    %dma_wait3A_302 = arith.constant 9 : i32
    %dma_wait3A_303 = arith.constant 0 : i32
    %dma_wait3A_304 = arith.constant 0 : i32
    %dma_wait3A_305 = tpu.memref_slice %arg6[%dma_wait3A_302, %dma_wait3A_303, %dma_wait3A_304] : memref<16x50x32xf32, #tpu.memory_space<vmem>> -> memref<1x50x32xf32, #tpu.memory_space<vmem>>
    %dma_wait3A_306 = tpu.memref_squeeze %dma_wait3A_305 : memref<1x50x32xf32, #tpu.memory_space<vmem>> -> memref<50x32xf32, #tpu.memory_space<vmem>>
    %dma_wait3A_307 = arith.constant 0 : i32
    %dma_wait3A_308 = tpu.memref_slice %arg5[%dma_wait3A_301, %dma_wait3A_307] : memref<512x50xi32, #tpu.memory_space<vmem>> -> memref<1x50xi32, #tpu.memory_space<vmem>>
    %dma_wait3A_309 = tpu.memref_squeeze %dma_wait3A_308 : memref<1x50xi32, #tpu.memory_space<vmem>> -> memref<50xi32, #tpu.memory_space<vmem>>
    %dma_wait3A_310 = arith.constant 0 : i32
    %dma_wait3A_311 = arith.constant 0 : i32
    %dma_wait3A_312 = tpu.memref_slice %arg2[%dma_wait3A_310, %dma_wait3A_311] : memref<1000x32xf32, #tpu.memory_space<hbm>> -> memref<1000x32xf32, #tpu.memory_space<hbm>>
    tpu.wait_indirect_dma semaphore(%arg8 : memref<!tpu.dma_semaphore, #tpu.memory_space<semaphore_mem>>) src(%dma_wait3A_312 : memref<1000x32xf32, #tpu.memory_space<hbm>>) dst(%dma_wait3A_306 : memref<50x32xf32, #tpu.memory_space<vmem>>)
    %dma_wait3A_313 = arith.constant 10 : i32
    %dma_wait3A_314 = arith.constant 10 : i32
    %dma_wait3A_315 = arith.constant 0 : i32
    %dma_wait3A_316 = arith.constant 0 : i32
    %dma_wait3A_317 = tpu.memref_slice %arg6[%dma_wait3A_314, %dma_wait3A_315, %dma_wait3A_316] : memref<16x50x32xf32, #tpu.memory_space<vmem>> -> memref<1x50x32xf32, #tpu.memory_space<vmem>>
    %dma_wait3A_318 = tpu.memref_squeeze %dma_wait3A_317 : memref<1x50x32xf32, #tpu.memory_space<vmem>> -> memref<50x32xf32, #tpu.memory_space<vmem>>
    %dma_wait3A_319 = arith.constant 0 : i32
    %dma_wait3A_320 = tpu.memref_slice %arg5[%dma_wait3A_313, %dma_wait3A_319] : memref<512x50xi32, #tpu.memory_space<vmem>> -> memref<1x50xi32, #tpu.memory_space<vmem>>
    %dma_wait3A_321 = tpu.memref_squeeze %dma_wait3A_320 : memref<1x50xi32, #tpu.memory_space<vmem>> -> memref<50xi32, #tpu.memory_space<vmem>>
    %dma_wait3A_322 = arith.constant 0 : i32
    %dma_wait3A_323 = arith.constant 0 : i32
    %dma_wait3A_324 = tpu.memref_slice %arg2[%dma_wait3A_322, %dma_wait3A_323] : memref<1000x32xf32, #tpu.memory_space<hbm>> -> memref<1000x32xf32, #tpu.memory_space<hbm>>
    tpu.wait_indirect_dma semaphore(%arg8 : memref<!tpu.dma_semaphore, #tpu.memory_space<semaphore_mem>>) src(%dma_wait3A_324 : memref<1000x32xf32, #tpu.memory_space<hbm>>) dst(%dma_wait3A_318 : memref<50x32xf32, #tpu.memory_space<vmem>>)
    %dma_wait3A_325 = arith.constant 11 : i32
    %dma_wait3A_326 = arith.constant 11 : i32
    %dma_wait3A_327 = arith.constant 0 : i32
    %dma_wait3A_328 = arith.constant 0 : i32
    %dma_wait3A_329 = tpu.memref_slice %arg6[%dma_wait3A_326, %dma_wait3A_327, %dma_wait3A_328] : memref<16x50x32xf32, #tpu.memory_space<vmem>> -> memref<1x50x32xf32, #tpu.memory_space<vmem>>
    %dma_wait3A_330 = tpu.memref_squeeze %dma_wait3A_329 : memref<1x50x32xf32, #tpu.memory_space<vmem>> -> memref<50x32xf32, #tpu.memory_space<vmem>>
    %dma_wait3A_331 = arith.constant 0 : i32
    %dma_wait3A_332 = tpu.memref_slice %arg5[%dma_wait3A_325, %dma_wait3A_331] : memref<512x50xi32, #tpu.memory_space<vmem>> -> memref<1x50xi32, #tpu.memory_space<vmem>>
    %dma_wait3A_333 = tpu.memref_squeeze %dma_wait3A_332 : memref<1x50xi32, #tpu.memory_space<vmem>> -> memref<50xi32, #tpu.memory_space<vmem>>
    %dma_wait3A_334 = arith.constant 0 : i32
    %dma_wait3A_335 = arith.constant 0 : i32
    %dma_wait3A_336 = tpu.memref_slice %arg2[%dma_wait3A_334, %dma_wait3A_335] : memref<1000x32xf32, #tpu.memory_space<hbm>> -> memref<1000x32xf32, #tpu.memory_space<hbm>>
    tpu.wait_indirect_dma semaphore(%arg8 : memref<!tpu.dma_semaphore, #tpu.memory_space<semaphore_mem>>) src(%dma_wait3A_336 : memref<1000x32xf32, #tpu.memory_space<hbm>>) dst(%dma_wait3A_330 : memref<50x32xf32, #tpu.memory_space<vmem>>)
    %dma_wait3A_337 = arith.constant 12 : i32
    %dma_wait3A_338 = arith.constant 12 : i32
    %dma_wait3A_339 = arith.constant 0 : i32
    %dma_wait3A_340 = arith.constant 0 : i32
    %dma_wait3A_341 = tpu.memref_slice %arg6[%dma_wait3A_338, %dma_wait3A_339, %dma_wait3A_340] : memref<16x50x32xf32, #tpu.memory_space<vmem>> -> memref<1x50x32xf32, #tpu.memory_space<vmem>>
    %dma_wait3A_342 = tpu.memref_squeeze %dma_wait3A_341 : memref<1x50x32xf32, #tpu.memory_space<vmem>> -> memref<50x32xf32, #tpu.memory_space<vmem>>
    %dma_wait3A_343 = arith.constant 0 : i32
    %dma_wait3A_344 = tpu.memref_slice %arg5[%dma_wait3A_337, %dma_wait3A_343] : memref<512x50xi32, #tpu.memory_space<vmem>> -> memref<1x50xi32, #tpu.memory_space<vmem>>
    %dma_wait3A_345 = tpu.memref_squeeze %dma_wait3A_344 : memref<1x50xi32, #tpu.memory_space<vmem>> -> memref<50xi32, #tpu.memory_space<vmem>>
    %dma_wait3A_346 = arith.constant 0 : i32
    %dma_wait3A_347 = arith.constant 0 : i32
    %dma_wait3A_348 = tpu.memref_slice %arg2[%dma_wait3A_346, %dma_wait3A_347] : memref<1000x32xf32, #tpu.memory_space<hbm>> -> memref<1000x32xf32, #tpu.memory_space<hbm>>
    tpu.wait_indirect_dma semaphore(%arg8 : memref<!tpu.dma_semaphore, #tpu.memory_space<semaphore_mem>>) src(%dma_wait3A_348 : memref<1000x32xf32, #tpu.memory_space<hbm>>) dst(%dma_wait3A_342 : memref<50x32xf32, #tpu.memory_space<vmem>>)
    %dma_wait3A_349 = arith.constant 13 : i32
    %dma_wait3A_350 = arith.constant 13 : i32
    %dma_wait3A_351 = arith.constant 0 : i32
    %dma_wait3A_352 = arith.constant 0 : i32
    %dma_wait3A_353 = tpu.memref_slice %arg6[%dma_wait3A_350, %dma_wait3A_351, %dma_wait3A_352] : memref<16x50x32xf32, #tpu.memory_space<vmem>> -> memref<1x50x32xf32, #tpu.memory_space<vmem>>
    %dma_wait3A_354 = tpu.memref_squeeze %dma_wait3A_353 : memref<1x50x32xf32, #tpu.memory_space<vmem>> -> memref<50x32xf32, #tpu.memory_space<vmem>>
    %dma_wait3A_355 = arith.constant 0 : i32
    %dma_wait3A_356 = tpu.memref_slice %arg5[%dma_wait3A_349, %dma_wait3A_355] : memref<512x50xi32, #tpu.memory_space<vmem>> -> memref<1x50xi32, #tpu.memory_space<vmem>>
    %dma_wait3A_357 = tpu.memref_squeeze %dma_wait3A_356 : memref<1x50xi32, #tpu.memory_space<vmem>> -> memref<50xi32, #tpu.memory_space<vmem>>
    %dma_wait3A_358 = arith.constant 0 : i32
    %dma_wait3A_359 = arith.constant 0 : i32
    %dma_wait3A_360 = tpu.memref_slice %arg2[%dma_wait3A_358, %dma_wait3A_359] : memref<1000x32xf32, #tpu.memory_space<hbm>> -> memref<1000x32xf32, #tpu.memory_space<hbm>>
    tpu.wait_indirect_dma semaphore(%arg8 : memref<!tpu.dma_semaphore, #tpu.memory_space<semaphore_mem>>) src(%dma_wait3A_360 : memref<1000x32xf32, #tpu.memory_space<hbm>>) dst(%dma_wait3A_354 : memref<50x32xf32, #tpu.memory_space<vmem>>)
    %dma_wait3A_361 = arith.constant 14 : i32
    %dma_wait3A_362 = arith.constant 14 : i32
    %dma_wait3A_363 = arith.constant 0 : i32
    %dma_wait3A_364 = arith.constant 0 : i32
    %dma_wait3A_365 = tpu.memref_slice %arg6[%dma_wait3A_362, %dma_wait3A_363, %dma_wait3A_364] : memref<16x50x32xf32, #tpu.memory_space<vmem>> -> memref<1x50x32xf32, #tpu.memory_space<vmem>>
    %dma_wait3A_366 = tpu.memref_squeeze %dma_wait3A_365 : memref<1x50x32xf32, #tpu.memory_space<vmem>> -> memref<50x32xf32, #tpu.memory_space<vmem>>
    %dma_wait3A_367 = arith.constant 0 : i32
    %dma_wait3A_368 = tpu.memref_slice %arg5[%dma_wait3A_361, %dma_wait3A_367] : memref<512x50xi32, #tpu.memory_space<vmem>> -> memref<1x50xi32, #tpu.memory_space<vmem>>
    %dma_wait3A_369 = tpu.memref_squeeze %dma_wait3A_368 : memref<1x50xi32, #tpu.memory_space<vmem>> -> memref<50xi32, #tpu.memory_space<vmem>>
    %dma_wait3A_370 = arith.constant 0 : i32
    %dma_wait3A_371 = arith.constant 0 : i32
    %dma_wait3A_372 = tpu.memref_slice %arg2[%dma_wait3A_370, %dma_wait3A_371] : memref<1000x32xf32, #tpu.memory_space<hbm>> -> memref<1000x32xf32, #tpu.memory_space<hbm>>
    tpu.wait_indirect_dma semaphore(%arg8 : memref<!tpu.dma_semaphore, #tpu.memory_space<semaphore_mem>>) src(%dma_wait3A_372 : memref<1000x32xf32, #tpu.memory_space<hbm>>) dst(%dma_wait3A_366 : memref<50x32xf32, #tpu.memory_space<vmem>>)
    %dma_wait3A_373 = arith.constant 15 : i32
    %dma_wait3A_374 = arith.constant 15 : i32
    %dma_wait3A_375 = arith.constant 0 : i32
    %dma_wait3A_376 = arith.constant 0 : i32
    %dma_wait3A_377 = tpu.memref_slice %arg6[%dma_wait3A_374, %dma_wait3A_375, %dma_wait3A_376] : memref<16x50x32xf32, #tpu.memory_space<vmem>> -> memref<1x50x32xf32, #tpu.memory_space<vmem>>
    %dma_wait3A_378 = tpu.memref_squeeze %dma_wait3A_377 : memref<1x50x32xf32, #tpu.memory_space<vmem>> -> memref<50x32xf32, #tpu.memory_space<vmem>>
    %dma_wait3A_379 = arith.constant 0 : i32
    %dma_wait3A_380 = tpu.memref_slice %arg5[%dma_wait3A_373, %dma_wait3A_379] : memref<512x50xi32, #tpu.memory_space<vmem>> -> memref<1x50xi32, #tpu.memory_space<vmem>>
    %dma_wait3A_381 = tpu.memref_squeeze %dma_wait3A_380 : memref<1x50xi32, #tpu.memory_space<vmem>> -> memref<50xi32, #tpu.memory_space<vmem>>
    %dma_wait3A_382 = arith.constant 0 : i32
    %dma_wait3A_383 = arith.constant 0 : i32
    %dma_wait3A_384 = tpu.memref_slice %arg2[%dma_wait3A_382, %dma_wait3A_383] : memref<1000x32xf32, #tpu.memory_space<hbm>> -> memref<1000x32xf32, #tpu.memory_space<hbm>>
    tpu.wait_indirect_dma semaphore(%arg8 : memref<!tpu.dma_semaphore, #tpu.memory_space<semaphore_mem>>) src(%dma_wait3A_384 : memref<1000x32xf32, #tpu.memory_space<hbm>>) dst(%dma_wait3A_378 : memref<50x32xf32, #tpu.memory_space<vmem>>)
    %add3A_385 = arith.constant 0 : i32
    %add3A_386 = arith.addi %mul3A_2, %add3A_385 : i32
    %dma_start3A_387 = arith.constant 0 : i32
    %dma_start3A_388 = arith.constant 0 : i32
    %dma_start3A_389 = tpu.memref_slice %arg4[%add3A_386, %dma_start3A_387, %dma_start3A_388] : memref<16384x50x32xf32, #tpu.memory_space<hbm>> -> memref<16x50x32xf32, #tpu.memory_space<hbm>>
    %dma_start3A_390 = arith.constant 0 : i32
    %dma_start3A_391 = arith.constant 0 : i32
    %dma_start3A_392 = tpu.memref_slice %arg4[%add3A_386, %dma_start3A_390, %dma_start3A_391] : memref<16384x50x32xf32, #tpu.memory_space<hbm>> -> memref<16x50x32xf32, #tpu.memory_space<hbm>>
    tpu.enqueue_dma source(%arg6 : memref<16x50x32xf32, #tpu.memory_space<vmem>>) target(%dma_start3A_392 : memref<16x50x32xf32, #tpu.memory_space<hbm>>) target_semaphore(%arg9 : memref<!tpu.dma_semaphore, #tpu.memory_space<semaphore_mem>>)
    %dma_start3A_393 = arith.constant 16 : i32
    %dma_start3A_394 = arith.constant 0 : i32
    %dma_start3A_395 = arith.constant 0 : i32
    %dma_start3A_396 = arith.constant 0 : i32
    %dma_start3A_397 = tpu.memref_slice %arg7[%dma_start3A_394, %dma_start3A_395, %dma_start3A_396] : memref<16x50x32xf32, #tpu.memory_space<vmem>> -> memref<1x50x32xf32, #tpu.memory_space<vmem>>
    %dma_start3A_398 = tpu.memref_squeeze %dma_start3A_397 : memref<1x50x32xf32, #tpu.memory_space<vmem>> -> memref<50x32xf32, #tpu.memory_space<vmem>>
    %dma_start3A_399 = arith.constant 0 : i32
    %dma_start3A_400 = tpu.memref_slice %arg5[%dma_start3A_393, %dma_start3A_399] : memref<512x50xi32, #tpu.memory_space<vmem>> -> memref<1x50xi32, #tpu.memory_space<vmem>>
    %dma_start3A_401 = tpu.memref_squeeze %dma_start3A_400 : memref<1x50xi32, #tpu.memory_space<vmem>> -> memref<50xi32, #tpu.memory_space<vmem>>
    %dma_start3A_402 = arith.constant 0 : i32
    %dma_start3A_403 = arith.constant 0 : i32
    %dma_start3A_404 = tpu.memref_slice %arg2[%dma_start3A_402, %dma_start3A_403] : memref<1000x32xf32, #tpu.memory_space<hbm>> -> memref<1000x32xf32, #tpu.memory_space<hbm>>
    tpu.enqueue_indirect_dma source(%dma_start3A_404 : memref<1000x32xf32, #tpu.memory_space<hbm>>) target(%dma_start3A_398 : memref<50x32xf32, #tpu.memory_space<vmem>>) offsets(%dma_start3A_401 : memref<50xi32, #tpu.memory_space<vmem>>) semaphore(%arg8 : memref<!tpu.dma_semaphore, #tpu.memory_space<semaphore_mem>>)
    %dma_start3A_405 = arith.constant 17 : i32
    %dma_start3A_406 = arith.constant 1 : i32
    %dma_start3A_407 = arith.constant 0 : i32
    %dma_start3A_408 = arith.constant 0 : i32
    %dma_start3A_409 = tpu.memref_slice %arg7[%dma_start3A_406, %dma_start3A_407, %dma_start3A_408] : memref<16x50x32xf32, #tpu.memory_space<vmem>> -> memref<1x50x32xf32, #tpu.memory_space<vmem>>
    %dma_start3A_410 = tpu.memref_squeeze %dma_start3A_409 : memref<1x50x32xf32, #tpu.memory_space<vmem>> -> memref<50x32xf32, #tpu.memory_space<vmem>>
    %dma_start3A_411 = arith.constant 0 : i32
    %dma_start3A_412 = tpu.memref_slice %arg5[%dma_start3A_405, %dma_start3A_411] : memref<512x50xi32, #tpu.memory_space<vmem>> -> memref<1x50xi32, #tpu.memory_space<vmem>>
    %dma_start3A_413 = tpu.memref_squeeze %dma_start3A_412 : memref<1x50xi32, #tpu.memory_space<vmem>> -> memref<50xi32, #tpu.memory_space<vmem>>
    %dma_start3A_414 = arith.constant 0 : i32
    %dma_start3A_415 = arith.constant 0 : i32
    %dma_start3A_416 = tpu.memref_slice %arg2[%dma_start3A_414, %dma_start3A_415] : memref<1000x32xf32, #tpu.memory_space<hbm>> -> memref<1000x32xf32, #tpu.memory_space<hbm>>
    tpu.enqueue_indirect_dma source(%dma_start3A_416 : memref<1000x32xf32, #tpu.memory_space<hbm>>) target(%dma_start3A_410 : memref<50x32xf32, #tpu.memory_space<vmem>>) offsets(%dma_start3A_413 : memref<50xi32, #tpu.memory_space<vmem>>) semaphore(%arg8 : memref<!tpu.dma_semaphore, #tpu.memory_space<semaphore_mem>>)
    %dma_start3A_417 = arith.constant 18 : i32
    %dma_start3A_418 = arith.constant 2 : i32
    %dma_start3A_419 = arith.constant 0 : i32
    %dma_start3A_420 = arith.constant 0 : i32
    %dma_start3A_421 = tpu.memref_slice %arg7[%dma_start3A_418, %dma_start3A_419, %dma_start3A_420] : memref<16x50x32xf32, #tpu.memory_space<vmem>> -> memref<1x50x32xf32, #tpu.memory_space<vmem>>
    %dma_start3A_422 = tpu.memref_squeeze %dma_start3A_421 : memref<1x50x32xf32, #tpu.memory_space<vmem>> -> memref<50x32xf32, #tpu.memory_space<vmem>>
    %dma_start3A_423 = arith.constant 0 : i32
    %dma_start3A_424 = tpu.memref_slice %arg5[%dma_start3A_417, %dma_start3A_423] : memref<512x50xi32, #tpu.memory_space<vmem>> -> memref<1x50xi32, #tpu.memory_space<vmem>>
    %dma_start3A_425 = tpu.memref_squeeze %dma_start3A_424 : memref<1x50xi32, #tpu.memory_space<vmem>> -> memref<50xi32, #tpu.memory_space<vmem>>
    %dma_start3A_426 = arith.constant 0 : i32
    %dma_start3A_427 = arith.constant 0 : i32
    %dma_start3A_428 = tpu.memref_slice %arg2[%dma_start3A_426, %dma_start3A_427] : memref<1000x32xf32, #tpu.memory_space<hbm>> -> memref<1000x32xf32, #tpu.memory_space<hbm>>
    tpu.enqueue_indirect_dma source(%dma_start3A_428 : memref<1000x32xf32, #tpu.memory_space<hbm>>) target(%dma_start3A_422 : memref<50x32xf32, #tpu.memory_space<vmem>>) offsets(%dma_start3A_425 : memref<50xi32, #tpu.memory_space<vmem>>) semaphore(%arg8 : memref<!tpu.dma_semaphore, #tpu.memory_space<semaphore_mem>>)
    %dma_start3A_429 = arith.constant 19 : i32
    %dma_start3A_430 = arith.constant 3 : i32
    %dma_start3A_431 = arith.constant 0 : i32
    %dma_start3A_432 = arith.constant 0 : i32
    %dma_start3A_433 = tpu.memref_slice %arg7[%dma_start3A_430, %dma_start3A_431, %dma_start3A_432] : memref<16x50x32xf32, #tpu.memory_space<vmem>> -> memref<1x50x32xf32, #tpu.memory_space<vmem>>
    %dma_start3A_434 = tpu.memref_squeeze %dma_start3A_433 : memref<1x50x32xf32, #tpu.memory_space<vmem>> -> memref<50x32xf32, #tpu.memory_space<vmem>>
    %dma_start3A_435 = arith.constant 0 : i32
    %dma_start3A_436 = tpu.memref_slice %arg5[%dma_start3A_429, %dma_start3A_435] : memref<512x50xi32, #tpu.memory_space<vmem>> -> memref<1x50xi32, #tpu.memory_space<vmem>>
    %dma_start3A_437 = tpu.memref_squeeze %dma_start3A_436 : memref<1x50xi32, #tpu.memory_space<vmem>> -> memref<50xi32, #tpu.memory_space<vmem>>
    %dma_start3A_438 = arith.constant 0 : i32
    %dma_start3A_439 = arith.constant 0 : i32
    %dma_start3A_440 = tpu.memref_slice %arg2[%dma_start3A_438, %dma_start3A_439] : memref<1000x32xf32, #tpu.memory_space<hbm>> -> memref<1000x32xf32, #tpu.memory_space<hbm>>
    tpu.enqueue_indirect_dma source(%dma_start3A_440 : memref<1000x32xf32, #tpu.memory_space<hbm>>) target(%dma_start3A_434 : memref<50x32xf32, #tpu.memory_space<vmem>>) offsets(%dma_start3A_437 : memref<50xi32, #tpu.memory_space<vmem>>) semaphore(%arg8 : memref<!tpu.dma_semaphore, #tpu.memory_space<semaphore_mem>>)
    %dma_start3A_441 = arith.constant 20 : i32
    %dma_start3A_442 = arith.constant 4 : i32
    %dma_start3A_443 = arith.constant 0 : i32
    %dma_start3A_444 = arith.constant 0 : i32
    %dma_start3A_445 = tpu.memref_slice %arg7[%dma_start3A_442, %dma_start3A_443, %dma_start3A_444] : memref<16x50x32xf32, #tpu.memory_space<vmem>> -> memref<1x50x32xf32, #tpu.memory_space<vmem>>
    %dma_start3A_446 = tpu.memref_squeeze %dma_start3A_445 : memref<1x50x32xf32, #tpu.memory_space<vmem>> -> memref<50x32xf32, #tpu.memory_space<vmem>>
    %dma_start3A_447 = arith.constant 0 : i32
    %dma_start3A_448 = tpu.memref_slice %arg5[%dma_start3A_441, %dma_start3A_447] : memref<512x50xi32, #tpu.memory_space<vmem>> -> memref<1x50xi32, #tpu.memory_space<vmem>>
    %dma_start3A_449 = tpu.memref_squeeze %dma_start3A_448 : memref<1x50xi32, #tpu.memory_space<vmem>> -> memref<50xi32, #tpu.memory_space<vmem>>
    %dma_start3A_450 = arith.constant 0 : i32
    %dma_start3A_451 = arith.constant 0 : i32
    %dma_start3A_452 = tpu.memref_slice %arg2[%dma_start3A_450, %dma_start3A_451] : memref<1000x32xf32, #tpu.memory_space<hbm>> -> memref<1000x32xf32, #tpu.memory_space<hbm>>
    tpu.enqueue_indirect_dma source(%dma_start3A_452 : memref<1000x32xf32, #tpu.memory_space<hbm>>) target(%dma_start3A_446 : memref<50x32xf32, #tpu.memory_space<vmem>>) offsets(%dma_start3A_449 : memref<50xi32, #tpu.memory_space<vmem>>) semaphore(%arg8 : memref<!tpu.dma_semaphore, #tpu.memory_space<semaphore_mem>>)
    %dma_start3A_453 = arith.constant 21 : i32
    %dma_start3A_454 = arith.constant 5 : i32
    %dma_start3A_455 = arith.constant 0 : i32
    %dma_start3A_456 = arith.constant 0 : i32
    %dma_start3A_457 = tpu.memref_slice %arg7[%dma_start3A_454, %dma_start3A_455, %dma_start3A_456] : memref<16x50x32xf32, #tpu.memory_space<vmem>> -> memref<1x50x32xf32, #tpu.memory_space<vmem>>
    %dma_start3A_458 = tpu.memref_squeeze %dma_start3A_457 : memref<1x50x32xf32, #tpu.memory_space<vmem>> -> memref<50x32xf32, #tpu.memory_space<vmem>>
    %dma_start3A_459 = arith.constant 0 : i32
    %dma_start3A_460 = tpu.memref_slice %arg5[%dma_start3A_453, %dma_start3A_459] : memref<512x50xi32, #tpu.memory_space<vmem>> -> memref<1x50xi32, #tpu.memory_space<vmem>>
    %dma_start3A_461 = tpu.memref_squeeze %dma_start3A_460 : memref<1x50xi32, #tpu.memory_space<vmem>> -> memref<50xi32, #tpu.memory_space<vmem>>
    %dma_start3A_462 = arith.constant 0 : i32
    %dma_start3A_463 = arith.constant 0 : i32
    %dma_start3A_464 = tpu.memref_slice %arg2[%dma_start3A_462, %dma_start3A_463] : memref<1000x32xf32, #tpu.memory_space<hbm>> -> memref<1000x32xf32, #tpu.memory_space<hbm>>
    tpu.enqueue_indirect_dma source(%dma_start3A_464 : memref<1000x32xf32, #tpu.memory_space<hbm>>) target(%dma_start3A_458 : memref<50x32xf32, #tpu.memory_space<vmem>>) offsets(%dma_start3A_461 : memref<50xi32, #tpu.memory_space<vmem>>) semaphore(%arg8 : memref<!tpu.dma_semaphore, #tpu.memory_space<semaphore_mem>>)
    %dma_start3A_465 = arith.constant 22 : i32
    %dma_start3A_466 = arith.constant 6 : i32
    %dma_start3A_467 = arith.constant 0 : i32
    %dma_start3A_468 = arith.constant 0 : i32
    %dma_start3A_469 = tpu.memref_slice %arg7[%dma_start3A_466, %dma_start3A_467, %dma_start3A_468] : memref<16x50x32xf32, #tpu.memory_space<vmem>> -> memref<1x50x32xf32, #tpu.memory_space<vmem>>
    %dma_start3A_470 = tpu.memref_squeeze %dma_start3A_469 : memref<1x50x32xf32, #tpu.memory_space<vmem>> -> memref<50x32xf32, #tpu.memory_space<vmem>>
    %dma_start3A_471 = arith.constant 0 : i32
    %dma_start3A_472 = tpu.memref_slice %arg5[%dma_start3A_465, %dma_start3A_471] : memref<512x50xi32, #tpu.memory_space<vmem>> -> memref<1x50xi32, #tpu.memory_space<vmem>>
    %dma_start3A_473 = tpu.memref_squeeze %dma_start3A_472 : memref<1x50xi32, #tpu.memory_space<vmem>> -> memref<50xi32, #tpu.memory_space<vmem>>
    %dma_start3A_474 = arith.constant 0 : i32
    %dma_start3A_475 = arith.constant 0 : i32
    %dma_start3A_476 = tpu.memref_slice %arg2[%dma_start3A_474, %dma_start3A_475] : memref<1000x32xf32, #tpu.memory_space<hbm>> -> memref<1000x32xf32, #tpu.memory_space<hbm>>
    tpu.enqueue_indirect_dma source(%dma_start3A_476 : memref<1000x32xf32, #tpu.memory_space<hbm>>) target(%dma_start3A_470 : memref<50x32xf32, #tpu.memory_space<vmem>>) offsets(%dma_start3A_473 : memref<50xi32, #tpu.memory_space<vmem>>) semaphore(%arg8 : memref<!tpu.dma_semaphore, #tpu.memory_space<semaphore_mem>>)
    %dma_start3A_477 = arith.constant 23 : i32
    %dma_start3A_478 = arith.constant 7 : i32
    %dma_start3A_479 = arith.constant 0 : i32
    %dma_start3A_480 = arith.constant 0 : i32
    %dma_start3A_481 = tpu.memref_slice %arg7[%dma_start3A_478, %dma_start3A_479, %dma_start3A_480] : memref<16x50x32xf32, #tpu.memory_space<vmem>> -> memref<1x50x32xf32, #tpu.memory_space<vmem>>
    %dma_start3A_482 = tpu.memref_squeeze %dma_start3A_481 : memref<1x50x32xf32, #tpu.memory_space<vmem>> -> memref<50x32xf32, #tpu.memory_space<vmem>>
    %dma_start3A_483 = arith.constant 0 : i32
    %dma_start3A_484 = tpu.memref_slice %arg5[%dma_start3A_477, %dma_start3A_483] : memref<512x50xi32, #tpu.memory_space<vmem>> -> memref<1x50xi32, #tpu.memory_space<vmem>>
    %dma_start3A_485 = tpu.memref_squeeze %dma_start3A_484 : memref<1x50xi32, #tpu.memory_space<vmem>> -> memref<50xi32, #tpu.memory_space<vmem>>
    %dma_start3A_486 = arith.constant 0 : i32
    %dma_start3A_487 = arith.constant 0 : i32
    %dma_start3A_488 = tpu.memref_slice %arg2[%dma_start3A_486, %dma_start3A_487] : memref<1000x32xf32, #tpu.memory_space<hbm>> -> memref<1000x32xf32, #tpu.memory_space<hbm>>
    tpu.enqueue_indirect_dma source(%dma_start3A_488 : memref<1000x32xf32, #tpu.memory_space<hbm>>) target(%dma_start3A_482 : memref<50x32xf32, #tpu.memory_space<vmem>>) offsets(%dma_start3A_485 : memref<50xi32, #tpu.memory_space<vmem>>) semaphore(%arg8 : memref<!tpu.dma_semaphore, #tpu.memory_space<semaphore_mem>>)
    %dma_start3A_489 = arith.constant 24 : i32
    %dma_start3A_490 = arith.constant 8 : i32
    %dma_start3A_491 = arith.constant 0 : i32
    %dma_start3A_492 = arith.constant 0 : i32
    %dma_start3A_493 = tpu.memref_slice %arg7[%dma_start3A_490, %dma_start3A_491, %dma_start3A_492] : memref<16x50x32xf32, #tpu.memory_space<vmem>> -> memref<1x50x32xf32, #tpu.memory_space<vmem>>
    %dma_start3A_494 = tpu.memref_squeeze %dma_start3A_493 : memref<1x50x32xf32, #tpu.memory_space<vmem>> -> memref<50x32xf32, #tpu.memory_space<vmem>>
    %dma_start3A_495 = arith.constant 0 : i32
    %dma_start3A_496 = tpu.memref_slice %arg5[%dma_start3A_489, %dma_start3A_495] : memref<512x50xi32, #tpu.memory_space<vmem>> -> memref<1x50xi32, #tpu.memory_space<vmem>>
    %dma_start3A_497 = tpu.memref_squeeze %dma_start3A_496 : memref<1x50xi32, #tpu.memory_space<vmem>> -> memref<50xi32, #tpu.memory_space<vmem>>
    %dma_start3A_498 = arith.constant 0 : i32
    %dma_start3A_499 = arith.constant 0 : i32
    %dma_start3A_500 = tpu.memref_slice %arg2[%dma_start3A_498, %dma_start3A_499] : memref<1000x32xf32, #tpu.memory_space<hbm>> -> memref<1000x32xf32, #tpu.memory_space<hbm>>
    tpu.enqueue_indirect_dma source(%dma_start3A_500 : memref<1000x32xf32, #tpu.memory_space<hbm>>) target(%dma_start3A_494 : memref<50x32xf32, #tpu.memory_space<vmem>>) offsets(%dma_start3A_497 : memref<50xi32, #tpu.memory_space<vmem>>) semaphore(%arg8 : memref<!tpu.dma_semaphore, #tpu.memory_space<semaphore_mem>>)
    %dma_start3A_501 = arith.constant 25 : i32
    %dma_start3A_502 = arith.constant 9 : i32
    %dma_start3A_503 = arith.constant 0 : i32
    %dma_start3A_504 = arith.constant 0 : i32
    %dma_start3A_505 = tpu.memref_slice %arg7[%dma_start3A_502, %dma_start3A_503, %dma_start3A_504] : memref<16x50x32xf32, #tpu.memory_space<vmem>> -> memref<1x50x32xf32, #tpu.memory_space<vmem>>
    %dma_start3A_506 = tpu.memref_squeeze %dma_start3A_505 : memref<1x50x32xf32, #tpu.memory_space<vmem>> -> memref<50x32xf32, #tpu.memory_space<vmem>>
    %dma_start3A_507 = arith.constant 0 : i32
    %dma_start3A_508 = tpu.memref_slice %arg5[%dma_start3A_501, %dma_start3A_507] : memref<512x50xi32, #tpu.memory_space<vmem>> -> memref<1x50xi32, #tpu.memory_space<vmem>>
    %dma_start3A_509 = tpu.memref_squeeze %dma_start3A_508 : memref<1x50xi32, #tpu.memory_space<vmem>> -> memref<50xi32, #tpu.memory_space<vmem>>
    %dma_start3A_510 = arith.constant 0 : i32
    %dma_start3A_511 = arith.constant 0 : i32
    %dma_start3A_512 = tpu.memref_slice %arg2[%dma_start3A_510, %dma_start3A_511] : memref<1000x32xf32, #tpu.memory_space<hbm>> -> memref<1000x32xf32, #tpu.memory_space<hbm>>
    tpu.enqueue_indirect_dma source(%dma_start3A_512 : memref<1000x32xf32, #tpu.memory_space<hbm>>) target(%dma_start3A_506 : memref<50x32xf32, #tpu.memory_space<vmem>>) offsets(%dma_start3A_509 : memref<50xi32, #tpu.memory_space<vmem>>) semaphore(%arg8 : memref<!tpu.dma_semaphore, #tpu.memory_space<semaphore_mem>>)
    %dma_start3A_513 = arith.constant 26 : i32
    %dma_start3A_514 = arith.constant 10 : i32
    %dma_start3A_515 = arith.constant 0 : i32
    %dma_start3A_516 = arith.constant 0 : i32
    %dma_start3A_517 = tpu.memref_slice %arg7[%dma_start3A_514, %dma_start3A_515, %dma_start3A_516] : memref<16x50x32xf32, #tpu.memory_space<vmem>> -> memref<1x50x32xf32, #tpu.memory_space<vmem>>
    %dma_start3A_518 = tpu.memref_squeeze %dma_start3A_517 : memref<1x50x32xf32, #tpu.memory_space<vmem>> -> memref<50x32xf32, #tpu.memory_space<vmem>>
    %dma_start3A_519 = arith.constant 0 : i32
    %dma_start3A_520 = tpu.memref_slice %arg5[%dma_start3A_513, %dma_start3A_519] : memref<512x50xi32, #tpu.memory_space<vmem>> -> memref<1x50xi32, #tpu.memory_space<vmem>>
    %dma_start3A_521 = tpu.memref_squeeze %dma_start3A_520 : memref<1x50xi32, #tpu.memory_space<vmem>> -> memref<50xi32, #tpu.memory_space<vmem>>
    %dma_start3A_522 = arith.constant 0 : i32
    %dma_start3A_523 = arith.constant 0 : i32
    %dma_start3A_524 = tpu.memref_slice %arg2[%dma_start3A_522, %dma_start3A_523] : memref<1000x32xf32, #tpu.memory_space<hbm>> -> memref<1000x32xf32, #tpu.memory_space<hbm>>
    tpu.enqueue_indirect_dma source(%dma_start3A_524 : memref<1000x32xf32, #tpu.memory_space<hbm>>) target(%dma_start3A_518 : memref<50x32xf32, #tpu.memory_space<vmem>>) offsets(%dma_start3A_521 : memref<50xi32, #tpu.memory_space<vmem>>) semaphore(%arg8 : memref<!tpu.dma_semaphore, #tpu.memory_space<semaphore_mem>>)
    %dma_start3A_525 = arith.constant 27 : i32
    %dma_start3A_526 = arith.constant 11 : i32
    %dma_start3A_527 = arith.constant 0 : i32
    %dma_start3A_528 = arith.constant 0 : i32
    %dma_start3A_529 = tpu.memref_slice %arg7[%dma_start3A_526, %dma_start3A_527, %dma_start3A_528] : memref<16x50x32xf32, #tpu.memory_space<vmem>> -> memref<1x50x32xf32, #tpu.memory_space<vmem>>
    %dma_start3A_530 = tpu.memref_squeeze %dma_start3A_529 : memref<1x50x32xf32, #tpu.memory_space<vmem>> -> memref<50x32xf32, #tpu.memory_space<vmem>>
    %dma_start3A_531 = arith.constant 0 : i32
    %dma_start3A_532 = tpu.memref_slice %arg5[%dma_start3A_525, %dma_start3A_531] : memref<512x50xi32, #tpu.memory_space<vmem>> -> memref<1x50xi32, #tpu.memory_space<vmem>>
    %dma_start3A_533 = tpu.memref_squeeze %dma_start3A_532 : memref<1x50xi32, #tpu.memory_space<vmem>> -> memref<50xi32, #tpu.memory_space<vmem>>
    %dma_start3A_534 = arith.constant 0 : i32
    %dma_start3A_535 = arith.constant 0 : i32
    %dma_start3A_536 = tpu.memref_slice %arg2[%dma_start3A_534, %dma_start3A_535] : memref<1000x32xf32, #tpu.memory_space<hbm>> -> memref<1000x32xf32, #tpu.memory_space<hbm>>
    tpu.enqueue_indirect_dma source(%dma_start3A_536 : memref<1000x32xf32, #tpu.memory_space<hbm>>) target(%dma_start3A_530 : memref<50x32xf32, #tpu.memory_space<vmem>>) offsets(%dma_start3A_533 : memref<50xi32, #tpu.memory_space<vmem>>) semaphore(%arg8 : memref<!tpu.dma_semaphore, #tpu.memory_space<semaphore_mem>>)
    %dma_start3A_537 = arith.constant 28 : i32
    %dma_start3A_538 = arith.constant 12 : i32
    %dma_start3A_539 = arith.constant 0 : i32
    %dma_start3A_540 = arith.constant 0 : i32
    %dma_start3A_541 = tpu.memref_slice %arg7[%dma_start3A_538, %dma_start3A_539, %dma_start3A_540] : memref<16x50x32xf32, #tpu.memory_space<vmem>> -> memref<1x50x32xf32, #tpu.memory_space<vmem>>
    %dma_start3A_542 = tpu.memref_squeeze %dma_start3A_541 : memref<1x50x32xf32, #tpu.memory_space<vmem>> -> memref<50x32xf32, #tpu.memory_space<vmem>>
    %dma_start3A_543 = arith.constant 0 : i32
    %dma_start3A_544 = tpu.memref_slice %arg5[%dma_start3A_537, %dma_start3A_543] : memref<512x50xi32, #tpu.memory_space<vmem>> -> memref<1x50xi32, #tpu.memory_space<vmem>>
    %dma_start3A_545 = tpu.memref_squeeze %dma_start3A_544 : memref<1x50xi32, #tpu.memory_space<vmem>> -> memref<50xi32, #tpu.memory_space<vmem>>
    %dma_start3A_546 = arith.constant 0 : i32
    %dma_start3A_547 = arith.constant 0 : i32
    %dma_start3A_548 = tpu.memref_slice %arg2[%dma_start3A_546, %dma_start3A_547] : memref<1000x32xf32, #tpu.memory_space<hbm>> -> memref<1000x32xf32, #tpu.memory_space<hbm>>
    tpu.enqueue_indirect_dma source(%dma_start3A_548 : memref<1000x32xf32, #tpu.memory_space<hbm>>) target(%dma_start3A_542 : memref<50x32xf32, #tpu.memory_space<vmem>>) offsets(%dma_start3A_545 : memref<50xi32, #tpu.memory_space<vmem>>) semaphore(%arg8 : memref<!tpu.dma_semaphore, #tpu.memory_space<semaphore_mem>>)
    %dma_start3A_549 = arith.constant 29 : i32
    %dma_start3A_550 = arith.constant 13 : i32
    %dma_start3A_551 = arith.constant 0 : i32
    %dma_start3A_552 = arith.constant 0 : i32
    %dma_start3A_553 = tpu.memref_slice %arg7[%dma_start3A_550, %dma_start3A_551, %dma_start3A_552] : memref<16x50x32xf32, #tpu.memory_space<vmem>> -> memref<1x50x32xf32, #tpu.memory_space<vmem>>
    %dma_start3A_554 = tpu.memref_squeeze %dma_start3A_553 : memref<1x50x32xf32, #tpu.memory_space<vmem>> -> memref<50x32xf32, #tpu.memory_space<vmem>>
    %dma_start3A_555 = arith.constant 0 : i32
    %dma_start3A_556 = tpu.memref_slice %arg5[%dma_start3A_549, %dma_start3A_555] : memref<512x50xi32, #tpu.memory_space<vmem>> -> memref<1x50xi32, #tpu.memory_space<vmem>>
    %dma_start3A_557 = tpu.memref_squeeze %dma_start3A_556 : memref<1x50xi32, #tpu.memory_space<vmem>> -> memref<50xi32, #tpu.memory_space<vmem>>
    %dma_start3A_558 = arith.constant 0 : i32
    %dma_start3A_559 = arith.constant 0 : i32
    %dma_start3A_560 = tpu.memref_slice %arg2[%dma_start3A_558, %dma_start3A_559] : memref<1000x32xf32, #tpu.memory_space<hbm>> -> memref<1000x32xf32, #tpu.memory_space<hbm>>
    tpu.enqueue_indirect_dma source(%dma_start3A_560 : memref<1000x32xf32, #tpu.memory_space<hbm>>) target(%dma_start3A_554 : memref<50x32xf32, #tpu.memory_space<vmem>>) offsets(%dma_start3A_557 : memref<50xi32, #tpu.memory_space<vmem>>) semaphore(%arg8 : memref<!tpu.dma_semaphore, #tpu.memory_space<semaphore_mem>>)
    %dma_start3A_561 = arith.constant 30 : i32
    %dma_start3A_562 = arith.constant 14 : i32
    %dma_start3A_563 = arith.constant 0 : i32
    %dma_start3A_564 = arith.constant 0 : i32
    %dma_start3A_565 = tpu.memref_slice %arg7[%dma_start3A_562, %dma_start3A_563, %dma_start3A_564] : memref<16x50x32xf32, #tpu.memory_space<vmem>> -> memref<1x50x32xf32, #tpu.memory_space<vmem>>
    %dma_start3A_566 = tpu.memref_squeeze %dma_start3A_565 : memref<1x50x32xf32, #tpu.memory_space<vmem>> -> memref<50x32xf32, #tpu.memory_space<vmem>>
    %dma_start3A_567 = arith.constant 0 : i32
    %dma_start3A_568 = tpu.memref_slice %arg5[%dma_start3A_561, %dma_start3A_567] : memref<512x50xi32, #tpu.memory_space<vmem>> -> memref<1x50xi32, #tpu.memory_space<vmem>>
    %dma_start3A_569 = tpu.memref_squeeze %dma_start3A_568 : memref<1x50xi32, #tpu.memory_space<vmem>> -> memref<50xi32, #tpu.memory_space<vmem>>
    %dma_start3A_570 = arith.constant 0 : i32
    %dma_start3A_571 = arith.constant 0 : i32
    %dma_start3A_572 = tpu.memref_slice %arg2[%dma_start3A_570, %dma_start3A_571] : memref<1000x32xf32, #tpu.memory_space<hbm>> -> memref<1000x32xf32, #tpu.memory_space<hbm>>
    tpu.enqueue_indirect_dma source(%dma_start3A_572 : memref<1000x32xf32, #tpu.memory_space<hbm>>) target(%dma_start3A_566 : memref<50x32xf32, #tpu.memory_space<vmem>>) offsets(%dma_start3A_569 : memref<50xi32, #tpu.memory_space<vmem>>) semaphore(%arg8 : memref<!tpu.dma_semaphore, #tpu.memory_space<semaphore_mem>>)
    %dma_start3A_573 = arith.constant 31 : i32
    %dma_start3A_574 = arith.constant 15 : i32
    %dma_start3A_575 = arith.constant 0 : i32
    %dma_start3A_576 = arith.constant 0 : i32
    %dma_start3A_577 = tpu.memref_slice %arg7[%dma_start3A_574, %dma_start3A_575, %dma_start3A_576] : memref<16x50x32xf32, #tpu.memory_space<vmem>> -> memref<1x50x32xf32, #tpu.memory_space<vmem>>
    %dma_start3A_578 = tpu.memref_squeeze %dma_start3A_577 : memref<1x50x32xf32, #tpu.memory_space<vmem>> -> memref<50x32xf32, #tpu.memory_space<vmem>>
    %dma_start3A_579 = arith.constant 0 : i32
    %dma_start3A_580 = tpu.memref_slice %arg5[%dma_start3A_573, %dma_start3A_579] : memref<512x50xi32, #tpu.memory_space<vmem>> -> memref<1x50xi32, #tpu.memory_space<vmem>>
    %dma_start3A_581 = tpu.memref_squeeze %dma_start3A_580 : memref<1x50xi32, #tpu.memory_space<vmem>> -> memref<50xi32, #tpu.memory_space<vmem>>
    %dma_start3A_582 = arith.constant 0 : i32
    %dma_start3A_583 = arith.constant 0 : i32
    %dma_start3A_584 = tpu.memref_slice %arg2[%dma_start3A_582, %dma_start3A_583] : memref<1000x32xf32, #tpu.memory_space<hbm>> -> memref<1000x32xf32, #tpu.memory_space<hbm>>
    tpu.enqueue_indirect_dma source(%dma_start3A_584 : memref<1000x32xf32, #tpu.memory_space<hbm>>) target(%dma_start3A_578 : memref<50x32xf32, #tpu.memory_space<vmem>>) offsets(%dma_start3A_581 : memref<50xi32, #tpu.memory_space<vmem>>) semaphore(%arg8 : memref<!tpu.dma_semaphore, #tpu.memory_space<semaphore_mem>>)
    %dma_wait3A_585 = arith.constant 16 : i32
    %dma_wait3A_586 = arith.constant 0 : i32
    %dma_wait3A_587 = arith.constant 0 : i32
    %dma_wait3A_588 = arith.constant 0 : i32
    %dma_wait3A_589 = tpu.memref_slice %arg7[%dma_wait3A_586, %dma_wait3A_587, %dma_wait3A_588] : memref<16x50x32xf32, #tpu.memory_space<vmem>> -> memref<1x50x32xf32, #tpu.memory_space<vmem>>
    %dma_wait3A_590 = tpu.memref_squeeze %dma_wait3A_589 : memref<1x50x32xf32, #tpu.memory_space<vmem>> -> memref<50x32xf32, #tpu.memory_space<vmem>>
    %dma_wait3A_591 = arith.constant 0 : i32
    %dma_wait3A_592 = tpu.memref_slice %arg5[%dma_wait3A_585, %dma_wait3A_591] : memref<512x50xi32, #tpu.memory_space<vmem>> -> memref<1x50xi32, #tpu.memory_space<vmem>>
    %dma_wait3A_593 = tpu.memref_squeeze %dma_wait3A_592 : memref<1x50xi32, #tpu.memory_space<vmem>> -> memref<50xi32, #tpu.memory_space<vmem>>
    %dma_wait3A_594 = arith.constant 0 : i32
    %dma_wait3A_595 = arith.constant 0 : i32
    %dma_wait3A_596 = tpu.memref_slice %arg2[%dma_wait3A_594, %dma_wait3A_595] : memref<1000x32xf32, #tpu.memory_space<hbm>> -> memref<1000x32xf32, #tpu.memory_space<hbm>>
    tpu.wait_indirect_dma semaphore(%arg8 : memref<!tpu.dma_semaphore, #tpu.memory_space<semaphore_mem>>) src(%dma_wait3A_596 : memref<1000x32xf32, #tpu.memory_space<hbm>>) dst(%dma_wait3A_590 : memref<50x32xf32, #tpu.memory_space<vmem>>)
    %dma_wait3A_597 = arith.constant 17 : i32
    %dma_wait3A_598 = arith.constant 1 : i32
    %dma_wait3A_599 = arith.constant 0 : i32
    %dma_wait3A_600 = arith.constant 0 : i32
    %dma_wait3A_601 = tpu.memref_slice %arg7[%dma_wait3A_598, %dma_wait3A_599, %dma_wait3A_600] : memref<16x50x32xf32, #tpu.memory_space<vmem>> -> memref<1x50x32xf32, #tpu.memory_space<vmem>>
    %dma_wait3A_602 = tpu.memref_squeeze %dma_wait3A_601 : memref<1x50x32xf32, #tpu.memory_space<vmem>> -> memref<50x32xf32, #tpu.memory_space<vmem>>
    %dma_wait3A_603 = arith.constant 0 : i32
    %dma_wait3A_604 = tpu.memref_slice %arg5[%dma_wait3A_597, %dma_wait3A_603] : memref<512x50xi32, #tpu.memory_space<vmem>> -> memref<1x50xi32, #tpu.memory_space<vmem>>
    %dma_wait3A_605 = tpu.memref_squeeze %dma_wait3A_604 : memref<1x50xi32, #tpu.memory_space<vmem>> -> memref<50xi32, #tpu.memory_space<vmem>>
    %dma_wait3A_606 = arith.constant 0 : i32
    %dma_wait3A_607 = arith.constant 0 : i32
    %dma_wait3A_608 = tpu.memref_slice %arg2[%dma_wait3A_606, %dma_wait3A_607] : memref<1000x32xf32, #tpu.memory_space<hbm>> -> memref<1000x32xf32, #tpu.memory_space<hbm>>
    tpu.wait_indirect_dma semaphore(%arg8 : memref<!tpu.dma_semaphore, #tpu.memory_space<semaphore_mem>>) src(%dma_wait3A_608 : memref<1000x32xf32, #tpu.memory_space<hbm>>) dst(%dma_wait3A_602 : memref<50x32xf32, #tpu.memory_space<vmem>>)
    %dma_wait3A_609 = arith.constant 18 : i32
    %dma_wait3A_610 = arith.constant 2 : i32
    %dma_wait3A_611 = arith.constant 0 : i32
    %dma_wait3A_612 = arith.constant 0 : i32
    %dma_wait3A_613 = tpu.memref_slice %arg7[%dma_wait3A_610, %dma_wait3A_611, %dma_wait3A_612] : memref<16x50x32xf32, #tpu.memory_space<vmem>> -> memref<1x50x32xf32, #tpu.memory_space<vmem>>
    %dma_wait3A_614 = tpu.memref_squeeze %dma_wait3A_613 : memref<1x50x32xf32, #tpu.memory_space<vmem>> -> memref<50x32xf32, #tpu.memory_space<vmem>>
    %dma_wait3A_615 = arith.constant 0 : i32
    %dma_wait3A_616 = tpu.memref_slice %arg5[%dma_wait3A_609, %dma_wait3A_615] : memref<512x50xi32, #tpu.memory_space<vmem>> -> memref<1x50xi32, #tpu.memory_space<vmem>>
    %dma_wait3A_617 = tpu.memref_squeeze %dma_wait3A_616 : memref<1x50xi32, #tpu.memory_space<vmem>> -> memref<50xi32, #tpu.memory_space<vmem>>
    %dma_wait3A_618 = arith.constant 0 : i32
    %dma_wait3A_619 = arith.constant 0 : i32
    %dma_wait3A_620 = tpu.memref_slice %arg2[%dma_wait3A_618, %dma_wait3A_619] : memref<1000x32xf32, #tpu.memory_space<hbm>> -> memref<1000x32xf32, #tpu.memory_space<hbm>>
    tpu.wait_indirect_dma semaphore(%arg8 : memref<!tpu.dma_semaphore, #tpu.memory_space<semaphore_mem>>) src(%dma_wait3A_620 : memref<1000x32xf32, #tpu.memory_space<hbm>>) dst(%dma_wait3A_614 : memref<50x32xf32, #tpu.memory_space<vmem>>)
    %dma_wait3A_621 = arith.constant 19 : i32
    %dma_wait3A_622 = arith.constant 3 : i32
    %dma_wait3A_623 = arith.constant 0 : i32
    %dma_wait3A_624 = arith.constant 0 : i32
    %dma_wait3A_625 = tpu.memref_slice %arg7[%dma_wait3A_622, %dma_wait3A_623, %dma_wait3A_624] : memref<16x50x32xf32, #tpu.memory_space<vmem>> -> memref<1x50x32xf32, #tpu.memory_space<vmem>>
    %dma_wait3A_626 = tpu.memref_squeeze %dma_wait3A_625 : memref<1x50x32xf32, #tpu.memory_space<vmem>> -> memref<50x32xf32, #tpu.memory_space<vmem>>
    %dma_wait3A_627 = arith.constant 0 : i32
    %dma_wait3A_628 = tpu.memref_slice %arg5[%dma_wait3A_621, %dma_wait3A_627] : memref<512x50xi32, #tpu.memory_space<vmem>> -> memref<1x50xi32, #tpu.memory_space<vmem>>
    %dma_wait3A_629 = tpu.memref_squeeze %dma_wait3A_628 : memref<1x50xi32, #tpu.memory_space<vmem>> -> memref<50xi32, #tpu.memory_space<vmem>>
    %dma_wait3A_630 = arith.constant 0 : i32
    %dma_wait3A_631 = arith.constant 0 : i32
    %dma_wait3A_632 = tpu.memref_slice %arg2[%dma_wait3A_630, %dma_wait3A_631] : memref<1000x32xf32, #tpu.memory_space<hbm>> -> memref<1000x32xf32, #tpu.memory_space<hbm>>
    tpu.wait_indirect_dma semaphore(%arg8 : memref<!tpu.dma_semaphore, #tpu.memory_space<semaphore_mem>>) src(%dma_wait3A_632 : memref<1000x32xf32, #tpu.memory_space<hbm>>) dst(%dma_wait3A_626 : memref<50x32xf32, #tpu.memory_space<vmem>>)
    %dma_wait3A_633 = arith.constant 20 : i32
    %dma_wait3A_634 = arith.constant 4 : i32
    %dma_wait3A_635 = arith.constant 0 : i32
    %dma_wait3A_636 = arith.constant 0 : i32
    %dma_wait3A_637 = tpu.memref_slice %arg7[%dma_wait3A_634, %dma_wait3A_635, %dma_wait3A_636] : memref<16x50x32xf32, #tpu.memory_space<vmem>> -> memref<1x50x32xf32, #tpu.memory_space<vmem>>
    %dma_wait3A_638 = tpu.memref_squeeze %dma_wait3A_637 : memref<1x50x32xf32, #tpu.memory_space<vmem>> -> memref<50x32xf32, #tpu.memory_space<vmem>>
    %dma_wait3A_639 = arith.constant 0 : i32
    %dma_wait3A_640 = tpu.memref_slice %arg5[%dma_wait3A_633, %dma_wait3A_639] : memref<512x50xi32, #tpu.memory_space<vmem>> -> memref<1x50xi32, #tpu.memory_space<vmem>>
    %dma_wait3A_641 = tpu.memref_squeeze %dma_wait3A_640 : memref<1x50xi32, #tpu.memory_space<vmem>> -> memref<50xi32, #tpu.memory_space<vmem>>
    %dma_wait3A_642 = arith.constant 0 : i32
    %dma_wait3A_643 = arith.constant 0 : i32
    %dma_wait3A_644 = tpu.memref_slice %arg2[%dma_wait3A_642, %dma_wait3A_643] : memref<1000x32xf32, #tpu.memory_space<hbm>> -> memref<1000x32xf32, #tpu.memory_space<hbm>>
    tpu.wait_indirect_dma semaphore(%arg8 : memref<!tpu.dma_semaphore, #tpu.memory_space<semaphore_mem>>) src(%dma_wait3A_644 : memref<1000x32xf32, #tpu.memory_space<hbm>>) dst(%dma_wait3A_638 : memref<50x32xf32, #tpu.memory_space<vmem>>)
    %dma_wait3A_645 = arith.constant 21 : i32
    %dma_wait3A_646 = arith.constant 5 : i32
    %dma_wait3A_647 = arith.constant 0 : i32
    %dma_wait3A_648 = arith.constant 0 : i32
    %dma_wait3A_649 = tpu.memref_slice %arg7[%dma_wait3A_646, %dma_wait3A_647, %dma_wait3A_648] : memref<16x50x32xf32, #tpu.memory_space<vmem>> -> memref<1x50x32xf32, #tpu.memory_space<vmem>>
    %dma_wait3A_650 = tpu.memref_squeeze %dma_wait3A_649 : memref<1x50x32xf32, #tpu.memory_space<vmem>> -> memref<50x32xf32, #tpu.memory_space<vmem>>
    %dma_wait3A_651 = arith.constant 0 : i32
    %dma_wait3A_652 = tpu.memref_slice %arg5[%dma_wait3A_645, %dma_wait3A_651] : memref<512x50xi32, #tpu.memory_space<vmem>> -> memref<1x50xi32, #tpu.memory_space<vmem>>
    %dma_wait3A_653 = tpu.memref_squeeze %dma_wait3A_652 : memref<1x50xi32, #tpu.memory_space<vmem>> -> memref<50xi32, #tpu.memory_space<vmem>>
    %dma_wait3A_654 = arith.constant 0 : i32
    %dma_wait3A_655 = arith.constant 0 : i32
    %dma_wait3A_656 = tpu.memref_slice %arg2[%dma_wait3A_654, %dma_wait3A_655] : memref<1000x32xf32, #tpu.memory_space<hbm>> -> memref<1000x32xf32, #tpu.memory_space<hbm>>
    tpu.wait_indirect_dma semaphore(%arg8 : memref<!tpu.dma_semaphore, #tpu.memory_space<semaphore_mem>>) src(%dma_wait3A_656 : memref<1000x32xf32, #tpu.memory_space<hbm>>) dst(%dma_wait3A_650 : memref<50x32xf32, #tpu.memory_space<vmem>>)
    %dma_wait3A_657 = arith.constant 22 : i32
    %dma_wait3A_658 = arith.constant 6 : i32
    %dma_wait3A_659 = arith.constant 0 : i32
    %dma_wait3A_660 = arith.constant 0 : i32
    %dma_wait3A_661 = tpu.memref_slice %arg7[%dma_wait3A_658, %dma_wait3A_659, %dma_wait3A_660] : memref<16x50x32xf32, #tpu.memory_space<vmem>> -> memref<1x50x32xf32, #tpu.memory_space<vmem>>
    %dma_wait3A_662 = tpu.memref_squeeze %dma_wait3A_661 : memref<1x50x32xf32, #tpu.memory_space<vmem>> -> memref<50x32xf32, #tpu.memory_space<vmem>>
    %dma_wait3A_663 = arith.constant 0 : i32
    %dma_wait3A_664 = tpu.memref_slice %arg5[%dma_wait3A_657, %dma_wait3A_663] : memref<512x50xi32, #tpu.memory_space<vmem>> -> memref<1x50xi32, #tpu.memory_space<vmem>>
    %dma_wait3A_665 = tpu.memref_squeeze %dma_wait3A_664 : memref<1x50xi32, #tpu.memory_space<vmem>> -> memref<50xi32, #tpu.memory_space<vmem>>
    %dma_wait3A_666 = arith.constant 0 : i32
    %dma_wait3A_667 = arith.constant 0 : i32
    %dma_wait3A_668 = tpu.memref_slice %arg2[%dma_wait3A_666, %dma_wait3A_667] : memref<1000x32xf32, #tpu.memory_space<hbm>> -> memref<1000x32xf32, #tpu.memory_space<hbm>>
    tpu.wait_indirect_dma semaphore(%arg8 : memref<!tpu.dma_semaphore, #tpu.memory_space<semaphore_mem>>) src(%dma_wait3A_668 : memref<1000x32xf32, #tpu.memory_space<hbm>>) dst(%dma_wait3A_662 : memref<50x32xf32, #tpu.memory_space<vmem>>)
    %dma_wait3A_669 = arith.constant 23 : i32
    %dma_wait3A_670 = arith.constant 7 : i32
    %dma_wait3A_671 = arith.constant 0 : i32
    %dma_wait3A_672 = arith.constant 0 : i32
    %dma_wait3A_673 = tpu.memref_slice %arg7[%dma_wait3A_670, %dma_wait3A_671, %dma_wait3A_672] : memref<16x50x32xf32, #tpu.memory_space<vmem>> -> memref<1x50x32xf32, #tpu.memory_space<vmem>>
    %dma_wait3A_674 = tpu.memref_squeeze %dma_wait3A_673 : memref<1x50x32xf32, #tpu.memory_space<vmem>> -> memref<50x32xf32, #tpu.memory_space<vmem>>
    %dma_wait3A_675 = arith.constant 0 : i32
    %dma_wait3A_676 = tpu.memref_slice %arg5[%dma_wait3A_669, %dma_wait3A_675] : memref<512x50xi32, #tpu.memory_space<vmem>> -> memref<1x50xi32, #tpu.memory_space<vmem>>
    %dma_wait3A_677 = tpu.memref_squeeze %dma_wait3A_676 : memref<1x50xi32, #tpu.memory_space<vmem>> -> memref<50xi32, #tpu.memory_space<vmem>>
    %dma_wait3A_678 = arith.constant 0 : i32
    %dma_wait3A_679 = arith.constant 0 : i32
    %dma_wait3A_680 = tpu.memref_slice %arg2[%dma_wait3A_678, %dma_wait3A_679] : memref<1000x32xf32, #tpu.memory_space<hbm>> -> memref<1000x32xf32, #tpu.memory_space<hbm>>
    tpu.wait_indirect_dma semaphore(%arg8 : memref<!tpu.dma_semaphore, #tpu.memory_space<semaphore_mem>>) src(%dma_wait3A_680 : memref<1000x32xf32, #tpu.memory_space<hbm>>) dst(%dma_wait3A_674 : memref<50x32xf32, #tpu.memory_space<vmem>>)
    %dma_wait3A_681 = arith.constant 24 : i32
    %dma_wait3A_682 = arith.constant 8 : i32
    %dma_wait3A_683 = arith.constant 0 : i32
    %dma_wait3A_684 = arith.constant 0 : i32
    %dma_wait3A_685 = tpu.memref_slice %arg7[%dma_wait3A_682, %dma_wait3A_683, %dma_wait3A_684] : memref<16x50x32xf32, #tpu.memory_space<vmem>> -> memref<1x50x32xf32, #tpu.memory_space<vmem>>
    %dma_wait3A_686 = tpu.memref_squeeze %dma_wait3A_685 : memref<1x50x32xf32, #tpu.memory_space<vmem>> -> memref<50x32xf32, #tpu.memory_space<vmem>>
    %dma_wait3A_687 = arith.constant 0 : i32
    %dma_wait3A_688 = tpu.memref_slice %arg5[%dma_wait3A_681, %dma_wait3A_687] : memref<512x50xi32, #tpu.memory_space<vmem>> -> memref<1x50xi32, #tpu.memory_space<vmem>>
    %dma_wait3A_689 = tpu.memref_squeeze %dma_wait3A_688 : memref<1x50xi32, #tpu.memory_space<vmem>> -> memref<50xi32, #tpu.memory_space<vmem>>
    %dma_wait3A_690 = arith.constant 0 : i32
    %dma_wait3A_691 = arith.constant 0 : i32
    %dma_wait3A_692 = tpu.memref_slice %arg2[%dma_wait3A_690, %dma_wait3A_691] : memref<1000x32xf32, #tpu.memory_space<hbm>> -> memref<1000x32xf32, #tpu.memory_space<hbm>>
    tpu.wait_indirect_dma semaphore(%arg8 : memref<!tpu.dma_semaphore, #tpu.memory_space<semaphore_mem>>) src(%dma_wait3A_692 : memref<1000x32xf32, #tpu.memory_space<hbm>>) dst(%dma_wait3A_686 : memref<50x32xf32, #tpu.memory_space<vmem>>)
    %dma_wait3A_693 = arith.constant 25 : i32
    %dma_wait3A_694 = arith.constant 9 : i32
    %dma_wait3A_695 = arith.constant 0 : i32
    %dma_wait3A_696 = arith.constant 0 : i32
    %dma_wait3A_697 = tpu.memref_slice %arg7[%dma_wait3A_694, %dma_wait3A_695, %dma_wait3A_696] : memref<16x50x32xf32, #tpu.memory_space<vmem>> -> memref<1x50x32xf32, #tpu.memory_space<vmem>>
    %dma_wait3A_698 = tpu.memref_squeeze %dma_wait3A_697 : memref<1x50x32xf32, #tpu.memory_space<vmem>> -> memref<50x32xf32, #tpu.memory_space<vmem>>
    %dma_wait3A_699 = arith.constant 0 : i32
    %dma_wait3A_700 = tpu.memref_slice %arg5[%dma_wait3A_693, %dma_wait3A_699] : memref<512x50xi32, #tpu.memory_space<vmem>> -> memref<1x50xi32, #tpu.memory_space<vmem>>
    %dma_wait3A_701 = tpu.memref_squeeze %dma_wait3A_700 : memref<1x50xi32, #tpu.memory_space<vmem>> -> memref<50xi32, #tpu.memory_space<vmem>>
    %dma_wait3A_702 = arith.constant 0 : i32
    %dma_wait3A_703 = arith.constant 0 : i32
    %dma_wait3A_704 = tpu.memref_slice %arg2[%dma_wait3A_702, %dma_wait3A_703] : memref<1000x32xf32, #tpu.memory_space<hbm>> -> memref<1000x32xf32, #tpu.memory_space<hbm>>
    tpu.wait_indirect_dma semaphore(%arg8 : memref<!tpu.dma_semaphore, #tpu.memory_space<semaphore_mem>>) src(%dma_wait3A_704 : memref<1000x32xf32, #tpu.memory_space<hbm>>) dst(%dma_wait3A_698 : memref<50x32xf32, #tpu.memory_space<vmem>>)
    %dma_wait3A_705 = arith.constant 26 : i32
    %dma_wait3A_706 = arith.constant 10 : i32
    %dma_wait3A_707 = arith.constant 0 : i32
    %dma_wait3A_708 = arith.constant 0 : i32
    %dma_wait3A_709 = tpu.memref_slice %arg7[%dma_wait3A_706, %dma_wait3A_707, %dma_wait3A_708] : memref<16x50x32xf32, #tpu.memory_space<vmem>> -> memref<1x50x32xf32, #tpu.memory_space<vmem>>
    %dma_wait3A_710 = tpu.memref_squeeze %dma_wait3A_709 : memref<1x50x32xf32, #tpu.memory_space<vmem>> -> memref<50x32xf32, #tpu.memory_space<vmem>>
    %dma_wait3A_711 = arith.constant 0 : i32
    %dma_wait3A_712 = tpu.memref_slice %arg5[%dma_wait3A_705, %dma_wait3A_711] : memref<512x50xi32, #tpu.memory_space<vmem>> -> memref<1x50xi32, #tpu.memory_space<vmem>>
    %dma_wait3A_713 = tpu.memref_squeeze %dma_wait3A_712 : memref<1x50xi32, #tpu.memory_space<vmem>> -> memref<50xi32, #tpu.memory_space<vmem>>
    %dma_wait3A_714 = arith.constant 0 : i32
    %dma_wait3A_715 = arith.constant 0 : i32
    %dma_wait3A_716 = tpu.memref_slice %arg2[%dma_wait3A_714, %dma_wait3A_715] : memref<1000x32xf32, #tpu.memory_space<hbm>> -> memref<1000x32xf32, #tpu.memory_space<hbm>>
    tpu.wait_indirect_dma semaphore(%arg8 : memref<!tpu.dma_semaphore, #tpu.memory_space<semaphore_mem>>) src(%dma_wait3A_716 : memref<1000x32xf32, #tpu.memory_space<hbm>>) dst(%dma_wait3A_710 : memref<50x32xf32, #tpu.memory_space<vmem>>)
    %dma_wait3A_717 = arith.constant 27 : i32
    %dma_wait3A_718 = arith.constant 11 : i32
    %dma_wait3A_719 = arith.constant 0 : i32
    %dma_wait3A_720 = arith.constant 0 : i32
    %dma_wait3A_721 = tpu.memref_slice %arg7[%dma_wait3A_718, %dma_wait3A_719, %dma_wait3A_720] : memref<16x50x32xf32, #tpu.memory_space<vmem>> -> memref<1x50x32xf32, #tpu.memory_space<vmem>>
    %dma_wait3A_722 = tpu.memref_squeeze %dma_wait3A_721 : memref<1x50x32xf32, #tpu.memory_space<vmem>> -> memref<50x32xf32, #tpu.memory_space<vmem>>
    %dma_wait3A_723 = arith.constant 0 : i32
    %dma_wait3A_724 = tpu.memref_slice %arg5[%dma_wait3A_717, %dma_wait3A_723] : memref<512x50xi32, #tpu.memory_space<vmem>> -> memref<1x50xi32, #tpu.memory_space<vmem>>
    %dma_wait3A_725 = tpu.memref_squeeze %dma_wait3A_724 : memref<1x50xi32, #tpu.memory_space<vmem>> -> memref<50xi32, #tpu.memory_space<vmem>>
    %dma_wait3A_726 = arith.constant 0 : i32
    %dma_wait3A_727 = arith.constant 0 : i32
    %dma_wait3A_728 = tpu.memref_slice %arg2[%dma_wait3A_726, %dma_wait3A_727] : memref<1000x32xf32, #tpu.memory_space<hbm>> -> memref<1000x32xf32, #tpu.memory_space<hbm>>
    tpu.wait_indirect_dma semaphore(%arg8 : memref<!tpu.dma_semaphore, #tpu.memory_space<semaphore_mem>>) src(%dma_wait3A_728 : memref<1000x32xf32, #tpu.memory_space<hbm>>) dst(%dma_wait3A_722 : memref<50x32xf32, #tpu.memory_space<vmem>>)
    %dma_wait3A_729 = arith.constant 28 : i32
    %dma_wait3A_730 = arith.constant 12 : i32
    %dma_wait3A_731 = arith.constant 0 : i32
    %dma_wait3A_732 = arith.constant 0 : i32
    %dma_wait3A_733 = tpu.memref_slice %arg7[%dma_wait3A_730, %dma_wait3A_731, %dma_wait3A_732] : memref<16x50x32xf32, #tpu.memory_space<vmem>> -> memref<1x50x32xf32, #tpu.memory_space<vmem>>
    %dma_wait3A_734 = tpu.memref_squeeze %dma_wait3A_733 : memref<1x50x32xf32, #tpu.memory_space<vmem>> -> memref<50x32xf32, #tpu.memory_space<vmem>>
    %dma_wait3A_735 = arith.constant 0 : i32
    %dma_wait3A_736 = tpu.memref_slice %arg5[%dma_wait3A_729, %dma_wait3A_735] : memref<512x50xi32, #tpu.memory_space<vmem>> -> memref<1x50xi32, #tpu.memory_space<vmem>>
    %dma_wait3A_737 = tpu.memref_squeeze %dma_wait3A_736 : memref<1x50xi32, #tpu.memory_space<vmem>> -> memref<50xi32, #tpu.memory_space<vmem>>
    %dma_wait3A_738 = arith.constant 0 : i32
    %dma_wait3A_739 = arith.constant 0 : i32
    %dma_wait3A_740 = tpu.memref_slice %arg2[%dma_wait3A_738, %dma_wait3A_739] : memref<1000x32xf32, #tpu.memory_space<hbm>> -> memref<1000x32xf32, #tpu.memory_space<hbm>>
    tpu.wait_indirect_dma semaphore(%arg8 : memref<!tpu.dma_semaphore, #tpu.memory_space<semaphore_mem>>) src(%dma_wait3A_740 : memref<1000x32xf32, #tpu.memory_space<hbm>>) dst(%dma_wait3A_734 : memref<50x32xf32, #tpu.memory_space<vmem>>)
    %dma_wait3A_741 = arith.constant 29 : i32
    %dma_wait3A_742 = arith.constant 13 : i32
    %dma_wait3A_743 = arith.constant 0 : i32
    %dma_wait3A_744 = arith.constant 0 : i32
    %dma_wait3A_745 = tpu.memref_slice %arg7[%dma_wait3A_742, %dma_wait3A_743, %dma_wait3A_744] : memref<16x50x32xf32, #tpu.memory_space<vmem>> -> memref<1x50x32xf32, #tpu.memory_space<vmem>>
    %dma_wait3A_746 = tpu.memref_squeeze %dma_wait3A_745 : memref<1x50x32xf32, #tpu.memory_space<vmem>> -> memref<50x32xf32, #tpu.memory_space<vmem>>
    %dma_wait3A_747 = arith.constant 0 : i32
    %dma_wait3A_748 = tpu.memref_slice %arg5[%dma_wait3A_741, %dma_wait3A_747] : memref<512x50xi32, #tpu.memory_space<vmem>> -> memref<1x50xi32, #tpu.memory_space<vmem>>
    %dma_wait3A_749 = tpu.memref_squeeze %dma_wait3A_748 : memref<1x50xi32, #tpu.memory_space<vmem>> -> memref<50xi32, #tpu.memory_space<vmem>>
    %dma_wait3A_750 = arith.constant 0 : i32
    %dma_wait3A_751 = arith.constant 0 : i32
    %dma_wait3A_752 = tpu.memref_slice %arg2[%dma_wait3A_750, %dma_wait3A_751] : memref<1000x32xf32, #tpu.memory_space<hbm>> -> memref<1000x32xf32, #tpu.memory_space<hbm>>
    tpu.wait_indirect_dma semaphore(%arg8 : memref<!tpu.dma_semaphore, #tpu.memory_space<semaphore_mem>>) src(%dma_wait3A_752 : memref<1000x32xf32, #tpu.memory_space<hbm>>) dst(%dma_wait3A_746 : memref<50x32xf32, #tpu.memory_space<vmem>>)
    %dma_wait3A_753 = arith.constant 30 : i32
    %dma_wait3A_754 = arith.constant 14 : i32
    %dma_wait3A_755 = arith.constant 0 : i32
    %dma_wait3A_756 = arith.constant 0 : i32
    %dma_wait3A_757 = tpu.memref_slice %arg7[%dma_wait3A_754, %dma_wait3A_755, %dma_wait3A_756] : memref<16x50x32xf32, #tpu.memory_space<vmem>> -> memref<1x50x32xf32, #tpu.memory_space<vmem>>
    %dma_wait3A_758 = tpu.memref_squeeze %dma_wait3A_757 : memref<1x50x32xf32, #tpu.memory_space<vmem>> -> memref<50x32xf32, #tpu.memory_space<vmem>>
    %dma_wait3A_759 = arith.constant 0 : i32
    %dma_wait3A_760 = tpu.memref_slice %arg5[%dma_wait3A_753, %dma_wait3A_759] : memref<512x50xi32, #tpu.memory_space<vmem>> -> memref<1x50xi32, #tpu.memory_space<vmem>>
    %dma_wait3A_761 = tpu.memref_squeeze %dma_wait3A_760 : memref<1x50xi32, #tpu.memory_space<vmem>> -> memref<50xi32, #tpu.memory_space<vmem>>
    %dma_wait3A_762 = arith.constant 0 : i32
    %dma_wait3A_763 = arith.constant 0 : i32
    %dma_wait3A_764 = tpu.memref_slice %arg2[%dma_wait3A_762, %dma_wait3A_763] : memref<1000x32xf32, #tpu.memory_space<hbm>> -> memref<1000x32xf32, #tpu.memory_space<hbm>>
    tpu.wait_indirect_dma semaphore(%arg8 : memref<!tpu.dma_semaphore, #tpu.memory_space<semaphore_mem>>) src(%dma_wait3A_764 : memref<1000x32xf32, #tpu.memory_space<hbm>>) dst(%dma_wait3A_758 : memref<50x32xf32, #tpu.memory_space<vmem>>)
    %dma_wait3A_765 = arith.constant 31 : i32
    %dma_wait3A_766 = arith.constant 15 : i32
    %dma_wait3A_767 = arith.constant 0 : i32
    %dma_wait3A_768 = arith.constant 0 : i32
    %dma_wait3A_769 = tpu.memref_slice %arg7[%dma_wait3A_766, %dma_wait3A_767, %dma_wait3A_768] : memref<16x50x32xf32, #tpu.memory_space<vmem>> -> memref<1x50x32xf32, #tpu.memory_space<vmem>>
    %dma_wait3A_770 = tpu.memref_squeeze %dma_wait3A_769 : memref<1x50x32xf32, #tpu.memory_space<vmem>> -> memref<50x32xf32, #tpu.memory_space<vmem>>
    %dma_wait3A_771 = arith.constant 0 : i32
    %dma_wait3A_772 = tpu.memref_slice %arg5[%dma_wait3A_765, %dma_wait3A_771] : memref<512x50xi32, #tpu.memory_space<vmem>> -> memref<1x50xi32, #tpu.memory_space<vmem>>
    %dma_wait3A_773 = tpu.memref_squeeze %dma_wait3A_772 : memref<1x50xi32, #tpu.memory_space<vmem>> -> memref<50xi32, #tpu.memory_space<vmem>>
    %dma_wait3A_774 = arith.constant 0 : i32
    %dma_wait3A_775 = arith.constant 0 : i32
    %dma_wait3A_776 = tpu.memref_slice %arg2[%dma_wait3A_774, %dma_wait3A_775] : memref<1000x32xf32, #tpu.memory_space<hbm>> -> memref<1000x32xf32, #tpu.memory_space<hbm>>
    tpu.wait_indirect_dma semaphore(%arg8 : memref<!tpu.dma_semaphore, #tpu.memory_space<semaphore_mem>>) src(%dma_wait3A_776 : memref<1000x32xf32, #tpu.memory_space<hbm>>) dst(%dma_wait3A_770 : memref<50x32xf32, #tpu.memory_space<vmem>>)
    %add3A_777 = arith.constant 16 : i32
    %add3A_778 = arith.addi %mul3A_2, %add3A_777 : i32
    %dma_start3A_779 = arith.constant 0 : i32
    %dma_start3A_780 = arith.constant 0 : i32
    %dma_start3A_781 = tpu.memref_slice %arg4[%add3A_778, %dma_start3A_779, %dma_start3A_780] : memref<16384x50x32xf32, #tpu.memory_space<hbm>> -> memref<16x50x32xf32, #tpu.memory_space<hbm>>
    %dma_start3A_782 = arith.constant 0 : i32
    %dma_start3A_783 = arith.constant 0 : i32
    %dma_start3A_784 = tpu.memref_slice %arg4[%add3A_778, %dma_start3A_782, %dma_start3A_783] : memref<16384x50x32xf32, #tpu.memory_space<hbm>> -> memref<16x50x32xf32, #tpu.memory_space<hbm>>
    tpu.enqueue_dma source(%arg7 : memref<16x50x32xf32, #tpu.memory_space<vmem>>) target(%dma_start3A_784 : memref<16x50x32xf32, #tpu.memory_space<hbm>>) target_semaphore(%arg9 : memref<!tpu.dma_semaphore, #tpu.memory_space<semaphore_mem>>)
    %scan3A = arith.constant 0 : i32
    %scan3A_785 = arith.constant 1 : i32
    %scan3A_786 = arith.constant 15 : i32
    %scan3A_787 = arith.addi %scan3A_785, %scan3A_786 : i32
    %scan3A_788 = arith.constant 1 : i32
    scf.for %scan3A_802 = %scan3A_785 to %scan3A_787 step %scan3A_788  : i32 {
      %mul3A_803 = arith.constant 2 : i32
      %mul3A_804 = arith.muli %mul3A_803, %scan3A_802 : i32
      %dma_wait3A_805 = arith.constant 0 : i32
      %dma_wait3A_806 = arith.constant 0 : i32
      %dma_wait3A_807 = tpu.memref_slice %arg4[%mul3A_2, %dma_wait3A_805, %dma_wait3A_806] : memref<16384x50x32xf32, #tpu.memory_space<hbm>> -> memref<16x50x32xf32, #tpu.memory_space<hbm>>
      %dma_wait3A_808 = arith.constant 0 : i32
      %dma_wait3A_809 = arith.constant 0 : i32
      %dma_wait3A_810 = tpu.memref_slice %arg4[%mul3A_2, %dma_wait3A_808, %dma_wait3A_809] : memref<16384x50x32xf32, #tpu.memory_space<hbm>> -> memref<16x50x32xf32, #tpu.memory_space<hbm>>
      tpu.wait_dma2 semaphore(%arg9 : memref<!tpu.dma_semaphore, #tpu.memory_space<semaphore_mem>>) src(%arg6 : memref<16x50x32xf32, #tpu.memory_space<vmem>>) dst(%dma_wait3A_810 : memref<16x50x32xf32, #tpu.memory_space<hbm>>)
      %mul3A_811 = arith.constant 16 : i32
      %mul3A_812 = arith.muli %mul3A_804, %mul3A_811 : i32
      %add3A_813 = arith.constant 0 : i32
      %add3A_814 = arith.addi %mul3A_812, %add3A_813 : i32
      %dma_start3A_815 = arith.constant 0 : i32
      %dma_start3A_816 = arith.constant 0 : i32
      %dma_start3A_817 = arith.constant 0 : i32
      %dma_start3A_818 = tpu.memref_slice %arg6[%dma_start3A_815, %dma_start3A_816, %dma_start3A_817] : memref<16x50x32xf32, #tpu.memory_space<vmem>> -> memref<1x50x32xf32, #tpu.memory_space<vmem>>
      %dma_start3A_819 = tpu.memref_squeeze %dma_start3A_818 : memref<1x50x32xf32, #tpu.memory_space<vmem>> -> memref<50x32xf32, #tpu.memory_space<vmem>>
      %dma_start3A_820 = arith.constant 0 : i32
      %dma_start3A_821 = tpu.memref_slice %arg5[%add3A_814, %dma_start3A_820] : memref<512x50xi32, #tpu.memory_space<vmem>> -> memref<1x50xi32, #tpu.memory_space<vmem>>
      %dma_start3A_822 = tpu.memref_squeeze %dma_start3A_821 : memref<1x50xi32, #tpu.memory_space<vmem>> -> memref<50xi32, #tpu.memory_space<vmem>>
      %dma_start3A_823 = arith.constant 0 : i32
      %dma_start3A_824 = arith.constant 0 : i32
      %dma_start3A_825 = tpu.memref_slice %arg2[%dma_start3A_823, %dma_start3A_824] : memref<1000x32xf32, #tpu.memory_space<hbm>> -> memref<1000x32xf32, #tpu.memory_space<hbm>>
      tpu.enqueue_indirect_dma source(%dma_start3A_825 : memref<1000x32xf32, #tpu.memory_space<hbm>>) target(%dma_start3A_819 : memref<50x32xf32, #tpu.memory_space<vmem>>) offsets(%dma_start3A_822 : memref<50xi32, #tpu.memory_space<vmem>>) semaphore(%arg8 : memref<!tpu.dma_semaphore, #tpu.memory_space<semaphore_mem>>)
      %add3A_826 = arith.constant 1 : i32
      %add3A_827 = arith.addi %mul3A_812, %add3A_826 : i32
      %dma_start3A_828 = arith.constant 1 : i32
      %dma_start3A_829 = arith.constant 0 : i32
      %dma_start3A_830 = arith.constant 0 : i32
      %dma_start3A_831 = tpu.memref_slice %arg6[%dma_start3A_828, %dma_start3A_829, %dma_start3A_830] : memref<16x50x32xf32, #tpu.memory_space<vmem>> -> memref<1x50x32xf32, #tpu.memory_space<vmem>>
      %dma_start3A_832 = tpu.memref_squeeze %dma_start3A_831 : memref<1x50x32xf32, #tpu.memory_space<vmem>> -> memref<50x32xf32, #tpu.memory_space<vmem>>
      %dma_start3A_833 = arith.constant 0 : i32
      %dma_start3A_834 = tpu.memref_slice %arg5[%add3A_827, %dma_start3A_833] : memref<512x50xi32, #tpu.memory_space<vmem>> -> memref<1x50xi32, #tpu.memory_space<vmem>>
      %dma_start3A_835 = tpu.memref_squeeze %dma_start3A_834 : memref<1x50xi32, #tpu.memory_space<vmem>> -> memref<50xi32, #tpu.memory_space<vmem>>
      %dma_start3A_836 = arith.constant 0 : i32
      %dma_start3A_837 = arith.constant 0 : i32
      %dma_start3A_838 = tpu.memref_slice %arg2[%dma_start3A_836, %dma_start3A_837] : memref<1000x32xf32, #tpu.memory_space<hbm>> -> memref<1000x32xf32, #tpu.memory_space<hbm>>
      tpu.enqueue_indirect_dma source(%dma_start3A_838 : memref<1000x32xf32, #tpu.memory_space<hbm>>) target(%dma_start3A_832 : memref<50x32xf32, #tpu.memory_space<vmem>>) offsets(%dma_start3A_835 : memref<50xi32, #tpu.memory_space<vmem>>) semaphore(%arg8 : memref<!tpu.dma_semaphore, #tpu.memory_space<semaphore_mem>>)
      %add3A_839 = arith.constant 2 : i32
      %add3A_840 = arith.addi %mul3A_812, %add3A_839 : i32
      %dma_start3A_841 = arith.constant 2 : i32
      %dma_start3A_842 = arith.constant 0 : i32
      %dma_start3A_843 = arith.constant 0 : i32
      %dma_start3A_844 = tpu.memref_slice %arg6[%dma_start3A_841, %dma_start3A_842, %dma_start3A_843] : memref<16x50x32xf32, #tpu.memory_space<vmem>> -> memref<1x50x32xf32, #tpu.memory_space<vmem>>
      %dma_start3A_845 = tpu.memref_squeeze %dma_start3A_844 : memref<1x50x32xf32, #tpu.memory_space<vmem>> -> memref<50x32xf32, #tpu.memory_space<vmem>>
      %dma_start3A_846 = arith.constant 0 : i32
      %dma_start3A_847 = tpu.memref_slice %arg5[%add3A_840, %dma_start3A_846] : memref<512x50xi32, #tpu.memory_space<vmem>> -> memref<1x50xi32, #tpu.memory_space<vmem>>
      %dma_start3A_848 = tpu.memref_squeeze %dma_start3A_847 : memref<1x50xi32, #tpu.memory_space<vmem>> -> memref<50xi32, #tpu.memory_space<vmem>>
      %dma_start3A_849 = arith.constant 0 : i32
      %dma_start3A_850 = arith.constant 0 : i32
      %dma_start3A_851 = tpu.memref_slice %arg2[%dma_start3A_849, %dma_start3A_850] : memref<1000x32xf32, #tpu.memory_space<hbm>> -> memref<1000x32xf32, #tpu.memory_space<hbm>>
      tpu.enqueue_indirect_dma source(%dma_start3A_851 : memref<1000x32xf32, #tpu.memory_space<hbm>>) target(%dma_start3A_845 : memref<50x32xf32, #tpu.memory_space<vmem>>) offsets(%dma_start3A_848 : memref<50xi32, #tpu.memory_space<vmem>>) semaphore(%arg8 : memref<!tpu.dma_semaphore, #tpu.memory_space<semaphore_mem>>)
      %add3A_852 = arith.constant 3 : i32
      %add3A_853 = arith.addi %mul3A_812, %add3A_852 : i32
      %dma_start3A_854 = arith.constant 3 : i32
      %dma_start3A_855 = arith.constant 0 : i32
      %dma_start3A_856 = arith.constant 0 : i32
      %dma_start3A_857 = tpu.memref_slice %arg6[%dma_start3A_854, %dma_start3A_855, %dma_start3A_856] : memref<16x50x32xf32, #tpu.memory_space<vmem>> -> memref<1x50x32xf32, #tpu.memory_space<vmem>>
      %dma_start3A_858 = tpu.memref_squeeze %dma_start3A_857 : memref<1x50x32xf32, #tpu.memory_space<vmem>> -> memref<50x32xf32, #tpu.memory_space<vmem>>
      %dma_start3A_859 = arith.constant 0 : i32
      %dma_start3A_860 = tpu.memref_slice %arg5[%add3A_853, %dma_start3A_859] : memref<512x50xi32, #tpu.memory_space<vmem>> -> memref<1x50xi32, #tpu.memory_space<vmem>>
      %dma_start3A_861 = tpu.memref_squeeze %dma_start3A_860 : memref<1x50xi32, #tpu.memory_space<vmem>> -> memref<50xi32, #tpu.memory_space<vmem>>
      %dma_start3A_862 = arith.constant 0 : i32
      %dma_start3A_863 = arith.constant 0 : i32
      %dma_start3A_864 = tpu.memref_slice %arg2[%dma_start3A_862, %dma_start3A_863] : memref<1000x32xf32, #tpu.memory_space<hbm>> -> memref<1000x32xf32, #tpu.memory_space<hbm>>
      tpu.enqueue_indirect_dma source(%dma_start3A_864 : memref<1000x32xf32, #tpu.memory_space<hbm>>) target(%dma_start3A_858 : memref<50x32xf32, #tpu.memory_space<vmem>>) offsets(%dma_start3A_861 : memref<50xi32, #tpu.memory_space<vmem>>) semaphore(%arg8 : memref<!tpu.dma_semaphore, #tpu.memory_space<semaphore_mem>>)
      %add3A_865 = arith.constant 4 : i32
      %add3A_866 = arith.addi %mul3A_812, %add3A_865 : i32
      %dma_start3A_867 = arith.constant 4 : i32
      %dma_start3A_868 = arith.constant 0 : i32
      %dma_start3A_869 = arith.constant 0 : i32
      %dma_start3A_870 = tpu.memref_slice %arg6[%dma_start3A_867, %dma_start3A_868, %dma_start3A_869] : memref<16x50x32xf32, #tpu.memory_space<vmem>> -> memref<1x50x32xf32, #tpu.memory_space<vmem>>
      %dma_start3A_871 = tpu.memref_squeeze %dma_start3A_870 : memref<1x50x32xf32, #tpu.memory_space<vmem>> -> memref<50x32xf32, #tpu.memory_space<vmem>>
      %dma_start3A_872 = arith.constant 0 : i32
      %dma_start3A_873 = tpu.memref_slice %arg5[%add3A_866, %dma_start3A_872] : memref<512x50xi32, #tpu.memory_space<vmem>> -> memref<1x50xi32, #tpu.memory_space<vmem>>
      %dma_start3A_874 = tpu.memref_squeeze %dma_start3A_873 : memref<1x50xi32, #tpu.memory_space<vmem>> -> memref<50xi32, #tpu.memory_space<vmem>>
      %dma_start3A_875 = arith.constant 0 : i32
      %dma_start3A_876 = arith.constant 0 : i32
      %dma_start3A_877 = tpu.memref_slice %arg2[%dma_start3A_875, %dma_start3A_876] : memref<1000x32xf32, #tpu.memory_space<hbm>> -> memref<1000x32xf32, #tpu.memory_space<hbm>>
      tpu.enqueue_indirect_dma source(%dma_start3A_877 : memref<1000x32xf32, #tpu.memory_space<hbm>>) target(%dma_start3A_871 : memref<50x32xf32, #tpu.memory_space<vmem>>) offsets(%dma_start3A_874 : memref<50xi32, #tpu.memory_space<vmem>>) semaphore(%arg8 : memref<!tpu.dma_semaphore, #tpu.memory_space<semaphore_mem>>)
      %add3A_878 = arith.constant 5 : i32
      %add3A_879 = arith.addi %mul3A_812, %add3A_878 : i32
      %dma_start3A_880 = arith.constant 5 : i32
      %dma_start3A_881 = arith.constant 0 : i32
      %dma_start3A_882 = arith.constant 0 : i32
      %dma_start3A_883 = tpu.memref_slice %arg6[%dma_start3A_880, %dma_start3A_881, %dma_start3A_882] : memref<16x50x32xf32, #tpu.memory_space<vmem>> -> memref<1x50x32xf32, #tpu.memory_space<vmem>>
      %dma_start3A_884 = tpu.memref_squeeze %dma_start3A_883 : memref<1x50x32xf32, #tpu.memory_space<vmem>> -> memref<50x32xf32, #tpu.memory_space<vmem>>
      %dma_start3A_885 = arith.constant 0 : i32
      %dma_start3A_886 = tpu.memref_slice %arg5[%add3A_879, %dma_start3A_885] : memref<512x50xi32, #tpu.memory_space<vmem>> -> memref<1x50xi32, #tpu.memory_space<vmem>>
      %dma_start3A_887 = tpu.memref_squeeze %dma_start3A_886 : memref<1x50xi32, #tpu.memory_space<vmem>> -> memref<50xi32, #tpu.memory_space<vmem>>
      %dma_start3A_888 = arith.constant 0 : i32
      %dma_start3A_889 = arith.constant 0 : i32
      %dma_start3A_890 = tpu.memref_slice %arg2[%dma_start3A_888, %dma_start3A_889] : memref<1000x32xf32, #tpu.memory_space<hbm>> -> memref<1000x32xf32, #tpu.memory_space<hbm>>
      tpu.enqueue_indirect_dma source(%dma_start3A_890 : memref<1000x32xf32, #tpu.memory_space<hbm>>) target(%dma_start3A_884 : memref<50x32xf32, #tpu.memory_space<vmem>>) offsets(%dma_start3A_887 : memref<50xi32, #tpu.memory_space<vmem>>) semaphore(%arg8 : memref<!tpu.dma_semaphore, #tpu.memory_space<semaphore_mem>>)
      %add3A_891 = arith.constant 6 : i32
      %add3A_892 = arith.addi %mul3A_812, %add3A_891 : i32
      %dma_start3A_893 = arith.constant 6 : i32
      %dma_start3A_894 = arith.constant 0 : i32
      %dma_start3A_895 = arith.constant 0 : i32
      %dma_start3A_896 = tpu.memref_slice %arg6[%dma_start3A_893, %dma_start3A_894, %dma_start3A_895] : memref<16x50x32xf32, #tpu.memory_space<vmem>> -> memref<1x50x32xf32, #tpu.memory_space<vmem>>
      %dma_start3A_897 = tpu.memref_squeeze %dma_start3A_896 : memref<1x50x32xf32, #tpu.memory_space<vmem>> -> memref<50x32xf32, #tpu.memory_space<vmem>>
      %dma_start3A_898 = arith.constant 0 : i32
      %dma_start3A_899 = tpu.memref_slice %arg5[%add3A_892, %dma_start3A_898] : memref<512x50xi32, #tpu.memory_space<vmem>> -> memref<1x50xi32, #tpu.memory_space<vmem>>
      %dma_start3A_900 = tpu.memref_squeeze %dma_start3A_899 : memref<1x50xi32, #tpu.memory_space<vmem>> -> memref<50xi32, #tpu.memory_space<vmem>>
      %dma_start3A_901 = arith.constant 0 : i32
      %dma_start3A_902 = arith.constant 0 : i32
      %dma_start3A_903 = tpu.memref_slice %arg2[%dma_start3A_901, %dma_start3A_902] : memref<1000x32xf32, #tpu.memory_space<hbm>> -> memref<1000x32xf32, #tpu.memory_space<hbm>>
      tpu.enqueue_indirect_dma source(%dma_start3A_903 : memref<1000x32xf32, #tpu.memory_space<hbm>>) target(%dma_start3A_897 : memref<50x32xf32, #tpu.memory_space<vmem>>) offsets(%dma_start3A_900 : memref<50xi32, #tpu.memory_space<vmem>>) semaphore(%arg8 : memref<!tpu.dma_semaphore, #tpu.memory_space<semaphore_mem>>)
      %add3A_904 = arith.constant 7 : i32
      %add3A_905 = arith.addi %mul3A_812, %add3A_904 : i32
      %dma_start3A_906 = arith.constant 7 : i32
      %dma_start3A_907 = arith.constant 0 : i32
      %dma_start3A_908 = arith.constant 0 : i32
      %dma_start3A_909 = tpu.memref_slice %arg6[%dma_start3A_906, %dma_start3A_907, %dma_start3A_908] : memref<16x50x32xf32, #tpu.memory_space<vmem>> -> memref<1x50x32xf32, #tpu.memory_space<vmem>>
      %dma_start3A_910 = tpu.memref_squeeze %dma_start3A_909 : memref<1x50x32xf32, #tpu.memory_space<vmem>> -> memref<50x32xf32, #tpu.memory_space<vmem>>
      %dma_start3A_911 = arith.constant 0 : i32
      %dma_start3A_912 = tpu.memref_slice %arg5[%add3A_905, %dma_start3A_911] : memref<512x50xi32, #tpu.memory_space<vmem>> -> memref<1x50xi32, #tpu.memory_space<vmem>>
      %dma_start3A_913 = tpu.memref_squeeze %dma_start3A_912 : memref<1x50xi32, #tpu.memory_space<vmem>> -> memref<50xi32, #tpu.memory_space<vmem>>
      %dma_start3A_914 = arith.constant 0 : i32
      %dma_start3A_915 = arith.constant 0 : i32
      %dma_start3A_916 = tpu.memref_slice %arg2[%dma_start3A_914, %dma_start3A_915] : memref<1000x32xf32, #tpu.memory_space<hbm>> -> memref<1000x32xf32, #tpu.memory_space<hbm>>
      tpu.enqueue_indirect_dma source(%dma_start3A_916 : memref<1000x32xf32, #tpu.memory_space<hbm>>) target(%dma_start3A_910 : memref<50x32xf32, #tpu.memory_space<vmem>>) offsets(%dma_start3A_913 : memref<50xi32, #tpu.memory_space<vmem>>) semaphore(%arg8 : memref<!tpu.dma_semaphore, #tpu.memory_space<semaphore_mem>>)
      %add3A_917 = arith.constant 8 : i32
      %add3A_918 = arith.addi %mul3A_812, %add3A_917 : i32
      %dma_start3A_919 = arith.constant 8 : i32
      %dma_start3A_920 = arith.constant 0 : i32
      %dma_start3A_921 = arith.constant 0 : i32
      %dma_start3A_922 = tpu.memref_slice %arg6[%dma_start3A_919, %dma_start3A_920, %dma_start3A_921] : memref<16x50x32xf32, #tpu.memory_space<vmem>> -> memref<1x50x32xf32, #tpu.memory_space<vmem>>
      %dma_start3A_923 = tpu.memref_squeeze %dma_start3A_922 : memref<1x50x32xf32, #tpu.memory_space<vmem>> -> memref<50x32xf32, #tpu.memory_space<vmem>>
      %dma_start3A_924 = arith.constant 0 : i32
      %dma_start3A_925 = tpu.memref_slice %arg5[%add3A_918, %dma_start3A_924] : memref<512x50xi32, #tpu.memory_space<vmem>> -> memref<1x50xi32, #tpu.memory_space<vmem>>
      %dma_start3A_926 = tpu.memref_squeeze %dma_start3A_925 : memref<1x50xi32, #tpu.memory_space<vmem>> -> memref<50xi32, #tpu.memory_space<vmem>>
      %dma_start3A_927 = arith.constant 0 : i32
      %dma_start3A_928 = arith.constant 0 : i32
      %dma_start3A_929 = tpu.memref_slice %arg2[%dma_start3A_927, %dma_start3A_928] : memref<1000x32xf32, #tpu.memory_space<hbm>> -> memref<1000x32xf32, #tpu.memory_space<hbm>>
      tpu.enqueue_indirect_dma source(%dma_start3A_929 : memref<1000x32xf32, #tpu.memory_space<hbm>>) target(%dma_start3A_923 : memref<50x32xf32, #tpu.memory_space<vmem>>) offsets(%dma_start3A_926 : memref<50xi32, #tpu.memory_space<vmem>>) semaphore(%arg8 : memref<!tpu.dma_semaphore, #tpu.memory_space<semaphore_mem>>)
      %add3A_930 = arith.constant 9 : i32
      %add3A_931 = arith.addi %mul3A_812, %add3A_930 : i32
      %dma_start3A_932 = arith.constant 9 : i32
      %dma_start3A_933 = arith.constant 0 : i32
      %dma_start3A_934 = arith.constant 0 : i32
      %dma_start3A_935 = tpu.memref_slice %arg6[%dma_start3A_932, %dma_start3A_933, %dma_start3A_934] : memref<16x50x32xf32, #tpu.memory_space<vmem>> -> memref<1x50x32xf32, #tpu.memory_space<vmem>>
      %dma_start3A_936 = tpu.memref_squeeze %dma_start3A_935 : memref<1x50x32xf32, #tpu.memory_space<vmem>> -> memref<50x32xf32, #tpu.memory_space<vmem>>
      %dma_start3A_937 = arith.constant 0 : i32
      %dma_start3A_938 = tpu.memref_slice %arg5[%add3A_931, %dma_start3A_937] : memref<512x50xi32, #tpu.memory_space<vmem>> -> memref<1x50xi32, #tpu.memory_space<vmem>>
      %dma_start3A_939 = tpu.memref_squeeze %dma_start3A_938 : memref<1x50xi32, #tpu.memory_space<vmem>> -> memref<50xi32, #tpu.memory_space<vmem>>
      %dma_start3A_940 = arith.constant 0 : i32
      %dma_start3A_941 = arith.constant 0 : i32
      %dma_start3A_942 = tpu.memref_slice %arg2[%dma_start3A_940, %dma_start3A_941] : memref<1000x32xf32, #tpu.memory_space<hbm>> -> memref<1000x32xf32, #tpu.memory_space<hbm>>
      tpu.enqueue_indirect_dma source(%dma_start3A_942 : memref<1000x32xf32, #tpu.memory_space<hbm>>) target(%dma_start3A_936 : memref<50x32xf32, #tpu.memory_space<vmem>>) offsets(%dma_start3A_939 : memref<50xi32, #tpu.memory_space<vmem>>) semaphore(%arg8 : memref<!tpu.dma_semaphore, #tpu.memory_space<semaphore_mem>>)
      %add3A_943 = arith.constant 10 : i32
      %add3A_944 = arith.addi %mul3A_812, %add3A_943 : i32
      %dma_start3A_945 = arith.constant 10 : i32
      %dma_start3A_946 = arith.constant 0 : i32
      %dma_start3A_947 = arith.constant 0 : i32
      %dma_start3A_948 = tpu.memref_slice %arg6[%dma_start3A_945, %dma_start3A_946, %dma_start3A_947] : memref<16x50x32xf32, #tpu.memory_space<vmem>> -> memref<1x50x32xf32, #tpu.memory_space<vmem>>
      %dma_start3A_949 = tpu.memref_squeeze %dma_start3A_948 : memref<1x50x32xf32, #tpu.memory_space<vmem>> -> memref<50x32xf32, #tpu.memory_space<vmem>>
      %dma_start3A_950 = arith.constant 0 : i32
      %dma_start3A_951 = tpu.memref_slice %arg5[%add3A_944, %dma_start3A_950] : memref<512x50xi32, #tpu.memory_space<vmem>> -> memref<1x50xi32, #tpu.memory_space<vmem>>
      %dma_start3A_952 = tpu.memref_squeeze %dma_start3A_951 : memref<1x50xi32, #tpu.memory_space<vmem>> -> memref<50xi32, #tpu.memory_space<vmem>>
      %dma_start3A_953 = arith.constant 0 : i32
      %dma_start3A_954 = arith.constant 0 : i32
      %dma_start3A_955 = tpu.memref_slice %arg2[%dma_start3A_953, %dma_start3A_954] : memref<1000x32xf32, #tpu.memory_space<hbm>> -> memref<1000x32xf32, #tpu.memory_space<hbm>>
      tpu.enqueue_indirect_dma source(%dma_start3A_955 : memref<1000x32xf32, #tpu.memory_space<hbm>>) target(%dma_start3A_949 : memref<50x32xf32, #tpu.memory_space<vmem>>) offsets(%dma_start3A_952 : memref<50xi32, #tpu.memory_space<vmem>>) semaphore(%arg8 : memref<!tpu.dma_semaphore, #tpu.memory_space<semaphore_mem>>)
      %add3A_956 = arith.constant 11 : i32
      %add3A_957 = arith.addi %mul3A_812, %add3A_956 : i32
      %dma_start3A_958 = arith.constant 11 : i32
      %dma_start3A_959 = arith.constant 0 : i32
      %dma_start3A_960 = arith.constant 0 : i32
      %dma_start3A_961 = tpu.memref_slice %arg6[%dma_start3A_958, %dma_start3A_959, %dma_start3A_960] : memref<16x50x32xf32, #tpu.memory_space<vmem>> -> memref<1x50x32xf32, #tpu.memory_space<vmem>>
      %dma_start3A_962 = tpu.memref_squeeze %dma_start3A_961 : memref<1x50x32xf32, #tpu.memory_space<vmem>> -> memref<50x32xf32, #tpu.memory_space<vmem>>
      %dma_start3A_963 = arith.constant 0 : i32
      %dma_start3A_964 = tpu.memref_slice %arg5[%add3A_957, %dma_start3A_963] : memref<512x50xi32, #tpu.memory_space<vmem>> -> memref<1x50xi32, #tpu.memory_space<vmem>>
      %dma_start3A_965 = tpu.memref_squeeze %dma_start3A_964 : memref<1x50xi32, #tpu.memory_space<vmem>> -> memref<50xi32, #tpu.memory_space<vmem>>
      %dma_start3A_966 = arith.constant 0 : i32
      %dma_start3A_967 = arith.constant 0 : i32
      %dma_start3A_968 = tpu.memref_slice %arg2[%dma_start3A_966, %dma_start3A_967] : memref<1000x32xf32, #tpu.memory_space<hbm>> -> memref<1000x32xf32, #tpu.memory_space<hbm>>
      tpu.enqueue_indirect_dma source(%dma_start3A_968 : memref<1000x32xf32, #tpu.memory_space<hbm>>) target(%dma_start3A_962 : memref<50x32xf32, #tpu.memory_space<vmem>>) offsets(%dma_start3A_965 : memref<50xi32, #tpu.memory_space<vmem>>) semaphore(%arg8 : memref<!tpu.dma_semaphore, #tpu.memory_space<semaphore_mem>>)
      %add3A_969 = arith.constant 12 : i32
      %add3A_970 = arith.addi %mul3A_812, %add3A_969 : i32
      %dma_start3A_971 = arith.constant 12 : i32
      %dma_start3A_972 = arith.constant 0 : i32
      %dma_start3A_973 = arith.constant 0 : i32
      %dma_start3A_974 = tpu.memref_slice %arg6[%dma_start3A_971, %dma_start3A_972, %dma_start3A_973] : memref<16x50x32xf32, #tpu.memory_space<vmem>> -> memref<1x50x32xf32, #tpu.memory_space<vmem>>
      %dma_start3A_975 = tpu.memref_squeeze %dma_start3A_974 : memref<1x50x32xf32, #tpu.memory_space<vmem>> -> memref<50x32xf32, #tpu.memory_space<vmem>>
      %dma_start3A_976 = arith.constant 0 : i32
      %dma_start3A_977 = tpu.memref_slice %arg5[%add3A_970, %dma_start3A_976] : memref<512x50xi32, #tpu.memory_space<vmem>> -> memref<1x50xi32, #tpu.memory_space<vmem>>
      %dma_start3A_978 = tpu.memref_squeeze %dma_start3A_977 : memref<1x50xi32, #tpu.memory_space<vmem>> -> memref<50xi32, #tpu.memory_space<vmem>>
      %dma_start3A_979 = arith.constant 0 : i32
      %dma_start3A_980 = arith.constant 0 : i32
      %dma_start3A_981 = tpu.memref_slice %arg2[%dma_start3A_979, %dma_start3A_980] : memref<1000x32xf32, #tpu.memory_space<hbm>> -> memref<1000x32xf32, #tpu.memory_space<hbm>>
      tpu.enqueue_indirect_dma source(%dma_start3A_981 : memref<1000x32xf32, #tpu.memory_space<hbm>>) target(%dma_start3A_975 : memref<50x32xf32, #tpu.memory_space<vmem>>) offsets(%dma_start3A_978 : memref<50xi32, #tpu.memory_space<vmem>>) semaphore(%arg8 : memref<!tpu.dma_semaphore, #tpu.memory_space<semaphore_mem>>)
      %add3A_982 = arith.constant 13 : i32
      %add3A_983 = arith.addi %mul3A_812, %add3A_982 : i32
      %dma_start3A_984 = arith.constant 13 : i32
      %dma_start3A_985 = arith.constant 0 : i32
      %dma_start3A_986 = arith.constant 0 : i32
      %dma_start3A_987 = tpu.memref_slice %arg6[%dma_start3A_984, %dma_start3A_985, %dma_start3A_986] : memref<16x50x32xf32, #tpu.memory_space<vmem>> -> memref<1x50x32xf32, #tpu.memory_space<vmem>>
      %dma_start3A_988 = tpu.memref_squeeze %dma_start3A_987 : memref<1x50x32xf32, #tpu.memory_space<vmem>> -> memref<50x32xf32, #tpu.memory_space<vmem>>
      %dma_start3A_989 = arith.constant 0 : i32
      %dma_start3A_990 = tpu.memref_slice %arg5[%add3A_983, %dma_start3A_989] : memref<512x50xi32, #tpu.memory_space<vmem>> -> memref<1x50xi32, #tpu.memory_space<vmem>>
      %dma_start3A_991 = tpu.memref_squeeze %dma_start3A_990 : memref<1x50xi32, #tpu.memory_space<vmem>> -> memref<50xi32, #tpu.memory_space<vmem>>
      %dma_start3A_992 = arith.constant 0 : i32
      %dma_start3A_993 = arith.constant 0 : i32
      %dma_start3A_994 = tpu.memref_slice %arg2[%dma_start3A_992, %dma_start3A_993] : memref<1000x32xf32, #tpu.memory_space<hbm>> -> memref<1000x32xf32, #tpu.memory_space<hbm>>
      tpu.enqueue_indirect_dma source(%dma_start3A_994 : memref<1000x32xf32, #tpu.memory_space<hbm>>) target(%dma_start3A_988 : memref<50x32xf32, #tpu.memory_space<vmem>>) offsets(%dma_start3A_991 : memref<50xi32, #tpu.memory_space<vmem>>) semaphore(%arg8 : memref<!tpu.dma_semaphore, #tpu.memory_space<semaphore_mem>>)
      %add3A_995 = arith.constant 14 : i32
      %add3A_996 = arith.addi %mul3A_812, %add3A_995 : i32
      %dma_start3A_997 = arith.constant 14 : i32
      %dma_start3A_998 = arith.constant 0 : i32
      %dma_start3A_999 = arith.constant 0 : i32
      %dma_start3A_1000 = tpu.memref_slice %arg6[%dma_start3A_997, %dma_start3A_998, %dma_start3A_999] : memref<16x50x32xf32, #tpu.memory_space<vmem>> -> memref<1x50x32xf32, #tpu.memory_space<vmem>>
      %dma_start3A_1001 = tpu.memref_squeeze %dma_start3A_1000 : memref<1x50x32xf32, #tpu.memory_space<vmem>> -> memref<50x32xf32, #tpu.memory_space<vmem>>
      %dma_start3A_1002 = arith.constant 0 : i32
      %dma_start3A_1003 = tpu.memref_slice %arg5[%add3A_996, %dma_start3A_1002] : memref<512x50xi32, #tpu.memory_space<vmem>> -> memref<1x50xi32, #tpu.memory_space<vmem>>
      %dma_start3A_1004 = tpu.memref_squeeze %dma_start3A_1003 : memref<1x50xi32, #tpu.memory_space<vmem>> -> memref<50xi32, #tpu.memory_space<vmem>>
      %dma_start3A_1005 = arith.constant 0 : i32
      %dma_start3A_1006 = arith.constant 0 : i32
      %dma_start3A_1007 = tpu.memref_slice %arg2[%dma_start3A_1005, %dma_start3A_1006] : memref<1000x32xf32, #tpu.memory_space<hbm>> -> memref<1000x32xf32, #tpu.memory_space<hbm>>
      tpu.enqueue_indirect_dma source(%dma_start3A_1007 : memref<1000x32xf32, #tpu.memory_space<hbm>>) target(%dma_start3A_1001 : memref<50x32xf32, #tpu.memory_space<vmem>>) offsets(%dma_start3A_1004 : memref<50xi32, #tpu.memory_space<vmem>>) semaphore(%arg8 : memref<!tpu.dma_semaphore, #tpu.memory_space<semaphore_mem>>)
      %add3A_1008 = arith.constant 15 : i32
      %add3A_1009 = arith.addi %mul3A_812, %add3A_1008 : i32
      %dma_start3A_1010 = arith.constant 15 : i32
      %dma_start3A_1011 = arith.constant 0 : i32
      %dma_start3A_1012 = arith.constant 0 : i32
      %dma_start3A_1013 = tpu.memref_slice %arg6[%dma_start3A_1010, %dma_start3A_1011, %dma_start3A_1012] : memref<16x50x32xf32, #tpu.memory_space<vmem>> -> memref<1x50x32xf32, #tpu.memory_space<vmem>>
      %dma_start3A_1014 = tpu.memref_squeeze %dma_start3A_1013 : memref<1x50x32xf32, #tpu.memory_space<vmem>> -> memref<50x32xf32, #tpu.memory_space<vmem>>
      %dma_start3A_1015 = arith.constant 0 : i32
      %dma_start3A_1016 = tpu.memref_slice %arg5[%add3A_1009, %dma_start3A_1015] : memref<512x50xi32, #tpu.memory_space<vmem>> -> memref<1x50xi32, #tpu.memory_space<vmem>>
      %dma_start3A_1017 = tpu.memref_squeeze %dma_start3A_1016 : memref<1x50xi32, #tpu.memory_space<vmem>> -> memref<50xi32, #tpu.memory_space<vmem>>
      %dma_start3A_1018 = arith.constant 0 : i32
      %dma_start3A_1019 = arith.constant 0 : i32
      %dma_start3A_1020 = tpu.memref_slice %arg2[%dma_start3A_1018, %dma_start3A_1019] : memref<1000x32xf32, #tpu.memory_space<hbm>> -> memref<1000x32xf32, #tpu.memory_space<hbm>>
      tpu.enqueue_indirect_dma source(%dma_start3A_1020 : memref<1000x32xf32, #tpu.memory_space<hbm>>) target(%dma_start3A_1014 : memref<50x32xf32, #tpu.memory_space<vmem>>) offsets(%dma_start3A_1017 : memref<50xi32, #tpu.memory_space<vmem>>) semaphore(%arg8 : memref<!tpu.dma_semaphore, #tpu.memory_space<semaphore_mem>>)
      %dma_wait3A_1021 = arith.constant 0 : i32
      %dma_wait3A_1022 = arith.constant 0 : i32
      %dma_wait3A_1023 = arith.constant 0 : i32
      %dma_wait3A_1024 = tpu.memref_slice %arg6[%dma_wait3A_1021, %dma_wait3A_1022, %dma_wait3A_1023] : memref<16x50x32xf32, #tpu.memory_space<vmem>> -> memref<1x50x32xf32, #tpu.memory_space<vmem>>
      %dma_wait3A_1025 = tpu.memref_squeeze %dma_wait3A_1024 : memref<1x50x32xf32, #tpu.memory_space<vmem>> -> memref<50x32xf32, #tpu.memory_space<vmem>>
      %dma_wait3A_1026 = arith.constant 0 : i32
      %dma_wait3A_1027 = tpu.memref_slice %arg5[%add3A_814, %dma_wait3A_1026] : memref<512x50xi32, #tpu.memory_space<vmem>> -> memref<1x50xi32, #tpu.memory_space<vmem>>
      %dma_wait3A_1028 = tpu.memref_squeeze %dma_wait3A_1027 : memref<1x50xi32, #tpu.memory_space<vmem>> -> memref<50xi32, #tpu.memory_space<vmem>>
      %dma_wait3A_1029 = arith.constant 0 : i32
      %dma_wait3A_1030 = arith.constant 0 : i32
      %dma_wait3A_1031 = tpu.memref_slice %arg2[%dma_wait3A_1029, %dma_wait3A_1030] : memref<1000x32xf32, #tpu.memory_space<hbm>> -> memref<1000x32xf32, #tpu.memory_space<hbm>>
      tpu.wait_indirect_dma semaphore(%arg8 : memref<!tpu.dma_semaphore, #tpu.memory_space<semaphore_mem>>) src(%dma_wait3A_1031 : memref<1000x32xf32, #tpu.memory_space<hbm>>) dst(%dma_wait3A_1025 : memref<50x32xf32, #tpu.memory_space<vmem>>)
      %dma_wait3A_1032 = arith.constant 1 : i32
      %dma_wait3A_1033 = arith.constant 0 : i32
      %dma_wait3A_1034 = arith.constant 0 : i32
      %dma_wait3A_1035 = tpu.memref_slice %arg6[%dma_wait3A_1032, %dma_wait3A_1033, %dma_wait3A_1034] : memref<16x50x32xf32, #tpu.memory_space<vmem>> -> memref<1x50x32xf32, #tpu.memory_space<vmem>>
      %dma_wait3A_1036 = tpu.memref_squeeze %dma_wait3A_1035 : memref<1x50x32xf32, #tpu.memory_space<vmem>> -> memref<50x32xf32, #tpu.memory_space<vmem>>
      %dma_wait3A_1037 = arith.constant 0 : i32
      %dma_wait3A_1038 = tpu.memref_slice %arg5[%add3A_827, %dma_wait3A_1037] : memref<512x50xi32, #tpu.memory_space<vmem>> -> memref<1x50xi32, #tpu.memory_space<vmem>>
      %dma_wait3A_1039 = tpu.memref_squeeze %dma_wait3A_1038 : memref<1x50xi32, #tpu.memory_space<vmem>> -> memref<50xi32, #tpu.memory_space<vmem>>
      %dma_wait3A_1040 = arith.constant 0 : i32
      %dma_wait3A_1041 = arith.constant 0 : i32
      %dma_wait3A_1042 = tpu.memref_slice %arg2[%dma_wait3A_1040, %dma_wait3A_1041] : memref<1000x32xf32, #tpu.memory_space<hbm>> -> memref<1000x32xf32, #tpu.memory_space<hbm>>
      tpu.wait_indirect_dma semaphore(%arg8 : memref<!tpu.dma_semaphore, #tpu.memory_space<semaphore_mem>>) src(%dma_wait3A_1042 : memref<1000x32xf32, #tpu.memory_space<hbm>>) dst(%dma_wait3A_1036 : memref<50x32xf32, #tpu.memory_space<vmem>>)
      %dma_wait3A_1043 = arith.constant 2 : i32
      %dma_wait3A_1044 = arith.constant 0 : i32
      %dma_wait3A_1045 = arith.constant 0 : i32
      %dma_wait3A_1046 = tpu.memref_slice %arg6[%dma_wait3A_1043, %dma_wait3A_1044, %dma_wait3A_1045] : memref<16x50x32xf32, #tpu.memory_space<vmem>> -> memref<1x50x32xf32, #tpu.memory_space<vmem>>
      %dma_wait3A_1047 = tpu.memref_squeeze %dma_wait3A_1046 : memref<1x50x32xf32, #tpu.memory_space<vmem>> -> memref<50x32xf32, #tpu.memory_space<vmem>>
      %dma_wait3A_1048 = arith.constant 0 : i32
      %dma_wait3A_1049 = tpu.memref_slice %arg5[%add3A_840, %dma_wait3A_1048] : memref<512x50xi32, #tpu.memory_space<vmem>> -> memref<1x50xi32, #tpu.memory_space<vmem>>
      %dma_wait3A_1050 = tpu.memref_squeeze %dma_wait3A_1049 : memref<1x50xi32, #tpu.memory_space<vmem>> -> memref<50xi32, #tpu.memory_space<vmem>>
      %dma_wait3A_1051 = arith.constant 0 : i32
      %dma_wait3A_1052 = arith.constant 0 : i32
      %dma_wait3A_1053 = tpu.memref_slice %arg2[%dma_wait3A_1051, %dma_wait3A_1052] : memref<1000x32xf32, #tpu.memory_space<hbm>> -> memref<1000x32xf32, #tpu.memory_space<hbm>>
      tpu.wait_indirect_dma semaphore(%arg8 : memref<!tpu.dma_semaphore, #tpu.memory_space<semaphore_mem>>) src(%dma_wait3A_1053 : memref<1000x32xf32, #tpu.memory_space<hbm>>) dst(%dma_wait3A_1047 : memref<50x32xf32, #tpu.memory_space<vmem>>)
      %dma_wait3A_1054 = arith.constant 3 : i32
      %dma_wait3A_1055 = arith.constant 0 : i32
      %dma_wait3A_1056 = arith.constant 0 : i32
      %dma_wait3A_1057 = tpu.memref_slice %arg6[%dma_wait3A_1054, %dma_wait3A_1055, %dma_wait3A_1056] : memref<16x50x32xf32, #tpu.memory_space<vmem>> -> memref<1x50x32xf32, #tpu.memory_space<vmem>>
      %dma_wait3A_1058 = tpu.memref_squeeze %dma_wait3A_1057 : memref<1x50x32xf32, #tpu.memory_space<vmem>> -> memref<50x32xf32, #tpu.memory_space<vmem>>
      %dma_wait3A_1059 = arith.constant 0 : i32
      %dma_wait3A_1060 = tpu.memref_slice %arg5[%add3A_853, %dma_wait3A_1059] : memref<512x50xi32, #tpu.memory_space<vmem>> -> memref<1x50xi32, #tpu.memory_space<vmem>>
      %dma_wait3A_1061 = tpu.memref_squeeze %dma_wait3A_1060 : memref<1x50xi32, #tpu.memory_space<vmem>> -> memref<50xi32, #tpu.memory_space<vmem>>
      %dma_wait3A_1062 = arith.constant 0 : i32
      %dma_wait3A_1063 = arith.constant 0 : i32
      %dma_wait3A_1064 = tpu.memref_slice %arg2[%dma_wait3A_1062, %dma_wait3A_1063] : memref<1000x32xf32, #tpu.memory_space<hbm>> -> memref<1000x32xf32, #tpu.memory_space<hbm>>
      tpu.wait_indirect_dma semaphore(%arg8 : memref<!tpu.dma_semaphore, #tpu.memory_space<semaphore_mem>>) src(%dma_wait3A_1064 : memref<1000x32xf32, #tpu.memory_space<hbm>>) dst(%dma_wait3A_1058 : memref<50x32xf32, #tpu.memory_space<vmem>>)
      %dma_wait3A_1065 = arith.constant 4 : i32
      %dma_wait3A_1066 = arith.constant 0 : i32
      %dma_wait3A_1067 = arith.constant 0 : i32
      %dma_wait3A_1068 = tpu.memref_slice %arg6[%dma_wait3A_1065, %dma_wait3A_1066, %dma_wait3A_1067] : memref<16x50x32xf32, #tpu.memory_space<vmem>> -> memref<1x50x32xf32, #tpu.memory_space<vmem>>
      %dma_wait3A_1069 = tpu.memref_squeeze %dma_wait3A_1068 : memref<1x50x32xf32, #tpu.memory_space<vmem>> -> memref<50x32xf32, #tpu.memory_space<vmem>>
      %dma_wait3A_1070 = arith.constant 0 : i32
      %dma_wait3A_1071 = tpu.memref_slice %arg5[%add3A_866, %dma_wait3A_1070] : memref<512x50xi32, #tpu.memory_space<vmem>> -> memref<1x50xi32, #tpu.memory_space<vmem>>
      %dma_wait3A_1072 = tpu.memref_squeeze %dma_wait3A_1071 : memref<1x50xi32, #tpu.memory_space<vmem>> -> memref<50xi32, #tpu.memory_space<vmem>>
      %dma_wait3A_1073 = arith.constant 0 : i32
      %dma_wait3A_1074 = arith.constant 0 : i32
      %dma_wait3A_1075 = tpu.memref_slice %arg2[%dma_wait3A_1073, %dma_wait3A_1074] : memref<1000x32xf32, #tpu.memory_space<hbm>> -> memref<1000x32xf32, #tpu.memory_space<hbm>>
      tpu.wait_indirect_dma semaphore(%arg8 : memref<!tpu.dma_semaphore, #tpu.memory_space<semaphore_mem>>) src(%dma_wait3A_1075 : memref<1000x32xf32, #tpu.memory_space<hbm>>) dst(%dma_wait3A_1069 : memref<50x32xf32, #tpu.memory_space<vmem>>)
      %dma_wait3A_1076 = arith.constant 5 : i32
      %dma_wait3A_1077 = arith.constant 0 : i32
      %dma_wait3A_1078 = arith.constant 0 : i32
      %dma_wait3A_1079 = tpu.memref_slice %arg6[%dma_wait3A_1076, %dma_wait3A_1077, %dma_wait3A_1078] : memref<16x50x32xf32, #tpu.memory_space<vmem>> -> memref<1x50x32xf32, #tpu.memory_space<vmem>>
      %dma_wait3A_1080 = tpu.memref_squeeze %dma_wait3A_1079 : memref<1x50x32xf32, #tpu.memory_space<vmem>> -> memref<50x32xf32, #tpu.memory_space<vmem>>
      %dma_wait3A_1081 = arith.constant 0 : i32
      %dma_wait3A_1082 = tpu.memref_slice %arg5[%add3A_879, %dma_wait3A_1081] : memref<512x50xi32, #tpu.memory_space<vmem>> -> memref<1x50xi32, #tpu.memory_space<vmem>>
      %dma_wait3A_1083 = tpu.memref_squeeze %dma_wait3A_1082 : memref<1x50xi32, #tpu.memory_space<vmem>> -> memref<50xi32, #tpu.memory_space<vmem>>
      %dma_wait3A_1084 = arith.constant 0 : i32
      %dma_wait3A_1085 = arith.constant 0 : i32
      %dma_wait3A_1086 = tpu.memref_slice %arg2[%dma_wait3A_1084, %dma_wait3A_1085] : memref<1000x32xf32, #tpu.memory_space<hbm>> -> memref<1000x32xf32, #tpu.memory_space<hbm>>
      tpu.wait_indirect_dma semaphore(%arg8 : memref<!tpu.dma_semaphore, #tpu.memory_space<semaphore_mem>>) src(%dma_wait3A_1086 : memref<1000x32xf32, #tpu.memory_space<hbm>>) dst(%dma_wait3A_1080 : memref<50x32xf32, #tpu.memory_space<vmem>>)
      %dma_wait3A_1087 = arith.constant 6 : i32
      %dma_wait3A_1088 = arith.constant 0 : i32
      %dma_wait3A_1089 = arith.constant 0 : i32
      %dma_wait3A_1090 = tpu.memref_slice %arg6[%dma_wait3A_1087, %dma_wait3A_1088, %dma_wait3A_1089] : memref<16x50x32xf32, #tpu.memory_space<vmem>> -> memref<1x50x32xf32, #tpu.memory_space<vmem>>
      %dma_wait3A_1091 = tpu.memref_squeeze %dma_wait3A_1090 : memref<1x50x32xf32, #tpu.memory_space<vmem>> -> memref<50x32xf32, #tpu.memory_space<vmem>>
      %dma_wait3A_1092 = arith.constant 0 : i32
      %dma_wait3A_1093 = tpu.memref_slice %arg5[%add3A_892, %dma_wait3A_1092] : memref<512x50xi32, #tpu.memory_space<vmem>> -> memref<1x50xi32, #tpu.memory_space<vmem>>
      %dma_wait3A_1094 = tpu.memref_squeeze %dma_wait3A_1093 : memref<1x50xi32, #tpu.memory_space<vmem>> -> memref<50xi32, #tpu.memory_space<vmem>>
      %dma_wait3A_1095 = arith.constant 0 : i32
      %dma_wait3A_1096 = arith.constant 0 : i32
      %dma_wait3A_1097 = tpu.memref_slice %arg2[%dma_wait3A_1095, %dma_wait3A_1096] : memref<1000x32xf32, #tpu.memory_space<hbm>> -> memref<1000x32xf32, #tpu.memory_space<hbm>>
      tpu.wait_indirect_dma semaphore(%arg8 : memref<!tpu.dma_semaphore, #tpu.memory_space<semaphore_mem>>) src(%dma_wait3A_1097 : memref<1000x32xf32, #tpu.memory_space<hbm>>) dst(%dma_wait3A_1091 : memref<50x32xf32, #tpu.memory_space<vmem>>)
      %dma_wait3A_1098 = arith.constant 7 : i32
      %dma_wait3A_1099 = arith.constant 0 : i32
      %dma_wait3A_1100 = arith.constant 0 : i32
      %dma_wait3A_1101 = tpu.memref_slice %arg6[%dma_wait3A_1098, %dma_wait3A_1099, %dma_wait3A_1100] : memref<16x50x32xf32, #tpu.memory_space<vmem>> -> memref<1x50x32xf32, #tpu.memory_space<vmem>>
      %dma_wait3A_1102 = tpu.memref_squeeze %dma_wait3A_1101 : memref<1x50x32xf32, #tpu.memory_space<vmem>> -> memref<50x32xf32, #tpu.memory_space<vmem>>
      %dma_wait3A_1103 = arith.constant 0 : i32
      %dma_wait3A_1104 = tpu.memref_slice %arg5[%add3A_905, %dma_wait3A_1103] : memref<512x50xi32, #tpu.memory_space<vmem>> -> memref<1x50xi32, #tpu.memory_space<vmem>>
      %dma_wait3A_1105 = tpu.memref_squeeze %dma_wait3A_1104 : memref<1x50xi32, #tpu.memory_space<vmem>> -> memref<50xi32, #tpu.memory_space<vmem>>
      %dma_wait3A_1106 = arith.constant 0 : i32
      %dma_wait3A_1107 = arith.constant 0 : i32
      %dma_wait3A_1108 = tpu.memref_slice %arg2[%dma_wait3A_1106, %dma_wait3A_1107] : memref<1000x32xf32, #tpu.memory_space<hbm>> -> memref<1000x32xf32, #tpu.memory_space<hbm>>
      tpu.wait_indirect_dma semaphore(%arg8 : memref<!tpu.dma_semaphore, #tpu.memory_space<semaphore_mem>>) src(%dma_wait3A_1108 : memref<1000x32xf32, #tpu.memory_space<hbm>>) dst(%dma_wait3A_1102 : memref<50x32xf32, #tpu.memory_space<vmem>>)
      %dma_wait3A_1109 = arith.constant 8 : i32
      %dma_wait3A_1110 = arith.constant 0 : i32
      %dma_wait3A_1111 = arith.constant 0 : i32
      %dma_wait3A_1112 = tpu.memref_slice %arg6[%dma_wait3A_1109, %dma_wait3A_1110, %dma_wait3A_1111] : memref<16x50x32xf32, #tpu.memory_space<vmem>> -> memref<1x50x32xf32, #tpu.memory_space<vmem>>
      %dma_wait3A_1113 = tpu.memref_squeeze %dma_wait3A_1112 : memref<1x50x32xf32, #tpu.memory_space<vmem>> -> memref<50x32xf32, #tpu.memory_space<vmem>>
      %dma_wait3A_1114 = arith.constant 0 : i32
      %dma_wait3A_1115 = tpu.memref_slice %arg5[%add3A_918, %dma_wait3A_1114] : memref<512x50xi32, #tpu.memory_space<vmem>> -> memref<1x50xi32, #tpu.memory_space<vmem>>
      %dma_wait3A_1116 = tpu.memref_squeeze %dma_wait3A_1115 : memref<1x50xi32, #tpu.memory_space<vmem>> -> memref<50xi32, #tpu.memory_space<vmem>>
      %dma_wait3A_1117 = arith.constant 0 : i32
      %dma_wait3A_1118 = arith.constant 0 : i32
      %dma_wait3A_1119 = tpu.memref_slice %arg2[%dma_wait3A_1117, %dma_wait3A_1118] : memref<1000x32xf32, #tpu.memory_space<hbm>> -> memref<1000x32xf32, #tpu.memory_space<hbm>>
      tpu.wait_indirect_dma semaphore(%arg8 : memref<!tpu.dma_semaphore, #tpu.memory_space<semaphore_mem>>) src(%dma_wait3A_1119 : memref<1000x32xf32, #tpu.memory_space<hbm>>) dst(%dma_wait3A_1113 : memref<50x32xf32, #tpu.memory_space<vmem>>)
      %dma_wait3A_1120 = arith.constant 9 : i32
      %dma_wait3A_1121 = arith.constant 0 : i32
      %dma_wait3A_1122 = arith.constant 0 : i32
      %dma_wait3A_1123 = tpu.memref_slice %arg6[%dma_wait3A_1120, %dma_wait3A_1121, %dma_wait3A_1122] : memref<16x50x32xf32, #tpu.memory_space<vmem>> -> memref<1x50x32xf32, #tpu.memory_space<vmem>>
      %dma_wait3A_1124 = tpu.memref_squeeze %dma_wait3A_1123 : memref<1x50x32xf32, #tpu.memory_space<vmem>> -> memref<50x32xf32, #tpu.memory_space<vmem>>
      %dma_wait3A_1125 = arith.constant 0 : i32
      %dma_wait3A_1126 = tpu.memref_slice %arg5[%add3A_931, %dma_wait3A_1125] : memref<512x50xi32, #tpu.memory_space<vmem>> -> memref<1x50xi32, #tpu.memory_space<vmem>>
      %dma_wait3A_1127 = tpu.memref_squeeze %dma_wait3A_1126 : memref<1x50xi32, #tpu.memory_space<vmem>> -> memref<50xi32, #tpu.memory_space<vmem>>
      %dma_wait3A_1128 = arith.constant 0 : i32
      %dma_wait3A_1129 = arith.constant 0 : i32
      %dma_wait3A_1130 = tpu.memref_slice %arg2[%dma_wait3A_1128, %dma_wait3A_1129] : memref<1000x32xf32, #tpu.memory_space<hbm>> -> memref<1000x32xf32, #tpu.memory_space<hbm>>
      tpu.wait_indirect_dma semaphore(%arg8 : memref<!tpu.dma_semaphore, #tpu.memory_space<semaphore_mem>>) src(%dma_wait3A_1130 : memref<1000x32xf32, #tpu.memory_space<hbm>>) dst(%dma_wait3A_1124 : memref<50x32xf32, #tpu.memory_space<vmem>>)
      %dma_wait3A_1131 = arith.constant 10 : i32
      %dma_wait3A_1132 = arith.constant 0 : i32
      %dma_wait3A_1133 = arith.constant 0 : i32
      %dma_wait3A_1134 = tpu.memref_slice %arg6[%dma_wait3A_1131, %dma_wait3A_1132, %dma_wait3A_1133] : memref<16x50x32xf32, #tpu.memory_space<vmem>> -> memref<1x50x32xf32, #tpu.memory_space<vmem>>
      %dma_wait3A_1135 = tpu.memref_squeeze %dma_wait3A_1134 : memref<1x50x32xf32, #tpu.memory_space<vmem>> -> memref<50x32xf32, #tpu.memory_space<vmem>>
      %dma_wait3A_1136 = arith.constant 0 : i32
      %dma_wait3A_1137 = tpu.memref_slice %arg5[%add3A_944, %dma_wait3A_1136] : memref<512x50xi32, #tpu.memory_space<vmem>> -> memref<1x50xi32, #tpu.memory_space<vmem>>
      %dma_wait3A_1138 = tpu.memref_squeeze %dma_wait3A_1137 : memref<1x50xi32, #tpu.memory_space<vmem>> -> memref<50xi32, #tpu.memory_space<vmem>>
      %dma_wait3A_1139 = arith.constant 0 : i32
      %dma_wait3A_1140 = arith.constant 0 : i32
      %dma_wait3A_1141 = tpu.memref_slice %arg2[%dma_wait3A_1139, %dma_wait3A_1140] : memref<1000x32xf32, #tpu.memory_space<hbm>> -> memref<1000x32xf32, #tpu.memory_space<hbm>>
      tpu.wait_indirect_dma semaphore(%arg8 : memref<!tpu.dma_semaphore, #tpu.memory_space<semaphore_mem>>) src(%dma_wait3A_1141 : memref<1000x32xf32, #tpu.memory_space<hbm>>) dst(%dma_wait3A_1135 : memref<50x32xf32, #tpu.memory_space<vmem>>)
      %dma_wait3A_1142 = arith.constant 11 : i32
      %dma_wait3A_1143 = arith.constant 0 : i32
      %dma_wait3A_1144 = arith.constant 0 : i32
      %dma_wait3A_1145 = tpu.memref_slice %arg6[%dma_wait3A_1142, %dma_wait3A_1143, %dma_wait3A_1144] : memref<16x50x32xf32, #tpu.memory_space<vmem>> -> memref<1x50x32xf32, #tpu.memory_space<vmem>>
      %dma_wait3A_1146 = tpu.memref_squeeze %dma_wait3A_1145 : memref<1x50x32xf32, #tpu.memory_space<vmem>> -> memref<50x32xf32, #tpu.memory_space<vmem>>
      %dma_wait3A_1147 = arith.constant 0 : i32
      %dma_wait3A_1148 = tpu.memref_slice %arg5[%add3A_957, %dma_wait3A_1147] : memref<512x50xi32, #tpu.memory_space<vmem>> -> memref<1x50xi32, #tpu.memory_space<vmem>>
      %dma_wait3A_1149 = tpu.memref_squeeze %dma_wait3A_1148 : memref<1x50xi32, #tpu.memory_space<vmem>> -> memref<50xi32, #tpu.memory_space<vmem>>
      %dma_wait3A_1150 = arith.constant 0 : i32
      %dma_wait3A_1151 = arith.constant 0 : i32
      %dma_wait3A_1152 = tpu.memref_slice %arg2[%dma_wait3A_1150, %dma_wait3A_1151] : memref<1000x32xf32, #tpu.memory_space<hbm>> -> memref<1000x32xf32, #tpu.memory_space<hbm>>
      tpu.wait_indirect_dma semaphore(%arg8 : memref<!tpu.dma_semaphore, #tpu.memory_space<semaphore_mem>>) src(%dma_wait3A_1152 : memref<1000x32xf32, #tpu.memory_space<hbm>>) dst(%dma_wait3A_1146 : memref<50x32xf32, #tpu.memory_space<vmem>>)
      %dma_wait3A_1153 = arith.constant 12 : i32
      %dma_wait3A_1154 = arith.constant 0 : i32
      %dma_wait3A_1155 = arith.constant 0 : i32
      %dma_wait3A_1156 = tpu.memref_slice %arg6[%dma_wait3A_1153, %dma_wait3A_1154, %dma_wait3A_1155] : memref<16x50x32xf32, #tpu.memory_space<vmem>> -> memref<1x50x32xf32, #tpu.memory_space<vmem>>
      %dma_wait3A_1157 = tpu.memref_squeeze %dma_wait3A_1156 : memref<1x50x32xf32, #tpu.memory_space<vmem>> -> memref<50x32xf32, #tpu.memory_space<vmem>>
      %dma_wait3A_1158 = arith.constant 0 : i32
      %dma_wait3A_1159 = tpu.memref_slice %arg5[%add3A_970, %dma_wait3A_1158] : memref<512x50xi32, #tpu.memory_space<vmem>> -> memref<1x50xi32, #tpu.memory_space<vmem>>
      %dma_wait3A_1160 = tpu.memref_squeeze %dma_wait3A_1159 : memref<1x50xi32, #tpu.memory_space<vmem>> -> memref<50xi32, #tpu.memory_space<vmem>>
      %dma_wait3A_1161 = arith.constant 0 : i32
      %dma_wait3A_1162 = arith.constant 0 : i32
      %dma_wait3A_1163 = tpu.memref_slice %arg2[%dma_wait3A_1161, %dma_wait3A_1162] : memref<1000x32xf32, #tpu.memory_space<hbm>> -> memref<1000x32xf32, #tpu.memory_space<hbm>>
      tpu.wait_indirect_dma semaphore(%arg8 : memref<!tpu.dma_semaphore, #tpu.memory_space<semaphore_mem>>) src(%dma_wait3A_1163 : memref<1000x32xf32, #tpu.memory_space<hbm>>) dst(%dma_wait3A_1157 : memref<50x32xf32, #tpu.memory_space<vmem>>)
      %dma_wait3A_1164 = arith.constant 13 : i32
      %dma_wait3A_1165 = arith.constant 0 : i32
      %dma_wait3A_1166 = arith.constant 0 : i32
      %dma_wait3A_1167 = tpu.memref_slice %arg6[%dma_wait3A_1164, %dma_wait3A_1165, %dma_wait3A_1166] : memref<16x50x32xf32, #tpu.memory_space<vmem>> -> memref<1x50x32xf32, #tpu.memory_space<vmem>>
      %dma_wait3A_1168 = tpu.memref_squeeze %dma_wait3A_1167 : memref<1x50x32xf32, #tpu.memory_space<vmem>> -> memref<50x32xf32, #tpu.memory_space<vmem>>
      %dma_wait3A_1169 = arith.constant 0 : i32
      %dma_wait3A_1170 = tpu.memref_slice %arg5[%add3A_983, %dma_wait3A_1169] : memref<512x50xi32, #tpu.memory_space<vmem>> -> memref<1x50xi32, #tpu.memory_space<vmem>>
      %dma_wait3A_1171 = tpu.memref_squeeze %dma_wait3A_1170 : memref<1x50xi32, #tpu.memory_space<vmem>> -> memref<50xi32, #tpu.memory_space<vmem>>
      %dma_wait3A_1172 = arith.constant 0 : i32
      %dma_wait3A_1173 = arith.constant 0 : i32
      %dma_wait3A_1174 = tpu.memref_slice %arg2[%dma_wait3A_1172, %dma_wait3A_1173] : memref<1000x32xf32, #tpu.memory_space<hbm>> -> memref<1000x32xf32, #tpu.memory_space<hbm>>
      tpu.wait_indirect_dma semaphore(%arg8 : memref<!tpu.dma_semaphore, #tpu.memory_space<semaphore_mem>>) src(%dma_wait3A_1174 : memref<1000x32xf32, #tpu.memory_space<hbm>>) dst(%dma_wait3A_1168 : memref<50x32xf32, #tpu.memory_space<vmem>>)
      %dma_wait3A_1175 = arith.constant 14 : i32
      %dma_wait3A_1176 = arith.constant 0 : i32
      %dma_wait3A_1177 = arith.constant 0 : i32
      %dma_wait3A_1178 = tpu.memref_slice %arg6[%dma_wait3A_1175, %dma_wait3A_1176, %dma_wait3A_1177] : memref<16x50x32xf32, #tpu.memory_space<vmem>> -> memref<1x50x32xf32, #tpu.memory_space<vmem>>
      %dma_wait3A_1179 = tpu.memref_squeeze %dma_wait3A_1178 : memref<1x50x32xf32, #tpu.memory_space<vmem>> -> memref<50x32xf32, #tpu.memory_space<vmem>>
      %dma_wait3A_1180 = arith.constant 0 : i32
      %dma_wait3A_1181 = tpu.memref_slice %arg5[%add3A_996, %dma_wait3A_1180] : memref<512x50xi32, #tpu.memory_space<vmem>> -> memref<1x50xi32, #tpu.memory_space<vmem>>
      %dma_wait3A_1182 = tpu.memref_squeeze %dma_wait3A_1181 : memref<1x50xi32, #tpu.memory_space<vmem>> -> memref<50xi32, #tpu.memory_space<vmem>>
      %dma_wait3A_1183 = arith.constant 0 : i32
      %dma_wait3A_1184 = arith.constant 0 : i32
      %dma_wait3A_1185 = tpu.memref_slice %arg2[%dma_wait3A_1183, %dma_wait3A_1184] : memref<1000x32xf32, #tpu.memory_space<hbm>> -> memref<1000x32xf32, #tpu.memory_space<hbm>>
      tpu.wait_indirect_dma semaphore(%arg8 : memref<!tpu.dma_semaphore, #tpu.memory_space<semaphore_mem>>) src(%dma_wait3A_1185 : memref<1000x32xf32, #tpu.memory_space<hbm>>) dst(%dma_wait3A_1179 : memref<50x32xf32, #tpu.memory_space<vmem>>)
      %dma_wait3A_1186 = arith.constant 15 : i32
      %dma_wait3A_1187 = arith.constant 0 : i32
      %dma_wait3A_1188 = arith.constant 0 : i32
      %dma_wait3A_1189 = tpu.memref_slice %arg6[%dma_wait3A_1186, %dma_wait3A_1187, %dma_wait3A_1188] : memref<16x50x32xf32, #tpu.memory_space<vmem>> -> memref<1x50x32xf32, #tpu.memory_space<vmem>>
      %dma_wait3A_1190 = tpu.memref_squeeze %dma_wait3A_1189 : memref<1x50x32xf32, #tpu.memory_space<vmem>> -> memref<50x32xf32, #tpu.memory_space<vmem>>
      %dma_wait3A_1191 = arith.constant 0 : i32
      %dma_wait3A_1192 = tpu.memref_slice %arg5[%add3A_1009, %dma_wait3A_1191] : memref<512x50xi32, #tpu.memory_space<vmem>> -> memref<1x50xi32, #tpu.memory_space<vmem>>
      %dma_wait3A_1193 = tpu.memref_squeeze %dma_wait3A_1192 : memref<1x50xi32, #tpu.memory_space<vmem>> -> memref<50xi32, #tpu.memory_space<vmem>>
      %dma_wait3A_1194 = arith.constant 0 : i32
      %dma_wait3A_1195 = arith.constant 0 : i32
      %dma_wait3A_1196 = tpu.memref_slice %arg2[%dma_wait3A_1194, %dma_wait3A_1195] : memref<1000x32xf32, #tpu.memory_space<hbm>> -> memref<1000x32xf32, #tpu.memory_space<hbm>>
      tpu.wait_indirect_dma semaphore(%arg8 : memref<!tpu.dma_semaphore, #tpu.memory_space<semaphore_mem>>) src(%dma_wait3A_1196 : memref<1000x32xf32, #tpu.memory_space<hbm>>) dst(%dma_wait3A_1190 : memref<50x32xf32, #tpu.memory_space<vmem>>)
      %mul3A_1197 = arith.constant 16 : i32
      %mul3A_1198 = arith.muli %mul3A_804, %mul3A_1197 : i32
      %add3A_1199 = arith.addi %mul3A_2, %mul3A_1198 : i32
      %dma_start3A_1200 = arith.constant 0 : i32
      %dma_start3A_1201 = arith.constant 0 : i32
      %dma_start3A_1202 = tpu.memref_slice %arg4[%add3A_1199, %dma_start3A_1200, %dma_start3A_1201] : memref<16384x50x32xf32, #tpu.memory_space<hbm>> -> memref<16x50x32xf32, #tpu.memory_space<hbm>>
      %dma_start3A_1203 = arith.constant 0 : i32
      %dma_start3A_1204 = arith.constant 0 : i32
      %dma_start3A_1205 = tpu.memref_slice %arg4[%add3A_1199, %dma_start3A_1203, %dma_start3A_1204] : memref<16384x50x32xf32, #tpu.memory_space<hbm>> -> memref<16x50x32xf32, #tpu.memory_space<hbm>>
      tpu.enqueue_dma source(%arg6 : memref<16x50x32xf32, #tpu.memory_space<vmem>>) target(%dma_start3A_1205 : memref<16x50x32xf32, #tpu.memory_space<hbm>>) target_semaphore(%arg9 : memref<!tpu.dma_semaphore, #tpu.memory_space<semaphore_mem>>)
      %dma_wait3A_1206 = arith.constant 0 : i32
      %dma_wait3A_1207 = arith.constant 0 : i32
      %dma_wait3A_1208 = tpu.memref_slice %arg4[%mul3A_2, %dma_wait3A_1206, %dma_wait3A_1207] : memref<16384x50x32xf32, #tpu.memory_space<hbm>> -> memref<16x50x32xf32, #tpu.memory_space<hbm>>
      %dma_wait3A_1209 = arith.constant 0 : i32
      %dma_wait3A_1210 = arith.constant 0 : i32
      %dma_wait3A_1211 = tpu.memref_slice %arg4[%mul3A_2, %dma_wait3A_1209, %dma_wait3A_1210] : memref<16384x50x32xf32, #tpu.memory_space<hbm>> -> memref<16x50x32xf32, #tpu.memory_space<hbm>>
      tpu.wait_dma2 semaphore(%arg9 : memref<!tpu.dma_semaphore, #tpu.memory_space<semaphore_mem>>) src(%arg7 : memref<16x50x32xf32, #tpu.memory_space<vmem>>) dst(%dma_wait3A_1211 : memref<16x50x32xf32, #tpu.memory_space<hbm>>)
      %add3A_1212 = arith.constant 1 : i32
      %add3A_1213 = arith.addi %mul3A_804, %add3A_1212 : i32
      %mul3A_1214 = arith.constant 16 : i32
      %mul3A_1215 = arith.muli %add3A_1213, %mul3A_1214 : i32
      %add3A_1216 = arith.constant 0 : i32
      %add3A_1217 = arith.addi %mul3A_1215, %add3A_1216 : i32
      %dma_start3A_1218 = arith.constant 0 : i32
      %dma_start3A_1219 = arith.constant 0 : i32
      %dma_start3A_1220 = arith.constant 0 : i32
      %dma_start3A_1221 = tpu.memref_slice %arg7[%dma_start3A_1218, %dma_start3A_1219, %dma_start3A_1220] : memref<16x50x32xf32, #tpu.memory_space<vmem>> -> memref<1x50x32xf32, #tpu.memory_space<vmem>>
      %dma_start3A_1222 = tpu.memref_squeeze %dma_start3A_1221 : memref<1x50x32xf32, #tpu.memory_space<vmem>> -> memref<50x32xf32, #tpu.memory_space<vmem>>
      %dma_start3A_1223 = arith.constant 0 : i32
      %dma_start3A_1224 = tpu.memref_slice %arg5[%add3A_1217, %dma_start3A_1223] : memref<512x50xi32, #tpu.memory_space<vmem>> -> memref<1x50xi32, #tpu.memory_space<vmem>>
      %dma_start3A_1225 = tpu.memref_squeeze %dma_start3A_1224 : memref<1x50xi32, #tpu.memory_space<vmem>> -> memref<50xi32, #tpu.memory_space<vmem>>
      %dma_start3A_1226 = arith.constant 0 : i32
      %dma_start3A_1227 = arith.constant 0 : i32
      %dma_start3A_1228 = tpu.memref_slice %arg2[%dma_start3A_1226, %dma_start3A_1227] : memref<1000x32xf32, #tpu.memory_space<hbm>> -> memref<1000x32xf32, #tpu.memory_space<hbm>>
      tpu.enqueue_indirect_dma source(%dma_start3A_1228 : memref<1000x32xf32, #tpu.memory_space<hbm>>) target(%dma_start3A_1222 : memref<50x32xf32, #tpu.memory_space<vmem>>) offsets(%dma_start3A_1225 : memref<50xi32, #tpu.memory_space<vmem>>) semaphore(%arg8 : memref<!tpu.dma_semaphore, #tpu.memory_space<semaphore_mem>>)
      %add3A_1229 = arith.constant 1 : i32
      %add3A_1230 = arith.addi %mul3A_1215, %add3A_1229 : i32
      %dma_start3A_1231 = arith.constant 1 : i32
      %dma_start3A_1232 = arith.constant 0 : i32
      %dma_start3A_1233 = arith.constant 0 : i32
      %dma_start3A_1234 = tpu.memref_slice %arg7[%dma_start3A_1231, %dma_start3A_1232, %dma_start3A_1233] : memref<16x50x32xf32, #tpu.memory_space<vmem>> -> memref<1x50x32xf32, #tpu.memory_space<vmem>>
      %dma_start3A_1235 = tpu.memref_squeeze %dma_start3A_1234 : memref<1x50x32xf32, #tpu.memory_space<vmem>> -> memref<50x32xf32, #tpu.memory_space<vmem>>
      %dma_start3A_1236 = arith.constant 0 : i32
      %dma_start3A_1237 = tpu.memref_slice %arg5[%add3A_1230, %dma_start3A_1236] : memref<512x50xi32, #tpu.memory_space<vmem>> -> memref<1x50xi32, #tpu.memory_space<vmem>>
      %dma_start3A_1238 = tpu.memref_squeeze %dma_start3A_1237 : memref<1x50xi32, #tpu.memory_space<vmem>> -> memref<50xi32, #tpu.memory_space<vmem>>
      %dma_start3A_1239 = arith.constant 0 : i32
      %dma_start3A_1240 = arith.constant 0 : i32
      %dma_start3A_1241 = tpu.memref_slice %arg2[%dma_start3A_1239, %dma_start3A_1240] : memref<1000x32xf32, #tpu.memory_space<hbm>> -> memref<1000x32xf32, #tpu.memory_space<hbm>>
      tpu.enqueue_indirect_dma source(%dma_start3A_1241 : memref<1000x32xf32, #tpu.memory_space<hbm>>) target(%dma_start3A_1235 : memref<50x32xf32, #tpu.memory_space<vmem>>) offsets(%dma_start3A_1238 : memref<50xi32, #tpu.memory_space<vmem>>) semaphore(%arg8 : memref<!tpu.dma_semaphore, #tpu.memory_space<semaphore_mem>>)
      %add3A_1242 = arith.constant 2 : i32
      %add3A_1243 = arith.addi %mul3A_1215, %add3A_1242 : i32
      %dma_start3A_1244 = arith.constant 2 : i32
      %dma_start3A_1245 = arith.constant 0 : i32
      %dma_start3A_1246 = arith.constant 0 : i32
      %dma_start3A_1247 = tpu.memref_slice %arg7[%dma_start3A_1244, %dma_start3A_1245, %dma_start3A_1246] : memref<16x50x32xf32, #tpu.memory_space<vmem>> -> memref<1x50x32xf32, #tpu.memory_space<vmem>>
      %dma_start3A_1248 = tpu.memref_squeeze %dma_start3A_1247 : memref<1x50x32xf32, #tpu.memory_space<vmem>> -> memref<50x32xf32, #tpu.memory_space<vmem>>
      %dma_start3A_1249 = arith.constant 0 : i32
      %dma_start3A_1250 = tpu.memref_slice %arg5[%add3A_1243, %dma_start3A_1249] : memref<512x50xi32, #tpu.memory_space<vmem>> -> memref<1x50xi32, #tpu.memory_space<vmem>>
      %dma_start3A_1251 = tpu.memref_squeeze %dma_start3A_1250 : memref<1x50xi32, #tpu.memory_space<vmem>> -> memref<50xi32, #tpu.memory_space<vmem>>
      %dma_start3A_1252 = arith.constant 0 : i32
      %dma_start3A_1253 = arith.constant 0 : i32
      %dma_start3A_1254 = tpu.memref_slice %arg2[%dma_start3A_1252, %dma_start3A_1253] : memref<1000x32xf32, #tpu.memory_space<hbm>> -> memref<1000x32xf32, #tpu.memory_space<hbm>>
      tpu.enqueue_indirect_dma source(%dma_start3A_1254 : memref<1000x32xf32, #tpu.memory_space<hbm>>) target(%dma_start3A_1248 : memref<50x32xf32, #tpu.memory_space<vmem>>) offsets(%dma_start3A_1251 : memref<50xi32, #tpu.memory_space<vmem>>) semaphore(%arg8 : memref<!tpu.dma_semaphore, #tpu.memory_space<semaphore_mem>>)
      %add3A_1255 = arith.constant 3 : i32
      %add3A_1256 = arith.addi %mul3A_1215, %add3A_1255 : i32
      %dma_start3A_1257 = arith.constant 3 : i32
      %dma_start3A_1258 = arith.constant 0 : i32
      %dma_start3A_1259 = arith.constant 0 : i32
      %dma_start3A_1260 = tpu.memref_slice %arg7[%dma_start3A_1257, %dma_start3A_1258, %dma_start3A_1259] : memref<16x50x32xf32, #tpu.memory_space<vmem>> -> memref<1x50x32xf32, #tpu.memory_space<vmem>>
      %dma_start3A_1261 = tpu.memref_squeeze %dma_start3A_1260 : memref<1x50x32xf32, #tpu.memory_space<vmem>> -> memref<50x32xf32, #tpu.memory_space<vmem>>
      %dma_start3A_1262 = arith.constant 0 : i32
      %dma_start3A_1263 = tpu.memref_slice %arg5[%add3A_1256, %dma_start3A_1262] : memref<512x50xi32, #tpu.memory_space<vmem>> -> memref<1x50xi32, #tpu.memory_space<vmem>>
      %dma_start3A_1264 = tpu.memref_squeeze %dma_start3A_1263 : memref<1x50xi32, #tpu.memory_space<vmem>> -> memref<50xi32, #tpu.memory_space<vmem>>
      %dma_start3A_1265 = arith.constant 0 : i32
      %dma_start3A_1266 = arith.constant 0 : i32
      %dma_start3A_1267 = tpu.memref_slice %arg2[%dma_start3A_1265, %dma_start3A_1266] : memref<1000x32xf32, #tpu.memory_space<hbm>> -> memref<1000x32xf32, #tpu.memory_space<hbm>>
      tpu.enqueue_indirect_dma source(%dma_start3A_1267 : memref<1000x32xf32, #tpu.memory_space<hbm>>) target(%dma_start3A_1261 : memref<50x32xf32, #tpu.memory_space<vmem>>) offsets(%dma_start3A_1264 : memref<50xi32, #tpu.memory_space<vmem>>) semaphore(%arg8 : memref<!tpu.dma_semaphore, #tpu.memory_space<semaphore_mem>>)
      %add3A_1268 = arith.constant 4 : i32
      %add3A_1269 = arith.addi %mul3A_1215, %add3A_1268 : i32
      %dma_start3A_1270 = arith.constant 4 : i32
      %dma_start3A_1271 = arith.constant 0 : i32
      %dma_start3A_1272 = arith.constant 0 : i32
      %dma_start3A_1273 = tpu.memref_slice %arg7[%dma_start3A_1270, %dma_start3A_1271, %dma_start3A_1272] : memref<16x50x32xf32, #tpu.memory_space<vmem>> -> memref<1x50x32xf32, #tpu.memory_space<vmem>>
      %dma_start3A_1274 = tpu.memref_squeeze %dma_start3A_1273 : memref<1x50x32xf32, #tpu.memory_space<vmem>> -> memref<50x32xf32, #tpu.memory_space<vmem>>
      %dma_start3A_1275 = arith.constant 0 : i32
      %dma_start3A_1276 = tpu.memref_slice %arg5[%add3A_1269, %dma_start3A_1275] : memref<512x50xi32, #tpu.memory_space<vmem>> -> memref<1x50xi32, #tpu.memory_space<vmem>>
      %dma_start3A_1277 = tpu.memref_squeeze %dma_start3A_1276 : memref<1x50xi32, #tpu.memory_space<vmem>> -> memref<50xi32, #tpu.memory_space<vmem>>
      %dma_start3A_1278 = arith.constant 0 : i32
      %dma_start3A_1279 = arith.constant 0 : i32
      %dma_start3A_1280 = tpu.memref_slice %arg2[%dma_start3A_1278, %dma_start3A_1279] : memref<1000x32xf32, #tpu.memory_space<hbm>> -> memref<1000x32xf32, #tpu.memory_space<hbm>>
      tpu.enqueue_indirect_dma source(%dma_start3A_1280 : memref<1000x32xf32, #tpu.memory_space<hbm>>) target(%dma_start3A_1274 : memref<50x32xf32, #tpu.memory_space<vmem>>) offsets(%dma_start3A_1277 : memref<50xi32, #tpu.memory_space<vmem>>) semaphore(%arg8 : memref<!tpu.dma_semaphore, #tpu.memory_space<semaphore_mem>>)
      %add3A_1281 = arith.constant 5 : i32
      %add3A_1282 = arith.addi %mul3A_1215, %add3A_1281 : i32
      %dma_start3A_1283 = arith.constant 5 : i32
      %dma_start3A_1284 = arith.constant 0 : i32
      %dma_start3A_1285 = arith.constant 0 : i32
      %dma_start3A_1286 = tpu.memref_slice %arg7[%dma_start3A_1283, %dma_start3A_1284, %dma_start3A_1285] : memref<16x50x32xf32, #tpu.memory_space<vmem>> -> memref<1x50x32xf32, #tpu.memory_space<vmem>>
      %dma_start3A_1287 = tpu.memref_squeeze %dma_start3A_1286 : memref<1x50x32xf32, #tpu.memory_space<vmem>> -> memref<50x32xf32, #tpu.memory_space<vmem>>
      %dma_start3A_1288 = arith.constant 0 : i32
      %dma_start3A_1289 = tpu.memref_slice %arg5[%add3A_1282, %dma_start3A_1288] : memref<512x50xi32, #tpu.memory_space<vmem>> -> memref<1x50xi32, #tpu.memory_space<vmem>>
      %dma_start3A_1290 = tpu.memref_squeeze %dma_start3A_1289 : memref<1x50xi32, #tpu.memory_space<vmem>> -> memref<50xi32, #tpu.memory_space<vmem>>
      %dma_start3A_1291 = arith.constant 0 : i32
      %dma_start3A_1292 = arith.constant 0 : i32
      %dma_start3A_1293 = tpu.memref_slice %arg2[%dma_start3A_1291, %dma_start3A_1292] : memref<1000x32xf32, #tpu.memory_space<hbm>> -> memref<1000x32xf32, #tpu.memory_space<hbm>>
      tpu.enqueue_indirect_dma source(%dma_start3A_1293 : memref<1000x32xf32, #tpu.memory_space<hbm>>) target(%dma_start3A_1287 : memref<50x32xf32, #tpu.memory_space<vmem>>) offsets(%dma_start3A_1290 : memref<50xi32, #tpu.memory_space<vmem>>) semaphore(%arg8 : memref<!tpu.dma_semaphore, #tpu.memory_space<semaphore_mem>>)
      %add3A_1294 = arith.constant 6 : i32
      %add3A_1295 = arith.addi %mul3A_1215, %add3A_1294 : i32
      %dma_start3A_1296 = arith.constant 6 : i32
      %dma_start3A_1297 = arith.constant 0 : i32
      %dma_start3A_1298 = arith.constant 0 : i32
      %dma_start3A_1299 = tpu.memref_slice %arg7[%dma_start3A_1296, %dma_start3A_1297, %dma_start3A_1298] : memref<16x50x32xf32, #tpu.memory_space<vmem>> -> memref<1x50x32xf32, #tpu.memory_space<vmem>>
      %dma_start3A_1300 = tpu.memref_squeeze %dma_start3A_1299 : memref<1x50x32xf32, #tpu.memory_space<vmem>> -> memref<50x32xf32, #tpu.memory_space<vmem>>
      %dma_start3A_1301 = arith.constant 0 : i32
      %dma_start3A_1302 = tpu.memref_slice %arg5[%add3A_1295, %dma_start3A_1301] : memref<512x50xi32, #tpu.memory_space<vmem>> -> memref<1x50xi32, #tpu.memory_space<vmem>>
      %dma_start3A_1303 = tpu.memref_squeeze %dma_start3A_1302 : memref<1x50xi32, #tpu.memory_space<vmem>> -> memref<50xi32, #tpu.memory_space<vmem>>
      %dma_start3A_1304 = arith.constant 0 : i32
      %dma_start3A_1305 = arith.constant 0 : i32
      %dma_start3A_1306 = tpu.memref_slice %arg2[%dma_start3A_1304, %dma_start3A_1305] : memref<1000x32xf32, #tpu.memory_space<hbm>> -> memref<1000x32xf32, #tpu.memory_space<hbm>>
      tpu.enqueue_indirect_dma source(%dma_start3A_1306 : memref<1000x32xf32, #tpu.memory_space<hbm>>) target(%dma_start3A_1300 : memref<50x32xf32, #tpu.memory_space<vmem>>) offsets(%dma_start3A_1303 : memref<50xi32, #tpu.memory_space<vmem>>) semaphore(%arg8 : memref<!tpu.dma_semaphore, #tpu.memory_space<semaphore_mem>>)
      %add3A_1307 = arith.constant 7 : i32
      %add3A_1308 = arith.addi %mul3A_1215, %add3A_1307 : i32
      %dma_start3A_1309 = arith.constant 7 : i32
      %dma_start3A_1310 = arith.constant 0 : i32
      %dma_start3A_1311 = arith.constant 0 : i32
      %dma_start3A_1312 = tpu.memref_slice %arg7[%dma_start3A_1309, %dma_start3A_1310, %dma_start3A_1311] : memref<16x50x32xf32, #tpu.memory_space<vmem>> -> memref<1x50x32xf32, #tpu.memory_space<vmem>>
      %dma_start3A_1313 = tpu.memref_squeeze %dma_start3A_1312 : memref<1x50x32xf32, #tpu.memory_space<vmem>> -> memref<50x32xf32, #tpu.memory_space<vmem>>
      %dma_start3A_1314 = arith.constant 0 : i32
      %dma_start3A_1315 = tpu.memref_slice %arg5[%add3A_1308, %dma_start3A_1314] : memref<512x50xi32, #tpu.memory_space<vmem>> -> memref<1x50xi32, #tpu.memory_space<vmem>>
      %dma_start3A_1316 = tpu.memref_squeeze %dma_start3A_1315 : memref<1x50xi32, #tpu.memory_space<vmem>> -> memref<50xi32, #tpu.memory_space<vmem>>
      %dma_start3A_1317 = arith.constant 0 : i32
      %dma_start3A_1318 = arith.constant 0 : i32
      %dma_start3A_1319 = tpu.memref_slice %arg2[%dma_start3A_1317, %dma_start3A_1318] : memref<1000x32xf32, #tpu.memory_space<hbm>> -> memref<1000x32xf32, #tpu.memory_space<hbm>>
      tpu.enqueue_indirect_dma source(%dma_start3A_1319 : memref<1000x32xf32, #tpu.memory_space<hbm>>) target(%dma_start3A_1313 : memref<50x32xf32, #tpu.memory_space<vmem>>) offsets(%dma_start3A_1316 : memref<50xi32, #tpu.memory_space<vmem>>) semaphore(%arg8 : memref<!tpu.dma_semaphore, #tpu.memory_space<semaphore_mem>>)
      %add3A_1320 = arith.constant 8 : i32
      %add3A_1321 = arith.addi %mul3A_1215, %add3A_1320 : i32
      %dma_start3A_1322 = arith.constant 8 : i32
      %dma_start3A_1323 = arith.constant 0 : i32
      %dma_start3A_1324 = arith.constant 0 : i32
      %dma_start3A_1325 = tpu.memref_slice %arg7[%dma_start3A_1322, %dma_start3A_1323, %dma_start3A_1324] : memref<16x50x32xf32, #tpu.memory_space<vmem>> -> memref<1x50x32xf32, #tpu.memory_space<vmem>>
      %dma_start3A_1326 = tpu.memref_squeeze %dma_start3A_1325 : memref<1x50x32xf32, #tpu.memory_space<vmem>> -> memref<50x32xf32, #tpu.memory_space<vmem>>
      %dma_start3A_1327 = arith.constant 0 : i32
      %dma_start3A_1328 = tpu.memref_slice %arg5[%add3A_1321, %dma_start3A_1327] : memref<512x50xi32, #tpu.memory_space<vmem>> -> memref<1x50xi32, #tpu.memory_space<vmem>>
      %dma_start3A_1329 = tpu.memref_squeeze %dma_start3A_1328 : memref<1x50xi32, #tpu.memory_space<vmem>> -> memref<50xi32, #tpu.memory_space<vmem>>
      %dma_start3A_1330 = arith.constant 0 : i32
      %dma_start3A_1331 = arith.constant 0 : i32
      %dma_start3A_1332 = tpu.memref_slice %arg2[%dma_start3A_1330, %dma_start3A_1331] : memref<1000x32xf32, #tpu.memory_space<hbm>> -> memref<1000x32xf32, #tpu.memory_space<hbm>>
      tpu.enqueue_indirect_dma source(%dma_start3A_1332 : memref<1000x32xf32, #tpu.memory_space<hbm>>) target(%dma_start3A_1326 : memref<50x32xf32, #tpu.memory_space<vmem>>) offsets(%dma_start3A_1329 : memref<50xi32, #tpu.memory_space<vmem>>) semaphore(%arg8 : memref<!tpu.dma_semaphore, #tpu.memory_space<semaphore_mem>>)
      %add3A_1333 = arith.constant 9 : i32
      %add3A_1334 = arith.addi %mul3A_1215, %add3A_1333 : i32
      %dma_start3A_1335 = arith.constant 9 : i32
      %dma_start3A_1336 = arith.constant 0 : i32
      %dma_start3A_1337 = arith.constant 0 : i32
      %dma_start3A_1338 = tpu.memref_slice %arg7[%dma_start3A_1335, %dma_start3A_1336, %dma_start3A_1337] : memref<16x50x32xf32, #tpu.memory_space<vmem>> -> memref<1x50x32xf32, #tpu.memory_space<vmem>>
      %dma_start3A_1339 = tpu.memref_squeeze %dma_start3A_1338 : memref<1x50x32xf32, #tpu.memory_space<vmem>> -> memref<50x32xf32, #tpu.memory_space<vmem>>
      %dma_start3A_1340 = arith.constant 0 : i32
      %dma_start3A_1341 = tpu.memref_slice %arg5[%add3A_1334, %dma_start3A_1340] : memref<512x50xi32, #tpu.memory_space<vmem>> -> memref<1x50xi32, #tpu.memory_space<vmem>>
      %dma_start3A_1342 = tpu.memref_squeeze %dma_start3A_1341 : memref<1x50xi32, #tpu.memory_space<vmem>> -> memref<50xi32, #tpu.memory_space<vmem>>
      %dma_start3A_1343 = arith.constant 0 : i32
      %dma_start3A_1344 = arith.constant 0 : i32
      %dma_start3A_1345 = tpu.memref_slice %arg2[%dma_start3A_1343, %dma_start3A_1344] : memref<1000x32xf32, #tpu.memory_space<hbm>> -> memref<1000x32xf32, #tpu.memory_space<hbm>>
      tpu.enqueue_indirect_dma source(%dma_start3A_1345 : memref<1000x32xf32, #tpu.memory_space<hbm>>) target(%dma_start3A_1339 : memref<50x32xf32, #tpu.memory_space<vmem>>) offsets(%dma_start3A_1342 : memref<50xi32, #tpu.memory_space<vmem>>) semaphore(%arg8 : memref<!tpu.dma_semaphore, #tpu.memory_space<semaphore_mem>>)
      %add3A_1346 = arith.constant 10 : i32
      %add3A_1347 = arith.addi %mul3A_1215, %add3A_1346 : i32
      %dma_start3A_1348 = arith.constant 10 : i32
      %dma_start3A_1349 = arith.constant 0 : i32
      %dma_start3A_1350 = arith.constant 0 : i32
      %dma_start3A_1351 = tpu.memref_slice %arg7[%dma_start3A_1348, %dma_start3A_1349, %dma_start3A_1350] : memref<16x50x32xf32, #tpu.memory_space<vmem>> -> memref<1x50x32xf32, #tpu.memory_space<vmem>>
      %dma_start3A_1352 = tpu.memref_squeeze %dma_start3A_1351 : memref<1x50x32xf32, #tpu.memory_space<vmem>> -> memref<50x32xf32, #tpu.memory_space<vmem>>
      %dma_start3A_1353 = arith.constant 0 : i32
      %dma_start3A_1354 = tpu.memref_slice %arg5[%add3A_1347, %dma_start3A_1353] : memref<512x50xi32, #tpu.memory_space<vmem>> -> memref<1x50xi32, #tpu.memory_space<vmem>>
      %dma_start3A_1355 = tpu.memref_squeeze %dma_start3A_1354 : memref<1x50xi32, #tpu.memory_space<vmem>> -> memref<50xi32, #tpu.memory_space<vmem>>
      %dma_start3A_1356 = arith.constant 0 : i32
      %dma_start3A_1357 = arith.constant 0 : i32
      %dma_start3A_1358 = tpu.memref_slice %arg2[%dma_start3A_1356, %dma_start3A_1357] : memref<1000x32xf32, #tpu.memory_space<hbm>> -> memref<1000x32xf32, #tpu.memory_space<hbm>>
      tpu.enqueue_indirect_dma source(%dma_start3A_1358 : memref<1000x32xf32, #tpu.memory_space<hbm>>) target(%dma_start3A_1352 : memref<50x32xf32, #tpu.memory_space<vmem>>) offsets(%dma_start3A_1355 : memref<50xi32, #tpu.memory_space<vmem>>) semaphore(%arg8 : memref<!tpu.dma_semaphore, #tpu.memory_space<semaphore_mem>>)
      %add3A_1359 = arith.constant 11 : i32
      %add3A_1360 = arith.addi %mul3A_1215, %add3A_1359 : i32
      %dma_start3A_1361 = arith.constant 11 : i32
      %dma_start3A_1362 = arith.constant 0 : i32
      %dma_start3A_1363 = arith.constant 0 : i32
      %dma_start3A_1364 = tpu.memref_slice %arg7[%dma_start3A_1361, %dma_start3A_1362, %dma_start3A_1363] : memref<16x50x32xf32, #tpu.memory_space<vmem>> -> memref<1x50x32xf32, #tpu.memory_space<vmem>>
      %dma_start3A_1365 = tpu.memref_squeeze %dma_start3A_1364 : memref<1x50x32xf32, #tpu.memory_space<vmem>> -> memref<50x32xf32, #tpu.memory_space<vmem>>
      %dma_start3A_1366 = arith.constant 0 : i32
      %dma_start3A_1367 = tpu.memref_slice %arg5[%add3A_1360, %dma_start3A_1366] : memref<512x50xi32, #tpu.memory_space<vmem>> -> memref<1x50xi32, #tpu.memory_space<vmem>>
      %dma_start3A_1368 = tpu.memref_squeeze %dma_start3A_1367 : memref<1x50xi32, #tpu.memory_space<vmem>> -> memref<50xi32, #tpu.memory_space<vmem>>
      %dma_start3A_1369 = arith.constant 0 : i32
      %dma_start3A_1370 = arith.constant 0 : i32
      %dma_start3A_1371 = tpu.memref_slice %arg2[%dma_start3A_1369, %dma_start3A_1370] : memref<1000x32xf32, #tpu.memory_space<hbm>> -> memref<1000x32xf32, #tpu.memory_space<hbm>>
      tpu.enqueue_indirect_dma source(%dma_start3A_1371 : memref<1000x32xf32, #tpu.memory_space<hbm>>) target(%dma_start3A_1365 : memref<50x32xf32, #tpu.memory_space<vmem>>) offsets(%dma_start3A_1368 : memref<50xi32, #tpu.memory_space<vmem>>) semaphore(%arg8 : memref<!tpu.dma_semaphore, #tpu.memory_space<semaphore_mem>>)
      %add3A_1372 = arith.constant 12 : i32
      %add3A_1373 = arith.addi %mul3A_1215, %add3A_1372 : i32
      %dma_start3A_1374 = arith.constant 12 : i32
      %dma_start3A_1375 = arith.constant 0 : i32
      %dma_start3A_1376 = arith.constant 0 : i32
      %dma_start3A_1377 = tpu.memref_slice %arg7[%dma_start3A_1374, %dma_start3A_1375, %dma_start3A_1376] : memref<16x50x32xf32, #tpu.memory_space<vmem>> -> memref<1x50x32xf32, #tpu.memory_space<vmem>>
      %dma_start3A_1378 = tpu.memref_squeeze %dma_start3A_1377 : memref<1x50x32xf32, #tpu.memory_space<vmem>> -> memref<50x32xf32, #tpu.memory_space<vmem>>
      %dma_start3A_1379 = arith.constant 0 : i32
      %dma_start3A_1380 = tpu.memref_slice %arg5[%add3A_1373, %dma_start3A_1379] : memref<512x50xi32, #tpu.memory_space<vmem>> -> memref<1x50xi32, #tpu.memory_space<vmem>>
      %dma_start3A_1381 = tpu.memref_squeeze %dma_start3A_1380 : memref<1x50xi32, #tpu.memory_space<vmem>> -> memref<50xi32, #tpu.memory_space<vmem>>
      %dma_start3A_1382 = arith.constant 0 : i32
      %dma_start3A_1383 = arith.constant 0 : i32
      %dma_start3A_1384 = tpu.memref_slice %arg2[%dma_start3A_1382, %dma_start3A_1383] : memref<1000x32xf32, #tpu.memory_space<hbm>> -> memref<1000x32xf32, #tpu.memory_space<hbm>>
      tpu.enqueue_indirect_dma source(%dma_start3A_1384 : memref<1000x32xf32, #tpu.memory_space<hbm>>) target(%dma_start3A_1378 : memref<50x32xf32, #tpu.memory_space<vmem>>) offsets(%dma_start3A_1381 : memref<50xi32, #tpu.memory_space<vmem>>) semaphore(%arg8 : memref<!tpu.dma_semaphore, #tpu.memory_space<semaphore_mem>>)
      %add3A_1385 = arith.constant 13 : i32
      %add3A_1386 = arith.addi %mul3A_1215, %add3A_1385 : i32
      %dma_start3A_1387 = arith.constant 13 : i32
      %dma_start3A_1388 = arith.constant 0 : i32
      %dma_start3A_1389 = arith.constant 0 : i32
      %dma_start3A_1390 = tpu.memref_slice %arg7[%dma_start3A_1387, %dma_start3A_1388, %dma_start3A_1389] : memref<16x50x32xf32, #tpu.memory_space<vmem>> -> memref<1x50x32xf32, #tpu.memory_space<vmem>>
      %dma_start3A_1391 = tpu.memref_squeeze %dma_start3A_1390 : memref<1x50x32xf32, #tpu.memory_space<vmem>> -> memref<50x32xf32, #tpu.memory_space<vmem>>
      %dma_start3A_1392 = arith.constant 0 : i32
      %dma_start3A_1393 = tpu.memref_slice %arg5[%add3A_1386, %dma_start3A_1392] : memref<512x50xi32, #tpu.memory_space<vmem>> -> memref<1x50xi32, #tpu.memory_space<vmem>>
      %dma_start3A_1394 = tpu.memref_squeeze %dma_start3A_1393 : memref<1x50xi32, #tpu.memory_space<vmem>> -> memref<50xi32, #tpu.memory_space<vmem>>
      %dma_start3A_1395 = arith.constant 0 : i32
      %dma_start3A_1396 = arith.constant 0 : i32
      %dma_start3A_1397 = tpu.memref_slice %arg2[%dma_start3A_1395, %dma_start3A_1396] : memref<1000x32xf32, #tpu.memory_space<hbm>> -> memref<1000x32xf32, #tpu.memory_space<hbm>>
      tpu.enqueue_indirect_dma source(%dma_start3A_1397 : memref<1000x32xf32, #tpu.memory_space<hbm>>) target(%dma_start3A_1391 : memref<50x32xf32, #tpu.memory_space<vmem>>) offsets(%dma_start3A_1394 : memref<50xi32, #tpu.memory_space<vmem>>) semaphore(%arg8 : memref<!tpu.dma_semaphore, #tpu.memory_space<semaphore_mem>>)
      %add3A_1398 = arith.constant 14 : i32
      %add3A_1399 = arith.addi %mul3A_1215, %add3A_1398 : i32
      %dma_start3A_1400 = arith.constant 14 : i32
      %dma_start3A_1401 = arith.constant 0 : i32
      %dma_start3A_1402 = arith.constant 0 : i32
      %dma_start3A_1403 = tpu.memref_slice %arg7[%dma_start3A_1400, %dma_start3A_1401, %dma_start3A_1402] : memref<16x50x32xf32, #tpu.memory_space<vmem>> -> memref<1x50x32xf32, #tpu.memory_space<vmem>>
      %dma_start3A_1404 = tpu.memref_squeeze %dma_start3A_1403 : memref<1x50x32xf32, #tpu.memory_space<vmem>> -> memref<50x32xf32, #tpu.memory_space<vmem>>
      %dma_start3A_1405 = arith.constant 0 : i32
      %dma_start3A_1406 = tpu.memref_slice %arg5[%add3A_1399, %dma_start3A_1405] : memref<512x50xi32, #tpu.memory_space<vmem>> -> memref<1x50xi32, #tpu.memory_space<vmem>>
      %dma_start3A_1407 = tpu.memref_squeeze %dma_start3A_1406 : memref<1x50xi32, #tpu.memory_space<vmem>> -> memref<50xi32, #tpu.memory_space<vmem>>
      %dma_start3A_1408 = arith.constant 0 : i32
      %dma_start3A_1409 = arith.constant 0 : i32
      %dma_start3A_1410 = tpu.memref_slice %arg2[%dma_start3A_1408, %dma_start3A_1409] : memref<1000x32xf32, #tpu.memory_space<hbm>> -> memref<1000x32xf32, #tpu.memory_space<hbm>>
      tpu.enqueue_indirect_dma source(%dma_start3A_1410 : memref<1000x32xf32, #tpu.memory_space<hbm>>) target(%dma_start3A_1404 : memref<50x32xf32, #tpu.memory_space<vmem>>) offsets(%dma_start3A_1407 : memref<50xi32, #tpu.memory_space<vmem>>) semaphore(%arg8 : memref<!tpu.dma_semaphore, #tpu.memory_space<semaphore_mem>>)
      %add3A_1411 = arith.constant 15 : i32
      %add3A_1412 = arith.addi %mul3A_1215, %add3A_1411 : i32
      %dma_start3A_1413 = arith.constant 15 : i32
      %dma_start3A_1414 = arith.constant 0 : i32
      %dma_start3A_1415 = arith.constant 0 : i32
      %dma_start3A_1416 = tpu.memref_slice %arg7[%dma_start3A_1413, %dma_start3A_1414, %dma_start3A_1415] : memref<16x50x32xf32, #tpu.memory_space<vmem>> -> memref<1x50x32xf32, #tpu.memory_space<vmem>>
      %dma_start3A_1417 = tpu.memref_squeeze %dma_start3A_1416 : memref<1x50x32xf32, #tpu.memory_space<vmem>> -> memref<50x32xf32, #tpu.memory_space<vmem>>
      %dma_start3A_1418 = arith.constant 0 : i32
      %dma_start3A_1419 = tpu.memref_slice %arg5[%add3A_1412, %dma_start3A_1418] : memref<512x50xi32, #tpu.memory_space<vmem>> -> memref<1x50xi32, #tpu.memory_space<vmem>>
      %dma_start3A_1420 = tpu.memref_squeeze %dma_start3A_1419 : memref<1x50xi32, #tpu.memory_space<vmem>> -> memref<50xi32, #tpu.memory_space<vmem>>
      %dma_start3A_1421 = arith.constant 0 : i32
      %dma_start3A_1422 = arith.constant 0 : i32
      %dma_start3A_1423 = tpu.memref_slice %arg2[%dma_start3A_1421, %dma_start3A_1422] : memref<1000x32xf32, #tpu.memory_space<hbm>> -> memref<1000x32xf32, #tpu.memory_space<hbm>>
      tpu.enqueue_indirect_dma source(%dma_start3A_1423 : memref<1000x32xf32, #tpu.memory_space<hbm>>) target(%dma_start3A_1417 : memref<50x32xf32, #tpu.memory_space<vmem>>) offsets(%dma_start3A_1420 : memref<50xi32, #tpu.memory_space<vmem>>) semaphore(%arg8 : memref<!tpu.dma_semaphore, #tpu.memory_space<semaphore_mem>>)
      %dma_wait3A_1424 = arith.constant 0 : i32
      %dma_wait3A_1425 = arith.constant 0 : i32
      %dma_wait3A_1426 = arith.constant 0 : i32
      %dma_wait3A_1427 = tpu.memref_slice %arg7[%dma_wait3A_1424, %dma_wait3A_1425, %dma_wait3A_1426] : memref<16x50x32xf32, #tpu.memory_space<vmem>> -> memref<1x50x32xf32, #tpu.memory_space<vmem>>
      %dma_wait3A_1428 = tpu.memref_squeeze %dma_wait3A_1427 : memref<1x50x32xf32, #tpu.memory_space<vmem>> -> memref<50x32xf32, #tpu.memory_space<vmem>>
      %dma_wait3A_1429 = arith.constant 0 : i32
      %dma_wait3A_1430 = tpu.memref_slice %arg5[%add3A_1217, %dma_wait3A_1429] : memref<512x50xi32, #tpu.memory_space<vmem>> -> memref<1x50xi32, #tpu.memory_space<vmem>>
      %dma_wait3A_1431 = tpu.memref_squeeze %dma_wait3A_1430 : memref<1x50xi32, #tpu.memory_space<vmem>> -> memref<50xi32, #tpu.memory_space<vmem>>
      %dma_wait3A_1432 = arith.constant 0 : i32
      %dma_wait3A_1433 = arith.constant 0 : i32
      %dma_wait3A_1434 = tpu.memref_slice %arg2[%dma_wait3A_1432, %dma_wait3A_1433] : memref<1000x32xf32, #tpu.memory_space<hbm>> -> memref<1000x32xf32, #tpu.memory_space<hbm>>
      tpu.wait_indirect_dma semaphore(%arg8 : memref<!tpu.dma_semaphore, #tpu.memory_space<semaphore_mem>>) src(%dma_wait3A_1434 : memref<1000x32xf32, #tpu.memory_space<hbm>>) dst(%dma_wait3A_1428 : memref<50x32xf32, #tpu.memory_space<vmem>>)
      %dma_wait3A_1435 = arith.constant 1 : i32
      %dma_wait3A_1436 = arith.constant 0 : i32
      %dma_wait3A_1437 = arith.constant 0 : i32
      %dma_wait3A_1438 = tpu.memref_slice %arg7[%dma_wait3A_1435, %dma_wait3A_1436, %dma_wait3A_1437] : memref<16x50x32xf32, #tpu.memory_space<vmem>> -> memref<1x50x32xf32, #tpu.memory_space<vmem>>
      %dma_wait3A_1439 = tpu.memref_squeeze %dma_wait3A_1438 : memref<1x50x32xf32, #tpu.memory_space<vmem>> -> memref<50x32xf32, #tpu.memory_space<vmem>>
      %dma_wait3A_1440 = arith.constant 0 : i32
      %dma_wait3A_1441 = tpu.memref_slice %arg5[%add3A_1230, %dma_wait3A_1440] : memref<512x50xi32, #tpu.memory_space<vmem>> -> memref<1x50xi32, #tpu.memory_space<vmem>>
      %dma_wait3A_1442 = tpu.memref_squeeze %dma_wait3A_1441 : memref<1x50xi32, #tpu.memory_space<vmem>> -> memref<50xi32, #tpu.memory_space<vmem>>
      %dma_wait3A_1443 = arith.constant 0 : i32
      %dma_wait3A_1444 = arith.constant 0 : i32
      %dma_wait3A_1445 = tpu.memref_slice %arg2[%dma_wait3A_1443, %dma_wait3A_1444] : memref<1000x32xf32, #tpu.memory_space<hbm>> -> memref<1000x32xf32, #tpu.memory_space<hbm>>
      tpu.wait_indirect_dma semaphore(%arg8 : memref<!tpu.dma_semaphore, #tpu.memory_space<semaphore_mem>>) src(%dma_wait3A_1445 : memref<1000x32xf32, #tpu.memory_space<hbm>>) dst(%dma_wait3A_1439 : memref<50x32xf32, #tpu.memory_space<vmem>>)
      %dma_wait3A_1446 = arith.constant 2 : i32
      %dma_wait3A_1447 = arith.constant 0 : i32
      %dma_wait3A_1448 = arith.constant 0 : i32
      %dma_wait3A_1449 = tpu.memref_slice %arg7[%dma_wait3A_1446, %dma_wait3A_1447, %dma_wait3A_1448] : memref<16x50x32xf32, #tpu.memory_space<vmem>> -> memref<1x50x32xf32, #tpu.memory_space<vmem>>
      %dma_wait3A_1450 = tpu.memref_squeeze %dma_wait3A_1449 : memref<1x50x32xf32, #tpu.memory_space<vmem>> -> memref<50x32xf32, #tpu.memory_space<vmem>>
      %dma_wait3A_1451 = arith.constant 0 : i32
      %dma_wait3A_1452 = tpu.memref_slice %arg5[%add3A_1243, %dma_wait3A_1451] : memref<512x50xi32, #tpu.memory_space<vmem>> -> memref<1x50xi32, #tpu.memory_space<vmem>>
      %dma_wait3A_1453 = tpu.memref_squeeze %dma_wait3A_1452 : memref<1x50xi32, #tpu.memory_space<vmem>> -> memref<50xi32, #tpu.memory_space<vmem>>
      %dma_wait3A_1454 = arith.constant 0 : i32
      %dma_wait3A_1455 = arith.constant 0 : i32
      %dma_wait3A_1456 = tpu.memref_slice %arg2[%dma_wait3A_1454, %dma_wait3A_1455] : memref<1000x32xf32, #tpu.memory_space<hbm>> -> memref<1000x32xf32, #tpu.memory_space<hbm>>
      tpu.wait_indirect_dma semaphore(%arg8 : memref<!tpu.dma_semaphore, #tpu.memory_space<semaphore_mem>>) src(%dma_wait3A_1456 : memref<1000x32xf32, #tpu.memory_space<hbm>>) dst(%dma_wait3A_1450 : memref<50x32xf32, #tpu.memory_space<vmem>>)
      %dma_wait3A_1457 = arith.constant 3 : i32
      %dma_wait3A_1458 = arith.constant 0 : i32
      %dma_wait3A_1459 = arith.constant 0 : i32
      %dma_wait3A_1460 = tpu.memref_slice %arg7[%dma_wait3A_1457, %dma_wait3A_1458, %dma_wait3A_1459] : memref<16x50x32xf32, #tpu.memory_space<vmem>> -> memref<1x50x32xf32, #tpu.memory_space<vmem>>
      %dma_wait3A_1461 = tpu.memref_squeeze %dma_wait3A_1460 : memref<1x50x32xf32, #tpu.memory_space<vmem>> -> memref<50x32xf32, #tpu.memory_space<vmem>>
      %dma_wait3A_1462 = arith.constant 0 : i32
      %dma_wait3A_1463 = tpu.memref_slice %arg5[%add3A_1256, %dma_wait3A_1462] : memref<512x50xi32, #tpu.memory_space<vmem>> -> memref<1x50xi32, #tpu.memory_space<vmem>>
      %dma_wait3A_1464 = tpu.memref_squeeze %dma_wait3A_1463 : memref<1x50xi32, #tpu.memory_space<vmem>> -> memref<50xi32, #tpu.memory_space<vmem>>
      %dma_wait3A_1465 = arith.constant 0 : i32
      %dma_wait3A_1466 = arith.constant 0 : i32
      %dma_wait3A_1467 = tpu.memref_slice %arg2[%dma_wait3A_1465, %dma_wait3A_1466] : memref<1000x32xf32, #tpu.memory_space<hbm>> -> memref<1000x32xf32, #tpu.memory_space<hbm>>
      tpu.wait_indirect_dma semaphore(%arg8 : memref<!tpu.dma_semaphore, #tpu.memory_space<semaphore_mem>>) src(%dma_wait3A_1467 : memref<1000x32xf32, #tpu.memory_space<hbm>>) dst(%dma_wait3A_1461 : memref<50x32xf32, #tpu.memory_space<vmem>>)
      %dma_wait3A_1468 = arith.constant 4 : i32
      %dma_wait3A_1469 = arith.constant 0 : i32
      %dma_wait3A_1470 = arith.constant 0 : i32
      %dma_wait3A_1471 = tpu.memref_slice %arg7[%dma_wait3A_1468, %dma_wait3A_1469, %dma_wait3A_1470] : memref<16x50x32xf32, #tpu.memory_space<vmem>> -> memref<1x50x32xf32, #tpu.memory_space<vmem>>
      %dma_wait3A_1472 = tpu.memref_squeeze %dma_wait3A_1471 : memref<1x50x32xf32, #tpu.memory_space<vmem>> -> memref<50x32xf32, #tpu.memory_space<vmem>>
      %dma_wait3A_1473 = arith.constant 0 : i32
      %dma_wait3A_1474 = tpu.memref_slice %arg5[%add3A_1269, %dma_wait3A_1473] : memref<512x50xi32, #tpu.memory_space<vmem>> -> memref<1x50xi32, #tpu.memory_space<vmem>>
      %dma_wait3A_1475 = tpu.memref_squeeze %dma_wait3A_1474 : memref<1x50xi32, #tpu.memory_space<vmem>> -> memref<50xi32, #tpu.memory_space<vmem>>
      %dma_wait3A_1476 = arith.constant 0 : i32
      %dma_wait3A_1477 = arith.constant 0 : i32
      %dma_wait3A_1478 = tpu.memref_slice %arg2[%dma_wait3A_1476, %dma_wait3A_1477] : memref<1000x32xf32, #tpu.memory_space<hbm>> -> memref<1000x32xf32, #tpu.memory_space<hbm>>
      tpu.wait_indirect_dma semaphore(%arg8 : memref<!tpu.dma_semaphore, #tpu.memory_space<semaphore_mem>>) src(%dma_wait3A_1478 : memref<1000x32xf32, #tpu.memory_space<hbm>>) dst(%dma_wait3A_1472 : memref<50x32xf32, #tpu.memory_space<vmem>>)
      %dma_wait3A_1479 = arith.constant 5 : i32
      %dma_wait3A_1480 = arith.constant 0 : i32
      %dma_wait3A_1481 = arith.constant 0 : i32
      %dma_wait3A_1482 = tpu.memref_slice %arg7[%dma_wait3A_1479, %dma_wait3A_1480, %dma_wait3A_1481] : memref<16x50x32xf32, #tpu.memory_space<vmem>> -> memref<1x50x32xf32, #tpu.memory_space<vmem>>
      %dma_wait3A_1483 = tpu.memref_squeeze %dma_wait3A_1482 : memref<1x50x32xf32, #tpu.memory_space<vmem>> -> memref<50x32xf32, #tpu.memory_space<vmem>>
      %dma_wait3A_1484 = arith.constant 0 : i32
      %dma_wait3A_1485 = tpu.memref_slice %arg5[%add3A_1282, %dma_wait3A_1484] : memref<512x50xi32, #tpu.memory_space<vmem>> -> memref<1x50xi32, #tpu.memory_space<vmem>>
      %dma_wait3A_1486 = tpu.memref_squeeze %dma_wait3A_1485 : memref<1x50xi32, #tpu.memory_space<vmem>> -> memref<50xi32, #tpu.memory_space<vmem>>
      %dma_wait3A_1487 = arith.constant 0 : i32
      %dma_wait3A_1488 = arith.constant 0 : i32
      %dma_wait3A_1489 = tpu.memref_slice %arg2[%dma_wait3A_1487, %dma_wait3A_1488] : memref<1000x32xf32, #tpu.memory_space<hbm>> -> memref<1000x32xf32, #tpu.memory_space<hbm>>
      tpu.wait_indirect_dma semaphore(%arg8 : memref<!tpu.dma_semaphore, #tpu.memory_space<semaphore_mem>>) src(%dma_wait3A_1489 : memref<1000x32xf32, #tpu.memory_space<hbm>>) dst(%dma_wait3A_1483 : memref<50x32xf32, #tpu.memory_space<vmem>>)
      %dma_wait3A_1490 = arith.constant 6 : i32
      %dma_wait3A_1491 = arith.constant 0 : i32
      %dma_wait3A_1492 = arith.constant 0 : i32
      %dma_wait3A_1493 = tpu.memref_slice %arg7[%dma_wait3A_1490, %dma_wait3A_1491, %dma_wait3A_1492] : memref<16x50x32xf32, #tpu.memory_space<vmem>> -> memref<1x50x32xf32, #tpu.memory_space<vmem>>
      %dma_wait3A_1494 = tpu.memref_squeeze %dma_wait3A_1493 : memref<1x50x32xf32, #tpu.memory_space<vmem>> -> memref<50x32xf32, #tpu.memory_space<vmem>>
      %dma_wait3A_1495 = arith.constant 0 : i32
      %dma_wait3A_1496 = tpu.memref_slice %arg5[%add3A_1295, %dma_wait3A_1495] : memref<512x50xi32, #tpu.memory_space<vmem>> -> memref<1x50xi32, #tpu.memory_space<vmem>>
      %dma_wait3A_1497 = tpu.memref_squeeze %dma_wait3A_1496 : memref<1x50xi32, #tpu.memory_space<vmem>> -> memref<50xi32, #tpu.memory_space<vmem>>
      %dma_wait3A_1498 = arith.constant 0 : i32
      %dma_wait3A_1499 = arith.constant 0 : i32
      %dma_wait3A_1500 = tpu.memref_slice %arg2[%dma_wait3A_1498, %dma_wait3A_1499] : memref<1000x32xf32, #tpu.memory_space<hbm>> -> memref<1000x32xf32, #tpu.memory_space<hbm>>
      tpu.wait_indirect_dma semaphore(%arg8 : memref<!tpu.dma_semaphore, #tpu.memory_space<semaphore_mem>>) src(%dma_wait3A_1500 : memref<1000x32xf32, #tpu.memory_space<hbm>>) dst(%dma_wait3A_1494 : memref<50x32xf32, #tpu.memory_space<vmem>>)
      %dma_wait3A_1501 = arith.constant 7 : i32
      %dma_wait3A_1502 = arith.constant 0 : i32
      %dma_wait3A_1503 = arith.constant 0 : i32
      %dma_wait3A_1504 = tpu.memref_slice %arg7[%dma_wait3A_1501, %dma_wait3A_1502, %dma_wait3A_1503] : memref<16x50x32xf32, #tpu.memory_space<vmem>> -> memref<1x50x32xf32, #tpu.memory_space<vmem>>
      %dma_wait3A_1505 = tpu.memref_squeeze %dma_wait3A_1504 : memref<1x50x32xf32, #tpu.memory_space<vmem>> -> memref<50x32xf32, #tpu.memory_space<vmem>>
      %dma_wait3A_1506 = arith.constant 0 : i32
      %dma_wait3A_1507 = tpu.memref_slice %arg5[%add3A_1308, %dma_wait3A_1506] : memref<512x50xi32, #tpu.memory_space<vmem>> -> memref<1x50xi32, #tpu.memory_space<vmem>>
      %dma_wait3A_1508 = tpu.memref_squeeze %dma_wait3A_1507 : memref<1x50xi32, #tpu.memory_space<vmem>> -> memref<50xi32, #tpu.memory_space<vmem>>
      %dma_wait3A_1509 = arith.constant 0 : i32
      %dma_wait3A_1510 = arith.constant 0 : i32
      %dma_wait3A_1511 = tpu.memref_slice %arg2[%dma_wait3A_1509, %dma_wait3A_1510] : memref<1000x32xf32, #tpu.memory_space<hbm>> -> memref<1000x32xf32, #tpu.memory_space<hbm>>
      tpu.wait_indirect_dma semaphore(%arg8 : memref<!tpu.dma_semaphore, #tpu.memory_space<semaphore_mem>>) src(%dma_wait3A_1511 : memref<1000x32xf32, #tpu.memory_space<hbm>>) dst(%dma_wait3A_1505 : memref<50x32xf32, #tpu.memory_space<vmem>>)
      %dma_wait3A_1512 = arith.constant 8 : i32
      %dma_wait3A_1513 = arith.constant 0 : i32
      %dma_wait3A_1514 = arith.constant 0 : i32
      %dma_wait3A_1515 = tpu.memref_slice %arg7[%dma_wait3A_1512, %dma_wait3A_1513, %dma_wait3A_1514] : memref<16x50x32xf32, #tpu.memory_space<vmem>> -> memref<1x50x32xf32, #tpu.memory_space<vmem>>
      %dma_wait3A_1516 = tpu.memref_squeeze %dma_wait3A_1515 : memref<1x50x32xf32, #tpu.memory_space<vmem>> -> memref<50x32xf32, #tpu.memory_space<vmem>>
      %dma_wait3A_1517 = arith.constant 0 : i32
      %dma_wait3A_1518 = tpu.memref_slice %arg5[%add3A_1321, %dma_wait3A_1517] : memref<512x50xi32, #tpu.memory_space<vmem>> -> memref<1x50xi32, #tpu.memory_space<vmem>>
      %dma_wait3A_1519 = tpu.memref_squeeze %dma_wait3A_1518 : memref<1x50xi32, #tpu.memory_space<vmem>> -> memref<50xi32, #tpu.memory_space<vmem>>
      %dma_wait3A_1520 = arith.constant 0 : i32
      %dma_wait3A_1521 = arith.constant 0 : i32
      %dma_wait3A_1522 = tpu.memref_slice %arg2[%dma_wait3A_1520, %dma_wait3A_1521] : memref<1000x32xf32, #tpu.memory_space<hbm>> -> memref<1000x32xf32, #tpu.memory_space<hbm>>
      tpu.wait_indirect_dma semaphore(%arg8 : memref<!tpu.dma_semaphore, #tpu.memory_space<semaphore_mem>>) src(%dma_wait3A_1522 : memref<1000x32xf32, #tpu.memory_space<hbm>>) dst(%dma_wait3A_1516 : memref<50x32xf32, #tpu.memory_space<vmem>>)
      %dma_wait3A_1523 = arith.constant 9 : i32
      %dma_wait3A_1524 = arith.constant 0 : i32
      %dma_wait3A_1525 = arith.constant 0 : i32
      %dma_wait3A_1526 = tpu.memref_slice %arg7[%dma_wait3A_1523, %dma_wait3A_1524, %dma_wait3A_1525] : memref<16x50x32xf32, #tpu.memory_space<vmem>> -> memref<1x50x32xf32, #tpu.memory_space<vmem>>
      %dma_wait3A_1527 = tpu.memref_squeeze %dma_wait3A_1526 : memref<1x50x32xf32, #tpu.memory_space<vmem>> -> memref<50x32xf32, #tpu.memory_space<vmem>>
      %dma_wait3A_1528 = arith.constant 0 : i32
      %dma_wait3A_1529 = tpu.memref_slice %arg5[%add3A_1334, %dma_wait3A_1528] : memref<512x50xi32, #tpu.memory_space<vmem>> -> memref<1x50xi32, #tpu.memory_space<vmem>>
      %dma_wait3A_1530 = tpu.memref_squeeze %dma_wait3A_1529 : memref<1x50xi32, #tpu.memory_space<vmem>> -> memref<50xi32, #tpu.memory_space<vmem>>
      %dma_wait3A_1531 = arith.constant 0 : i32
      %dma_wait3A_1532 = arith.constant 0 : i32
      %dma_wait3A_1533 = tpu.memref_slice %arg2[%dma_wait3A_1531, %dma_wait3A_1532] : memref<1000x32xf32, #tpu.memory_space<hbm>> -> memref<1000x32xf32, #tpu.memory_space<hbm>>
      tpu.wait_indirect_dma semaphore(%arg8 : memref<!tpu.dma_semaphore, #tpu.memory_space<semaphore_mem>>) src(%dma_wait3A_1533 : memref<1000x32xf32, #tpu.memory_space<hbm>>) dst(%dma_wait3A_1527 : memref<50x32xf32, #tpu.memory_space<vmem>>)
      %dma_wait3A_1534 = arith.constant 10 : i32
      %dma_wait3A_1535 = arith.constant 0 : i32
      %dma_wait3A_1536 = arith.constant 0 : i32
      %dma_wait3A_1537 = tpu.memref_slice %arg7[%dma_wait3A_1534, %dma_wait3A_1535, %dma_wait3A_1536] : memref<16x50x32xf32, #tpu.memory_space<vmem>> -> memref<1x50x32xf32, #tpu.memory_space<vmem>>
      %dma_wait3A_1538 = tpu.memref_squeeze %dma_wait3A_1537 : memref<1x50x32xf32, #tpu.memory_space<vmem>> -> memref<50x32xf32, #tpu.memory_space<vmem>>
      %dma_wait3A_1539 = arith.constant 0 : i32
      %dma_wait3A_1540 = tpu.memref_slice %arg5[%add3A_1347, %dma_wait3A_1539] : memref<512x50xi32, #tpu.memory_space<vmem>> -> memref<1x50xi32, #tpu.memory_space<vmem>>
      %dma_wait3A_1541 = tpu.memref_squeeze %dma_wait3A_1540 : memref<1x50xi32, #tpu.memory_space<vmem>> -> memref<50xi32, #tpu.memory_space<vmem>>
      %dma_wait3A_1542 = arith.constant 0 : i32
      %dma_wait3A_1543 = arith.constant 0 : i32
      %dma_wait3A_1544 = tpu.memref_slice %arg2[%dma_wait3A_1542, %dma_wait3A_1543] : memref<1000x32xf32, #tpu.memory_space<hbm>> -> memref<1000x32xf32, #tpu.memory_space<hbm>>
      tpu.wait_indirect_dma semaphore(%arg8 : memref<!tpu.dma_semaphore, #tpu.memory_space<semaphore_mem>>) src(%dma_wait3A_1544 : memref<1000x32xf32, #tpu.memory_space<hbm>>) dst(%dma_wait3A_1538 : memref<50x32xf32, #tpu.memory_space<vmem>>)
      %dma_wait3A_1545 = arith.constant 11 : i32
      %dma_wait3A_1546 = arith.constant 0 : i32
      %dma_wait3A_1547 = arith.constant 0 : i32
      %dma_wait3A_1548 = tpu.memref_slice %arg7[%dma_wait3A_1545, %dma_wait3A_1546, %dma_wait3A_1547] : memref<16x50x32xf32, #tpu.memory_space<vmem>> -> memref<1x50x32xf32, #tpu.memory_space<vmem>>
      %dma_wait3A_1549 = tpu.memref_squeeze %dma_wait3A_1548 : memref<1x50x32xf32, #tpu.memory_space<vmem>> -> memref<50x32xf32, #tpu.memory_space<vmem>>
      %dma_wait3A_1550 = arith.constant 0 : i32
      %dma_wait3A_1551 = tpu.memref_slice %arg5[%add3A_1360, %dma_wait3A_1550] : memref<512x50xi32, #tpu.memory_space<vmem>> -> memref<1x50xi32, #tpu.memory_space<vmem>>
      %dma_wait3A_1552 = tpu.memref_squeeze %dma_wait3A_1551 : memref<1x50xi32, #tpu.memory_space<vmem>> -> memref<50xi32, #tpu.memory_space<vmem>>
      %dma_wait3A_1553 = arith.constant 0 : i32
      %dma_wait3A_1554 = arith.constant 0 : i32
      %dma_wait3A_1555 = tpu.memref_slice %arg2[%dma_wait3A_1553, %dma_wait3A_1554] : memref<1000x32xf32, #tpu.memory_space<hbm>> -> memref<1000x32xf32, #tpu.memory_space<hbm>>
      tpu.wait_indirect_dma semaphore(%arg8 : memref<!tpu.dma_semaphore, #tpu.memory_space<semaphore_mem>>) src(%dma_wait3A_1555 : memref<1000x32xf32, #tpu.memory_space<hbm>>) dst(%dma_wait3A_1549 : memref<50x32xf32, #tpu.memory_space<vmem>>)
      %dma_wait3A_1556 = arith.constant 12 : i32
      %dma_wait3A_1557 = arith.constant 0 : i32
      %dma_wait3A_1558 = arith.constant 0 : i32
      %dma_wait3A_1559 = tpu.memref_slice %arg7[%dma_wait3A_1556, %dma_wait3A_1557, %dma_wait3A_1558] : memref<16x50x32xf32, #tpu.memory_space<vmem>> -> memref<1x50x32xf32, #tpu.memory_space<vmem>>
      %dma_wait3A_1560 = tpu.memref_squeeze %dma_wait3A_1559 : memref<1x50x32xf32, #tpu.memory_space<vmem>> -> memref<50x32xf32, #tpu.memory_space<vmem>>
      %dma_wait3A_1561 = arith.constant 0 : i32
      %dma_wait3A_1562 = tpu.memref_slice %arg5[%add3A_1373, %dma_wait3A_1561] : memref<512x50xi32, #tpu.memory_space<vmem>> -> memref<1x50xi32, #tpu.memory_space<vmem>>
      %dma_wait3A_1563 = tpu.memref_squeeze %dma_wait3A_1562 : memref<1x50xi32, #tpu.memory_space<vmem>> -> memref<50xi32, #tpu.memory_space<vmem>>
      %dma_wait3A_1564 = arith.constant 0 : i32
      %dma_wait3A_1565 = arith.constant 0 : i32
      %dma_wait3A_1566 = tpu.memref_slice %arg2[%dma_wait3A_1564, %dma_wait3A_1565] : memref<1000x32xf32, #tpu.memory_space<hbm>> -> memref<1000x32xf32, #tpu.memory_space<hbm>>
      tpu.wait_indirect_dma semaphore(%arg8 : memref<!tpu.dma_semaphore, #tpu.memory_space<semaphore_mem>>) src(%dma_wait3A_1566 : memref<1000x32xf32, #tpu.memory_space<hbm>>) dst(%dma_wait3A_1560 : memref<50x32xf32, #tpu.memory_space<vmem>>)
      %dma_wait3A_1567 = arith.constant 13 : i32
      %dma_wait3A_1568 = arith.constant 0 : i32
      %dma_wait3A_1569 = arith.constant 0 : i32
      %dma_wait3A_1570 = tpu.memref_slice %arg7[%dma_wait3A_1567, %dma_wait3A_1568, %dma_wait3A_1569] : memref<16x50x32xf32, #tpu.memory_space<vmem>> -> memref<1x50x32xf32, #tpu.memory_space<vmem>>
      %dma_wait3A_1571 = tpu.memref_squeeze %dma_wait3A_1570 : memref<1x50x32xf32, #tpu.memory_space<vmem>> -> memref<50x32xf32, #tpu.memory_space<vmem>>
      %dma_wait3A_1572 = arith.constant 0 : i32
      %dma_wait3A_1573 = tpu.memref_slice %arg5[%add3A_1386, %dma_wait3A_1572] : memref<512x50xi32, #tpu.memory_space<vmem>> -> memref<1x50xi32, #tpu.memory_space<vmem>>
      %dma_wait3A_1574 = tpu.memref_squeeze %dma_wait3A_1573 : memref<1x50xi32, #tpu.memory_space<vmem>> -> memref<50xi32, #tpu.memory_space<vmem>>
      %dma_wait3A_1575 = arith.constant 0 : i32
      %dma_wait3A_1576 = arith.constant 0 : i32
      %dma_wait3A_1577 = tpu.memref_slice %arg2[%dma_wait3A_1575, %dma_wait3A_1576] : memref<1000x32xf32, #tpu.memory_space<hbm>> -> memref<1000x32xf32, #tpu.memory_space<hbm>>
      tpu.wait_indirect_dma semaphore(%arg8 : memref<!tpu.dma_semaphore, #tpu.memory_space<semaphore_mem>>) src(%dma_wait3A_1577 : memref<1000x32xf32, #tpu.memory_space<hbm>>) dst(%dma_wait3A_1571 : memref<50x32xf32, #tpu.memory_space<vmem>>)
      %dma_wait3A_1578 = arith.constant 14 : i32
      %dma_wait3A_1579 = arith.constant 0 : i32
      %dma_wait3A_1580 = arith.constant 0 : i32
      %dma_wait3A_1581 = tpu.memref_slice %arg7[%dma_wait3A_1578, %dma_wait3A_1579, %dma_wait3A_1580] : memref<16x50x32xf32, #tpu.memory_space<vmem>> -> memref<1x50x32xf32, #tpu.memory_space<vmem>>
      %dma_wait3A_1582 = tpu.memref_squeeze %dma_wait3A_1581 : memref<1x50x32xf32, #tpu.memory_space<vmem>> -> memref<50x32xf32, #tpu.memory_space<vmem>>
      %dma_wait3A_1583 = arith.constant 0 : i32
      %dma_wait3A_1584 = tpu.memref_slice %arg5[%add3A_1399, %dma_wait3A_1583] : memref<512x50xi32, #tpu.memory_space<vmem>> -> memref<1x50xi32, #tpu.memory_space<vmem>>
      %dma_wait3A_1585 = tpu.memref_squeeze %dma_wait3A_1584 : memref<1x50xi32, #tpu.memory_space<vmem>> -> memref<50xi32, #tpu.memory_space<vmem>>
      %dma_wait3A_1586 = arith.constant 0 : i32
      %dma_wait3A_1587 = arith.constant 0 : i32
      %dma_wait3A_1588 = tpu.memref_slice %arg2[%dma_wait3A_1586, %dma_wait3A_1587] : memref<1000x32xf32, #tpu.memory_space<hbm>> -> memref<1000x32xf32, #tpu.memory_space<hbm>>
      tpu.wait_indirect_dma semaphore(%arg8 : memref<!tpu.dma_semaphore, #tpu.memory_space<semaphore_mem>>) src(%dma_wait3A_1588 : memref<1000x32xf32, #tpu.memory_space<hbm>>) dst(%dma_wait3A_1582 : memref<50x32xf32, #tpu.memory_space<vmem>>)
      %dma_wait3A_1589 = arith.constant 15 : i32
      %dma_wait3A_1590 = arith.constant 0 : i32
      %dma_wait3A_1591 = arith.constant 0 : i32
      %dma_wait3A_1592 = tpu.memref_slice %arg7[%dma_wait3A_1589, %dma_wait3A_1590, %dma_wait3A_1591] : memref<16x50x32xf32, #tpu.memory_space<vmem>> -> memref<1x50x32xf32, #tpu.memory_space<vmem>>
      %dma_wait3A_1593 = tpu.memref_squeeze %dma_wait3A_1592 : memref<1x50x32xf32, #tpu.memory_space<vmem>> -> memref<50x32xf32, #tpu.memory_space<vmem>>
      %dma_wait3A_1594 = arith.constant 0 : i32
      %dma_wait3A_1595 = tpu.memref_slice %arg5[%add3A_1412, %dma_wait3A_1594] : memref<512x50xi32, #tpu.memory_space<vmem>> -> memref<1x50xi32, #tpu.memory_space<vmem>>
      %dma_wait3A_1596 = tpu.memref_squeeze %dma_wait3A_1595 : memref<1x50xi32, #tpu.memory_space<vmem>> -> memref<50xi32, #tpu.memory_space<vmem>>
      %dma_wait3A_1597 = arith.constant 0 : i32
      %dma_wait3A_1598 = arith.constant 0 : i32
      %dma_wait3A_1599 = tpu.memref_slice %arg2[%dma_wait3A_1597, %dma_wait3A_1598] : memref<1000x32xf32, #tpu.memory_space<hbm>> -> memref<1000x32xf32, #tpu.memory_space<hbm>>
      tpu.wait_indirect_dma semaphore(%arg8 : memref<!tpu.dma_semaphore, #tpu.memory_space<semaphore_mem>>) src(%dma_wait3A_1599 : memref<1000x32xf32, #tpu.memory_space<hbm>>) dst(%dma_wait3A_1593 : memref<50x32xf32, #tpu.memory_space<vmem>>)
      %add3A_1600 = arith.constant 1 : i32
      %add3A_1601 = arith.addi %mul3A_804, %add3A_1600 : i32
      %mul3A_1602 = arith.constant 16 : i32
      %mul3A_1603 = arith.muli %add3A_1601, %mul3A_1602 : i32
      %add3A_1604 = arith.addi %mul3A_2, %mul3A_1603 : i32
      %dma_start3A_1605 = arith.constant 0 : i32
      %dma_start3A_1606 = arith.constant 0 : i32
      %dma_start3A_1607 = tpu.memref_slice %arg4[%add3A_1604, %dma_start3A_1605, %dma_start3A_1606] : memref<16384x50x32xf32, #tpu.memory_space<hbm>> -> memref<16x50x32xf32, #tpu.memory_space<hbm>>
      %dma_start3A_1608 = arith.constant 0 : i32
      %dma_start3A_1609 = arith.constant 0 : i32
      %dma_start3A_1610 = tpu.memref_slice %arg4[%add3A_1604, %dma_start3A_1608, %dma_start3A_1609] : memref<16384x50x32xf32, #tpu.memory_space<hbm>> -> memref<16x50x32xf32, #tpu.memory_space<hbm>>
      tpu.enqueue_dma source(%arg7 : memref<16x50x32xf32, #tpu.memory_space<vmem>>) target(%dma_start3A_1610 : memref<16x50x32xf32, #tpu.memory_space<hbm>>) target_semaphore(%arg9 : memref<!tpu.dma_semaphore, #tpu.memory_space<semaphore_mem>>)
    }
    %scan3A_789 = arith.constant 15 : i32
    %dma_wait3A_790 = arith.constant 0 : i32
    %dma_wait3A_791 = arith.constant 0 : i32
    %dma_wait3A_792 = tpu.memref_slice %arg4[%mul3A_2, %dma_wait3A_790, %dma_wait3A_791] : memref<16384x50x32xf32, #tpu.memory_space<hbm>> -> memref<16x50x32xf32, #tpu.memory_space<hbm>>
    %dma_wait3A_793 = arith.constant 0 : i32
    %dma_wait3A_794 = arith.constant 0 : i32
    %dma_wait3A_795 = tpu.memref_slice %arg4[%mul3A_2, %dma_wait3A_793, %dma_wait3A_794] : memref<16384x50x32xf32, #tpu.memory_space<hbm>> -> memref<16x50x32xf32, #tpu.memory_space<hbm>>
    tpu.wait_dma2 semaphore(%arg9 : memref<!tpu.dma_semaphore, #tpu.memory_space<semaphore_mem>>) src(%arg6 : memref<16x50x32xf32, #tpu.memory_space<vmem>>) dst(%dma_wait3A_795 : memref<16x50x32xf32, #tpu.memory_space<hbm>>)
    %dma_wait3A_796 = arith.constant 0 : i32
    %dma_wait3A_797 = arith.constant 0 : i32
    %dma_wait3A_798 = tpu.memref_slice %arg4[%mul3A_2, %dma_wait3A_796, %dma_wait3A_797] : memref<16384x50x32xf32, #tpu.memory_space<hbm>> -> memref<16x50x32xf32, #tpu.memory_space<hbm>>
    %dma_wait3A_799 = arith.constant 0 : i32
    %dma_wait3A_800 = arith.constant 0 : i32
    %dma_wait3A_801 = tpu.memref_slice %arg4[%mul3A_2, %dma_wait3A_799, %dma_wait3A_800] : memref<16384x50x32xf32, #tpu.memory_space<hbm>> -> memref<16x50x32xf32, #tpu.memory_space<hbm>>
    tpu.wait_dma2 semaphore(%arg9 : memref<!tpu.dma_semaphore, #tpu.memory_space<semaphore_mem>>) src(%arg7 : memref<16x50x32xf32, #tpu.memory_space<vmem>>) dst(%dma_wait3A_801 : memref<16x50x32xf32, #tpu.memory_space<hbm>>)
    return
  }
}

</mosaic_0001>

<sc_bundles>
// kernel: kernel.3.cloned.1.call-start
scs
__scs_entry_jumppad:
0x0: {  	(pc) =	sbr.rel $0x88, $3  }
0x1: {  	(tag) =	ssettag $0x0;
	lr =	simm.s32 $0x1  }
0x2: {  	[smem:$0x3F9F] =	sst lr;
	_ =	strace $0xD0000000  }
0x3: {  	_ = 	snop  }
0x4: {  	_ = 	snop  }
0x5: {  	_ = 	snop  }
0x6: {  	_ = 	snop  }
0x7: {  	_ = 	snop  }
__scs_overlays_trampoline_lowered:
0x8: {  	[smem:$0x3FAE] =	sst s0  }
0x9: {  	[smem:$0x3FAF] =	sst s1  }
0xa: {  	[smem:$0x3FB0] =	sst s2  }
0xb: {  	[smem:$0x3FB1] =	sst s3  }
0xc: {  	[smem:$0x3FB2] =	sst s4  }
0xd: {  	[smem:$0x3FB3] =	sst s5  }
0xe: {  	[smem:$0x3FB4] =	sst s6  }
0xf: {  	[smem:$0x3FB5] =	sst s7  }
0x10: {  	[smem:$0x3FB6] =	sst s8  }
0x11: {  	[smem:$0x3FB7] =	sst s9;
	s0 =	simm.s32 @!p0 $0x0  }
0x12: {  	s1 =	sld [smem:$0x3F9D];
	s0 =	simm.s32 @p0 $0x1  }
0x13: {  	[smem:$0x3FB8] =	sst s0;
	s0 =	simm.s32 @!p1 $0x0  }
0x14: {  	s2 =	sld [smem:$0x3F9C];
	s0 =	simm.s32 @p1 $0x1  }
0x15: {  	[smem:$0x3FB9] =	sst s0;
	s0 =	simm.s32 @!p2 $0x0  }
0x16: {  	s3 =	sld [smem:$0x3FDB];
	s0 =	simm.s32 @p2 $0x1  }
0x17: {  	s4 =	simm.s32 $0x1BF5;
	[smem:$0x3FBB] =	sst s0  }
0x18: {  	s0 =	sld [smem:$0x3F9E];
	_ =	swait.ge [sflag:s4], $0x0  }
0x19: {  	s7 =	sld [smem:$0x3F9F]  }
0x1a: {  	s8 =	sadd.s32 $0xFFFFE003, lr  }
0x1b: {  	s9 =	sadd.s32 $0xFFFFFEF7, lr;
	s5 =	simm.s32 $0xFFFFFFFF;
	p2 =	slt.u32 s8, $0xFFFFF086  }
0x1c: {  	p1 =	slt.u32 s9, $0xF7A;
	s5 =	simm.s32 @!p2 $0x0  }
0x1d: {  	s5 =	simm.s32 @p1 $0x1;
	p0 =	seq.s32 s7, s2  }
0x1e: {  	s7 =	smul.u32 @!p0 $0xF7A, s2;
	p2 =	seq.s32 @!p0 s5, $0x0  }
0x1f: {  	s9 =	smul.u32 $0xF7A, s1;
	s8 =	simm.s32 @!p0 $0x1BF5;
	p2 =	por !p2, p0  }
0x20: {  	[sflag:s8] =	ssyncset.s32 @!p0 $0xFFFFF086;
	s6 =	sadd.s32 @!p0 s3, s7;
	s7 =	simm.s32 @!p0 $0x108  }
0x21: {  	s3 =	sadd.s32 s3, s9;
	s6 =	sadd.s32 @!p0 $0x88, s6;
	s7 =	simm.s32 @p2 $0x1082  }
0x22: {  	[simem:s7], [sflag:s8] =	dma.local @!p0 [hbm:s6], $0xF7A  }
0x23: {  	s9 =	sor.u32 $0xD0000000, s2;
	s6 =	simm.s32 $0x108;
	_ =	swait.ge @!p0 [sflag:s8], $0x0  }
0x24: {  	s3 =	sadd.s32 $0x88, s3;
	s6 =	simm.s32 @!p1 $0x1082;
	[sflag:s4] =	ssyncset.s32 $0xFFFFF086  }
0x25: {  	[simem:s6], [sflag:s4] =	dma.local [hbm:s3], $0xF7A  }
0x26: {  	[smem:$0x3F9F] =	sst s1;
	(tag) =	ssettag s2;
	_ =	strace s9  }
0x27: {  	s1 =	sld [smem:$0x3FAF]  }
0x28: {  	s2 =	sld [smem:$0x3FB0]  }
0x29: {  	s4 =	sld [smem:$0x3FB2]  }
0x2a: {  	p0 =	seq.s32 s5, $0x0;
	s5 =	sld [smem:$0x3FB3]  }
0x2b: {  	s6 =	sld [smem:$0x3FB4]  }
0x2c: {  	s7 =	sld [smem:$0x3FB5]  }
0x2d: {  	s3 =	simm.s32 $0x108;
	s8 =	sld [smem:$0x3FB6]  }
0x2e: {  	s3 =	simm.s32 @!p0 $0x1082;
	s9 =	sld [smem:$0x3FB7]  }
0x2f: {  	lr =	sadd.s32 s0, s3;
	s0 =	sld [smem:$0x3FAE]  }
0x30: {  	s3 =	sld [smem:$0x3FB1]  }
0x31: {  	[smem:$0x3FBA] =	sst s10  }
0x32: {  	s10 =	sld [smem:$0x3FB8];
	_ =	sdelay $0x3  }
0x33: {  	p0 =	seq.s32 s10, $0x1;
	s10 =	sld [smem:$0x3FBA];
	_ =	sdelay $0x3  }
0x34: {  	[smem:$0x3FBA] =	sst s10  }
0x35: {  	s10 =	sld [smem:$0x3FB9];
	_ =	sdelay $0x3  }
0x36: {  	p1 =	seq.s32 s10, $0x1;
	s10 =	sld [smem:$0x3FBA];
	_ =	sdelay $0x3  }
0x37: {  	[smem:$0x3FBA] =	sst s10  }
0x38: {  	s10 =	sld [smem:$0x3FBB]  }
0x39: {  	_ = 	snop;
	(pc) =	sbr.ind lr, $3  }
0x3a: {  	_ = 	snop  }
0x3b: {  	_ = 	snop  }
0x3c: {  	p2 =	seq.s32 s10, $0x1;
	s10 =	sld [smem:$0x3FBA]  }
0x3d: {  	_ =	shalt  }
0x3e: {  	_ =	shalt  }
0x3f: {  	_ =	shalt  }
0x40: {  	_ =	shalt  }
0x41: {  	_ =	shalt  }
0x42: {  	_ =	shalt  }
0x43: {  	_ =	shalt  }
0x44: {  	_ =	shalt  }
0x45: {  	_ =	shalt  }
0x46: {  	_ =	shalt  }
0x47: {  	_ =	shalt  }
0x48: {  	_ =	shalt  }
0x49: {  	_ =	shalt  }
0x4a: {  	_ =	shalt  }
0x4b: {  	_ =	shalt  }
0x4c: {  	_ =	shalt  }
0x4d: {  	_ =	shalt  }
0x4e: {  	_ =	shalt  }
0x4f: {  	_ =	shalt  }
0x50: {  	_ =	shalt  }
0x51: {  	_ =	shalt  }
0x52: {  	_ =	shalt  }
0x53: {  	_ =	shalt  }
0x54: {  	_ =	shalt  }
0x55: {  	_ =	shalt  }
0x56: {  	_ =	shalt  }
0x57: {  	_ =	shalt  }
0x58: {  	_ =	shalt  }
0x59: {  	_ =	shalt  }
0x5a: {  	_ =	shalt  }
0x5b: {  	_ =	shalt  }
0x5c: {  	_ =	shalt  }
0x5d: {  	_ =	shalt  }
0x5e: {  	_ =	shalt  }
0x5f: {  	_ =	shalt  }
0x60: {  	_ =	shalt  }
0x61: {  	_ =	shalt  }
0x62: {  	_ =	shalt  }
0x63: {  	_ =	shalt  }
0x64: {  	_ =	shalt  }
0x65: {  	_ =	shalt  }
0x66: {  	_ =	shalt  }
0x67: {  	_ =	shalt  }
0x68: {  	_ =	shalt  }
0x69: {  	_ =	shalt  }
0x6a: {  	_ =	shalt  }
0x6b: {  	_ =	shalt  }
0x6c: {  	_ =	shalt  }
0x6d: {  	_ =	shalt  }
0x6e: {  	_ =	shalt  }
0x6f: {  	_ =	shalt  }
0x70: {  	_ =	shalt  }
0x71: {  	_ =	shalt  }
0x72: {  	_ =	shalt  }
0x73: {  	_ =	shalt  }
0x74: {  	_ =	shalt  }
0x75: {  	_ =	shalt  }
0x76: {  	_ =	shalt  }
0x77: {  	_ =	shalt  }
0x78: {  	_ =	shalt  }
0x79: {  	_ =	shalt  }
0x7a: {  	_ =	shalt  }
0x7b: {  	_ =	shalt  }
0x7c: {  	_ =	shalt  }
0x7d: {  	_ =	shalt  }
0x7e: {  	_ =	shalt  }
0x7f: {  	_ =	shalt  }
0x80: {  	_ =	shalt  }
0x81: {  	_ =	shalt  }
0x82: {  	_ =	shalt  }
0x83: {  	_ =	shalt  }
0x84: {  	_ =	shalt  }
0x85: {  	_ =	shalt  }
0x86: {  	_ =	shalt  }
0x87: {  	_ =	shalt  }
.Lfunc_end0:
.L_simem_size_0:
called_computation.1_lowered:
.L_overlay_start_0:
0x88: {  	s2 =	sld [smem:$0x3FD9]  }
0x89: {  	s3 =	sld [smem:$0x3FFE];
	_ =	sdelay $0x1  }
0x8a: {  	s1 =	srdreg.scid  }
0x8b: {  	s0 =	sand.u32 $0x1, s1  }
0x8c: {  	s17 =	sshll.u32 s0, $0xA;
	s2 =	sadd.s32 s3, s2  }
0x8d: {  	s2 =	sadd.s32 s2, s17  }
0x8e: {  	[smem:$0x3FC6] =	sst s2  }
0x8f: {  	_ = 	snop  }
0x90: {  	s2 =	sld [smem:$0x3FD0];
	(tm) =	ssettm $0x1  }
0x91: {  	s18 =	sld [smem:$0x3FFB];
	_ =	sdelay $0x3  }
0x92: {  	_ =	strace s18  }
0x93: {  	s3 =	sld [smem:$0x3FFC];
	_ =	sdelay $0x3  }
0x94: {  	_ =	strace s3  }
0x95: {  	s3 =	sld [smem:$0x3FFD];
	_ =	sdelay $0x3  }
0x96: {  	_ =	strace s3  }
0x97: {  	_ =	strace $0x8FFFFFFF  }
0x98: {  	s19 =	sld [smem:$0x3FDB];
	_ =	sdelay $0x1  }
0x99: {  	s4 =	simm.s32 $_scs_section_size  }
0x9a: {  	s5 =	simm.s32 $_size__tile_overlayer_lowered;
	s6 =	simm.s32 $_tile_overlayer_lowered  }
0x9b: {  	s22 =	simm.s32 $0x1BFF;
	s21 =	sshll.u32 s6, $0x1;
	s3 =	sadd.s32 s4, s19  }
0x9c: {  	s7 =	simm.s32 $0x0;
	s20 =	sshll.u32 s5, $0x1;
	s5 =	sadd.s32 s21, s3  }
0x9d: {  	[timem:s7], [sflag:s22] =	dma.local [hbm:s5], s20  }
0x9e: {  	_ =	swait.ge [sflag:s22], s20  }
0x9f: {  	s4 =	ssub.s32 $0x0, s20;
	[sflag:s22] =	ssyncset.done $0x0  }
0xa0: {  	[sflag:s22] =	ssyncadd.s32 s4;
	_ =	sdelay $0x1  }
0xa1: {  	s23 =	simm.s32 $0x1B8B  }
0xa2: {  	_ =	swait.ge [sflag:s23], $0x1  }
0xa3: {  	[sflag:s23] =	ssyncset.done $0x0  }
0xa4: {  	s25 =	simm.s32 $0x1B8E;
	s24 =	sld [smem:$0x3FFE];
	[sflag:s23] =	ssyncadd.s32 $0xFFFFFFFF  }
0xa5: {  	s26 =	simm.s32 $execute0_lowered;
	[smem:$0x3FD2] =	sst s25  }
0xa6: {  	s5 =	sshll.u32 s26, $0x1;
	_ =	strace $0x80000046;
	[dreg:$0x1] =	wrdreg $0xFFFFFFFF  }
0xa7: {  	s28 =	simm.s32 $_size_execute0_lowered;
	s3 =	sadd.s32 s3, s5;
	[dreg:$0x0] =	wrdreg $0x0  }
0xa8: {  	s5 =	sshll.u32 s28, $0x1;
	[dreg:$0x2] =	wrdreg s3  }
0xa9: {  	[dreg:$0x3] =	wrdreg s5  }
0xaa: {  	[dreg:$0x4] =	wrdreg $0xC0  }
0xab: {  	_ =	task [dreg:s7], $0x5FFFF  }
0xac: {  	[dreg:$0x1] =	wrdreg $0xFFFFFFFF  }
0xad: {  	[dreg:$0x0] =	wrdreg $0x60  }
0xae: {  	[dreg:$0x2] =	wrdreg s24  }
0xaf: {  	[dreg:$0x3] =	wrdreg s2  }
0xb0: {  	[dreg:$0x4] =	wrdreg $0x9  }
0xb1: {  	_ =	task.clear_ibuf [dreg:s7], $0x5FFFF;
	_ =	strace $0x90000046  }
0xb2: {  	s29 =	simm.s32 $0x9;
	_ =	strace $0x80000048  }
0xb3: {  	_ =	swait.ge [sflag:s29], $0x1  }
0xb4: {  	[sflag:s29] =	ssyncadd.s32 $0xFFFFFFFF  }
0xb5: {  	_ =	strace $0x90000048  }
0xb6: {  	_ =	sfence  }
0xb7: {  	s30 =	sld [smem:$0x0];
	_ =	sdelay $0x2  }
0xb8: {  	s31 =	sshll.u32 s1, $0xD;
	s1 =	sshrl.u32 s1, $0x2  }
0xb9: {  	s3 =	sand.u32 $0x4000, s31;
	s1 =	sadd.s32 s1, s30  }
0xba: {  	s0 =	sor.u32 s3, s0;
	s1 =	sshll.u32 s1, $0x11  }
0xbb: {  	s0 =	sor.u32 s1, s0  }
0xbc: {  	s0 =	sadd.s32 $0x8F2B, s0  }
0xbd: {  	[sflag:s0] =	ssyncadd.remote.s32 $0x1  }
0xbe: {  	_ =	sfence.sel $0xFFFF  }
0xbf: {  	[dreg:$0x0] =	wrdreg $0xFFFFFFFF;
	(pc) =	sbr.abs _section_cstart, $3  }
0xc0: {  	[dreg:$0x1] =	wrdreg $0xFFFFFFFF  }
0xc1: {  	_ =	task.clear_ibuf [dreg:s7], $0x2FFFF;
	_ =	strace $0x9FFFFFFF  }
0xc2: {  	(tm) =	ssettm $0x7FFFFFFF  }
0xc3: {  	_ =	shalt  }
tec
execute0_lowered:
.L_overlay_start_1:
0x0: {  	(tag) =	ssettag $0x1  }
0x1: {  	s0 =	srdreg.scid;
	s1 =	rddreg [dreg:$0x0]  }
0x2: {  	s9 =	stileid.u32;
	s4 =	rddreg [dreg:$0x1]  }
0x3: {  	s2 =	simm.s32 $0x0;
	s10 =	simm.s32 $0x32;
	s11 =	simm.s32 $0x7000  }
0x4: {  	s12 =	simm.s32 $0x7640;
	s16 =	simm.s32 $0x7C80;
	s20 =	simm.s32 $0x82C0  }
0x5: {  	s28 =	simm.s32 $0x8F40;
	s18 =	simm.s32 $0xA840;
	s31 =	simm.s32 $0x1  }
0x6: {  	s14 =	simm.s32 $0xD400;
	s13 =	simm.s32 $0xDA40;
	s15 =	simm.s32 $0xE080  }
0x7: {  	s17 =	simm.s32 $0xE6C0;
	s19 =	simm.s32 $0xED00;
	s21 =	simm.s32 $0xF340  }
0x8: {  	s30 =	simm.s32 $0xFFC0;
	s29 =	simm.s32 $0x0;
	s0 =	sand.u32 $0x1, s0  }
0x9: {  	s3 =	sshll.u32 s9, $0xA;
	[smem:$0x7FF] =	sst s2;
	s9 =	smul.u32 $0x32000, s9  }
0xa: {  	s2 =	simm.s32 $0xF980;
	s5 =	sshll.u32 s0, $0x9;
	_ =	strace $0x80000047  }
0xb: {  	s6 =	ssub.s32 $0x2, s0;
	s0 =	smul.u32 $0x19000, s0;
	s3 =	sor.u32 s5, s3  }
0xc: {  	s8 =	sshrl.u32 s6, $0x1;
	s24 =	sadd.s32 s9, s4;
	s5 =	smul.u32 $0x7, s3  }
0xd: {  	s9 =	simm.s32 $0xC780;
	s7 =	smul.u32 $0xC8, s3;
	s3 =	sadd.s32 $0x800, s1  }
0xe: {  	s22 =	ssub.s32 s6, s8;
	s0 =	sadd.s32 s0, s24;
	s24 =	simm.s32 $0x8900  }
0xf: {  	s6 =	simm.s32 $0xB4C0;
	s8 =	simm.s32 $0xCDC0;
	s26 =	smax.u32 s22, $0x1  }
0x10: {  	s0 =	sadd.s32 $0x1900, s0;
	s22 =	simm.s32 $0x9580;
	[dreg:$0x6] =	wrdreg s26  }
0x11: {  	s1 =	sadd.s32 s5, s1;
	s23 =	sadd.s32 s4, s7;
	[dreg:$0x7] =	wrdreg s0  }
0x12: {  	s0 =	simm.s32 $0x9BC0;
	s26 =	simm.s32 $0xA200;
	s4 =	simm.s32 $0xAE80  }
0x13: {  	s7 =	simm.s32 $0xBB00;
	s1 =	sadd.s32 $0x1800, s1;
	[dreg:$0x4] =	wrdreg s23  }
0x14: {  	s5 =	simm.s32 $0xC140;
	s25 =	sadd.s32 $0xC80, s23;
	[dreg:$0x3] =	wrdreg s1  }
0x15: {  	s23 =	simm.s32 $0x2;
	[dreg:$0x5] =	wrdreg s25;
	s25 =	simm.s32 $0x10600  }
.LBB2_1:
0x16: {  	[dreg:$0x8] =	wrdreg s29  }
0x17: {  	s1 =	rddreg [dreg:$0x3];
	s29 =	simm.s32 $0x0  }
0x18: {  	[tilespmem:s29], [sflag:$0x3] =	stream.linear.gather [hbm4b:s1+s29], $0x7000, $0x38;
	[tilespmem:$0x13800] =	vst v63  }
0x19: {  	s1 =	simm.s32 $0x3  }
0x1a: {  	_ =	swait.ge [sflag:s1], $0x7000  }
0x1b: {  	[sflag:s1] =	ssyncset.done $0x0  }
0x1c: {  	[sflag:s1] =	ssyncadd.s32 $0xFFFF9000  }
0x1d: {  	[tilespmem:s11], [sflag:$0x1] =	stream.indirect.gather [hbm4b:s3+s10], $0x20, s29, s10, $0xb8;
	[tilespmem:$0x13800] =	vst v63  }
0x1e: {  	s1 =	simm.s32 $0x38  }
0x1f: {  	[tilespmem:s12], [sflag:$0x1] =	stream.indirect.gather [hbm4b:s3+s10], $0x20, s1, s10, $0xb8;
	[tilespmem:$0x13800] =	vst v63  }
0x20: {  	s1 =	simm.s32 $0x70  }
0x21: {  	[tilespmem:s16], [sflag:$0x1] =	stream.indirect.gather [hbm4b:s3+s10], $0x20, s1, s10, $0xb8;
	[tilespmem:$0x13800] =	vst v63  }
0x22: {  	s1 =	simm.s32 $0xA8  }
0x23: {  	[tilespmem:s20], [sflag:$0x1] =	stream.indirect.gather [hbm4b:s3+s10], $0x20, s1, s10, $0xb8;
	[tilespmem:$0x13800] =	vst v63  }
0x24: {  	s1 =	simm.s32 $0xE0  }
0x25: {  	[tilespmem:s24], [sflag:$0x1] =	stream.indirect.gather [hbm4b:s3+s10], $0x20, s1, s10, $0xb8;
	[tilespmem:$0x13800] =	vst v63  }
0x26: {  	s1 =	simm.s32 $0x118  }
0x27: {  	[tilespmem:s28], [sflag:$0x1] =	stream.indirect.gather [hbm4b:s3+s10], $0x20, s1, s10, $0xb8;
	[tilespmem:$0x13800] =	vst v63  }
0x28: {  	s1 =	simm.s32 $0x150  }
0x29: {  	[tilespmem:s22], [sflag:$0x1] =	stream.indirect.gather [hbm4b:s3+s10], $0x20, s1, s10, $0xb8;
	[tilespmem:$0x13800] =	vst v63  }
0x2a: {  	s1 =	simm.s32 $0x188  }
0x2b: {  	[tilespmem:s0], [sflag:$0x1] =	stream.indirect.gather [hbm4b:s3+s10], $0x20, s1, s10, $0xb8;
	[tilespmem:$0x13800] =	vst v63  }
0x2c: {  	s1 =	simm.s32 $0x1C0  }
0x2d: {  	[tilespmem:s26], [sflag:$0x1] =	stream.indirect.gather [hbm4b:s3+s10], $0x20, s1, s10, $0xb8;
	[tilespmem:$0x13800] =	vst v63  }
0x2e: {  	s1 =	simm.s32 $0x1F8  }
0x2f: {  	[tilespmem:s18], [sflag:$0x1] =	stream.indirect.gather [hbm4b:s3+s10], $0x20, s1, s10, $0xb8;
	[tilespmem:$0x13800] =	vst v63  }
0x30: {  	s1 =	simm.s32 $0x230  }
0x31: {  	[tilespmem:s4], [sflag:$0x1] =	stream.indirect.gather [hbm4b:s3+s10], $0x20, s1, s10, $0xb8;
	[tilespmem:$0x13800] =	vst v63  }
0x32: {  	s1 =	simm.s32 $0x268  }
0x33: {  	[tilespmem:s6], [sflag:$0x1] =	stream.indirect.gather [hbm4b:s3+s10], $0x20, s1, s10, $0xb8;
	[tilespmem:$0x13800] =	vst v63  }
0x34: {  	s1 =	simm.s32 $0x2A0  }
0x35: {  	[tilespmem:s7], [sflag:$0x1] =	stream.indirect.gather [hbm4b:s3+s10], $0x20, s1, s10, $0xb8;
	[tilespmem:$0x13800] =	vst v63  }
0x36: {  	s1 =	simm.s32 $0x2D8  }
0x37: {  	[tilespmem:s5], [sflag:$0x1] =	stream.indirect.gather [hbm4b:s3+s10], $0x20, s1, s10, $0xb8;
	[tilespmem:$0x13800] =	vst v63  }
0x38: {  	s1 =	simm.s32 $0x310  }
0x39: {  	[tilespmem:s9], [sflag:$0x1] =	stream.indirect.gather [hbm4b:s3+s10], $0x20, s1, s10, $0xb8;
	[tilespmem:$0x13800] =	vst v63  }
0x3a: {  	s1 =	simm.s32 $0x348  }
0x3b: {  	[tilespmem:s8], [sflag:$0x1] =	stream.indirect.gather [hbm4b:s3+s10], $0x20, s1, s10, $0xb8;
	[tilespmem:$0x13800] =	vst v63  }
0x3c: {  	_ =	swait.ge [sflag:s31], $0x640  }
0x3d: {  	[sflag:s31] =	ssyncset.done $0x0  }
0x3e: {  	[sflag:s31] =	ssyncadd.s32 $0xFFFFF9C0  }
0x3f: {  	_ =	swait.ge [sflag:s31], $0x640  }
0x40: {  	[sflag:s31] =	ssyncset.done $0x0  }
0x41: {  	[sflag:s31] =	ssyncadd.s32 $0xFFFFF9C0  }
0x42: {  	_ =	swait.ge [sflag:s31], $0x640  }
0x43: {  	[sflag:s31] =	ssyncset.done $0x0  }
0x44: {  	[sflag:s31] =	ssyncadd.s32 $0xFFFFF9C0  }
0x45: {  	_ =	swait.ge [sflag:s31], $0x640  }
0x46: {  	[sflag:s31] =	ssyncset.done $0x0  }
0x47: {  	[sflag:s31] =	ssyncadd.s32 $0xFFFFF9C0  }
0x48: {  	_ =	swait.ge [sflag:s31], $0x640  }
0x49: {  	[sflag:s31] =	ssyncset.done $0x0  }
0x4a: {  	[sflag:s31] =	ssyncadd.s32 $0xFFFFF9C0  }
0x4b: {  	_ =	swait.ge [sflag:s31], $0x640  }
0x4c: {  	[sflag:s31] =	ssyncset.done $0x0  }
0x4d: {  	[sflag:s31] =	ssyncadd.s32 $0xFFFFF9C0  }
0x4e: {  	_ =	swait.ge [sflag:s31], $0x640  }
0x4f: {  	[sflag:s31] =	ssyncset.done $0x0  }
0x50: {  	[sflag:s31] =	ssyncadd.s32 $0xFFFFF9C0  }
0x51: {  	_ =	swait.ge [sflag:s31], $0x640  }
0x52: {  	[sflag:s31] =	ssyncset.done $0x0  }
0x53: {  	[sflag:s31] =	ssyncadd.s32 $0xFFFFF9C0  }
0x54: {  	_ =	swait.ge [sflag:s31], $0x640  }
0x55: {  	[sflag:s31] =	ssyncset.done $0x0  }
0x56: {  	[sflag:s31] =	ssyncadd.s32 $0xFFFFF9C0  }
0x57: {  	_ =	swait.ge [sflag:s31], $0x640  }
0x58: {  	[sflag:s31] =	ssyncset.done $0x0  }
0x59: {  	[sflag:s31] =	ssyncadd.s32 $0xFFFFF9C0  }
0x5a: {  	_ =	swait.ge [sflag:s31], $0x640  }
0x5b: {  	[sflag:s31] =	ssyncset.done $0x0  }
0x5c: {  	[sflag:s31] =	ssyncadd.s32 $0xFFFFF9C0  }
0x5d: {  	_ =	swait.ge [sflag:s31], $0x640  }
0x5e: {  	[sflag:s31] =	ssyncset.done $0x0  }
0x5f: {  	[sflag:s31] =	ssyncadd.s32 $0xFFFFF9C0  }
0x60: {  	_ =	swait.ge [sflag:s31], $0x640  }
0x61: {  	[sflag:s31] =	ssyncset.done $0x0  }
0x62: {  	[sflag:s31] =	ssyncadd.s32 $0xFFFFF9C0  }
0x63: {  	_ =	swait.ge [sflag:s31], $0x640  }
0x64: {  	[sflag:s31] =	ssyncset.done $0x0  }
0x65: {  	[sflag:s31] =	ssyncadd.s32 $0xFFFFF9C0  }
0x66: {  	_ =	swait.ge [sflag:s31], $0x640  }
0x67: {  	[sflag:s31] =	ssyncset.done $0x0  }
0x68: {  	[sflag:s31] =	ssyncadd.s32 $0xFFFFF9C0  }
0x69: {  	_ =	swait.ge [sflag:s31], $0x640  }
0x6a: {  	[sflag:s31] =	ssyncset.done $0x0  }
0x6b: {  	s1 =	rddreg [dreg:$0x4];
	[sflag:s31] =	ssyncadd.s32 $0xFFFFF9C0  }
0x6c: {  	[hbm4b:s1+s29] =	stream.linear.scatter [tilespmem:s11], [sflag:$0x2], $0x6400, $0x38;
	[tilespmem:$0x13800] =	vst v63  }
0x6d: {  	s1 =	simm.s32 $0x380  }
0x6e: {  	[tilespmem:s14], [sflag:$0x1] =	stream.indirect.gather [hbm4b:s3+s10], $0x20, s1, s10, $0xb8;
	[tilespmem:$0x13800] =	vst v63  }
0x6f: {  	s1 =	simm.s32 $0x3B8  }
0x70: {  	[tilespmem:s13], [sflag:$0x1] =	stream.indirect.gather [hbm4b:s3+s10], $0x20, s1, s10, $0xb8;
	[tilespmem:$0x13800] =	vst v63  }
0x71: {  	s1 =	simm.s32 $0x3F0  }
0x72: {  	[tilespmem:s15], [sflag:$0x1] =	stream.indirect.gather [hbm4b:s3+s10], $0x20, s1, s10, $0xb8;
	[tilespmem:$0x13800] =	vst v63  }
0x73: {  	s1 =	simm.s32 $0x428  }
0x74: {  	[tilespmem:s17], [sflag:$0x1] =	stream.indirect.gather [hbm4b:s3+s10], $0x20, s1, s10, $0xb8;
	[tilespmem:$0x13800] =	vst v63  }
0x75: {  	s1 =	simm.s32 $0x460  }
0x76: {  	[tilespmem:s19], [sflag:$0x1] =	stream.indirect.gather [hbm4b:s3+s10], $0x20, s1, s10, $0xb8;
	[tilespmem:$0x13800] =	vst v63  }
0x77: {  	s1 =	simm.s32 $0x498  }
0x78: {  	[tilespmem:s21], [sflag:$0x1] =	stream.indirect.gather [hbm4b:s3+s10], $0x20, s1, s10, $0xb8;
	[tilespmem:$0x13800] =	vst v63  }
0x79: {  	s1 =	simm.s32 $0x4D0  }
0x7a: {  	[tilespmem:s2], [sflag:$0x1] =	stream.indirect.gather [hbm4b:s3+s10], $0x20, s1, s10, $0xb8;
	[tilespmem:$0x13800] =	vst v63  }
0x7b: {  	s1 =	simm.s32 $0x508  }
0x7c: {  	[tilespmem:s30], [sflag:$0x1] =	stream.indirect.gather [hbm4b:s3+s10], $0x20, s1, s10, $0xb8;
	[tilespmem:$0x13800] =	vst v63  }
0x7d: {  	s1 =	simm.s32 $0x540  }
0x7e: {  	[tilespmem:s25], [sflag:$0x1] =	stream.indirect.gather [hbm4b:s3+s10], $0x20, s1, s10, $0xb8;
	[tilespmem:$0x13800] =	vst v63  }
0x7f: {  	s25 =	simm.s32 $0x10C40;
	s1 =	simm.s32 $0x578  }
0x80: {  	[tilespmem:s25], [sflag:$0x1] =	stream.indirect.gather [hbm4b:s3+s10], $0x20, s1, s10, $0xb8;
	[tilespmem:$0x13800] =	vst v63  }
0x81: {  	s25 =	simm.s32 $0x11280;
	s1 =	simm.s32 $0x5B0  }
0x82: {  	[tilespmem:s25], [sflag:$0x1] =	stream.indirect.gather [hbm4b:s3+s10], $0x20, s1, s10, $0xb8;
	[tilespmem:$0x13800] =	vst v63  }
0x83: {  	s25 =	simm.s32 $0x118C0;
	s1 =	simm.s32 $0x5E8  }
0x84: {  	[tilespmem:s25], [sflag:$0x1] =	stream.indirect.gather [hbm4b:s3+s10], $0x20, s1, s10, $0xb8;
	[tilespmem:$0x13800] =	vst v63  }
0x85: {  	s25 =	simm.s32 $0x11F00;
	s1 =	simm.s32 $0x620  }
0x86: {  	[tilespmem:s25], [sflag:$0x1] =	stream.indirect.gather [hbm4b:s3+s10], $0x20, s1, s10, $0xb8;
	[tilespmem:$0x13800] =	vst v63  }
0x87: {  	s25 =	simm.s32 $0x12540;
	s1 =	simm.s32 $0x658  }
0x88: {  	[tilespmem:s25], [sflag:$0x1] =	stream.indirect.gather [hbm4b:s3+s10], $0x20, s1, s10, $0xb8;
	[tilespmem:$0x13800] =	vst v63  }
0x89: {  	s25 =	simm.s32 $0x12B80;
	s1 =	simm.s32 $0x690  }
0x8a: {  	[tilespmem:s25], [sflag:$0x1] =	stream.indirect.gather [hbm4b:s3+s10], $0x20, s1, s10, $0xb8;
	[tilespmem:$0x13800] =	vst v63  }
0x8b: {  	s25 =	simm.s32 $0x131C0;
	s1 =	simm.s32 $0x6C8  }
0x8c: {  	[tilespmem:s25], [sflag:$0x1] =	stream.indirect.gather [hbm4b:s3+s10], $0x20, s1, s10, $0xb8;
	[tilespmem:$0x13800] =	vst v63  }
0x8d: {  	_ =	swait.ge [sflag:s31], $0x640  }
0x8e: {  	[sflag:s31] =	ssyncset.done $0x0  }
0x8f: {  	[sflag:s31] =	ssyncadd.s32 $0xFFFFF9C0  }
0x90: {  	_ =	swait.ge [sflag:s31], $0x640  }
0x91: {  	[sflag:s31] =	ssyncset.done $0x0  }
0x92: {  	[sflag:s31] =	ssyncadd.s32 $0xFFFFF9C0  }
0x93: {  	_ =	swait.ge [sflag:s31], $0x640  }
0x94: {  	[sflag:s31] =	ssyncset.done $0x0  }
0x95: {  	[sflag:s31] =	ssyncadd.s32 $0xFFFFF9C0  }
0x96: {  	_ =	swait.ge [sflag:s31], $0x640  }
0x97: {  	[sflag:s31] =	ssyncset.done $0x0  }
0x98: {  	[sflag:s31] =	ssyncadd.s32 $0xFFFFF9C0  }
0x99: {  	_ =	swait.ge [sflag:s31], $0x640  }
0x9a: {  	[sflag:s31] =	ssyncset.done $0x0  }
0x9b: {  	[sflag:s31] =	ssyncadd.s32 $0xFFFFF9C0  }
0x9c: {  	_ =	swait.ge [sflag:s31], $0x640  }
0x9d: {  	[sflag:s31] =	ssyncset.done $0x0  }
0x9e: {  	[sflag:s31] =	ssyncadd.s32 $0xFFFFF9C0  }
0x9f: {  	_ =	swait.ge [sflag:s31], $0x640  }
0xa0: {  	[sflag:s31] =	ssyncset.done $0x0  }
0xa1: {  	[sflag:s31] =	ssyncadd.s32 $0xFFFFF9C0  }
0xa2: {  	_ =	swait.ge [sflag:s31], $0x640  }
0xa3: {  	[sflag:s31] =	ssyncset.done $0x0  }
0xa4: {  	[sflag:s31] =	ssyncadd.s32 $0xFFFFF9C0  }
0xa5: {  	_ =	swait.ge [sflag:s31], $0x640  }
0xa6: {  	[sflag:s31] =	ssyncset.done $0x0  }
0xa7: {  	[sflag:s31] =	ssyncadd.s32 $0xFFFFF9C0  }
0xa8: {  	_ =	swait.ge [sflag:s31], $0x640  }
0xa9: {  	[sflag:s31] =	ssyncset.done $0x0  }
0xaa: {  	[sflag:s31] =	ssyncadd.s32 $0xFFFFF9C0  }
0xab: {  	_ =	swait.ge [sflag:s31], $0x640  }
0xac: {  	[sflag:s31] =	ssyncset.done $0x0  }
0xad: {  	[sflag:s31] =	ssyncadd.s32 $0xFFFFF9C0  }
0xae: {  	_ =	swait.ge [sflag:s31], $0x640  }
0xaf: {  	[sflag:s31] =	ssyncset.done $0x0  }
0xb0: {  	[sflag:s31] =	ssyncadd.s32 $0xFFFFF9C0  }
0xb1: {  	_ =	swait.ge [sflag:s31], $0x640  }
0xb2: {  	[sflag:s31] =	ssyncset.done $0x0  }
0xb3: {  	[sflag:s31] =	ssyncadd.s32 $0xFFFFF9C0  }
0xb4: {  	_ =	swait.ge [sflag:s31], $0x640  }
0xb5: {  	[sflag:s31] =	ssyncset.done $0x0  }
0xb6: {  	[sflag:s31] =	ssyncadd.s32 $0xFFFFF9C0  }
0xb7: {  	_ =	swait.ge [sflag:s31], $0x640  }
0xb8: {  	[sflag:s31] =	ssyncset.done $0x0  }
0xb9: {  	[sflag:s31] =	ssyncadd.s32 $0xFFFFF9C0  }
0xba: {  	_ =	swait.ge [sflag:s31], $0x640  }
0xbb: {  	[sflag:s31] =	ssyncset.done $0x0  }
0xbc: {  	s25 =	rddreg [dreg:$0x5];
	[sflag:s31] =	ssyncadd.s32 $0xFFFFF9C0  }
0xbd: {  	[hbm4b:s25+s29] =	stream.linear.scatter [tilespmem:s14], [sflag:$0x2], $0x6400, $0x38;
	[tilespmem:$0x13800] =	vst v63  }
0xbe: {  	_ =	swait.ge [sflag:s23], $0x6400  }
0xbf: {  	[sflag:s23] =	ssyncset.done $0x0  }
0xc0: {  	s1 =	simm.s32 $0x700;
	[sflag:s23] =	ssyncadd.s32 $0xFFFF9C00  }
0xc1: {  	[tilespmem:s11], [sflag:$0x1] =	stream.indirect.gather [hbm4b:s3+s10], $0x20, s1, s10, $0xb8;
	[tilespmem:$0x13800] =	vst v63  }
0xc2: {  	s1 =	simm.s32 $0x738  }
0xc3: {  	[tilespmem:s12], [sflag:$0x1] =	stream.indirect.gather [hbm4b:s3+s10], $0x20, s1, s10, $0xb8;
	[tilespmem:$0x13800] =	vst v63  }
0xc4: {  	s12 =	simm.s32 $0x770  }
0xc5: {  	[tilespmem:s16], [sflag:$0x1] =	stream.indirect.gather [hbm4b:s3+s10], $0x20, s12, s10, $0xb8;
	[tilespmem:$0x13800] =	vst v63  }
0xc6: {  	s1 =	simm.s32 $0x7A8  }
0xc7: {  	[tilespmem:s20], [sflag:$0x1] =	stream.indirect.gather [hbm4b:s3+s10], $0x20, s1, s10, $0xb8;
	[tilespmem:$0x13800] =	vst v63  }
0xc8: {  	s12 =	simm.s32 $0x7E0  }
0xc9: {  	[tilespmem:s24], [sflag:$0x1] =	stream.indirect.gather [hbm4b:s3+s10], $0x20, s12, s10, $0xb8;
	[tilespmem:$0x13800] =	vst v63  }
0xca: {  	s16 =	simm.s32 $0x818  }
0xcb: {  	[tilespmem:s28], [sflag:$0x1] =	stream.indirect.gather [hbm4b:s3+s10], $0x20, s16, s10, $0xb8;
	[tilespmem:$0x13800] =	vst v63  }
0xcc: {  	s20 =	simm.s32 $0x850  }
0xcd: {  	[tilespmem:s22], [sflag:$0x1] =	stream.indirect.gather [hbm4b:s3+s10], $0x20, s20, s10, $0xb8;
	[tilespmem:$0x13800] =	vst v63  }
0xce: {  	s22 =	simm.s32 $0x888  }
0xcf: {  	[tilespmem:s0], [sflag:$0x1] =	stream.indirect.gather [hbm4b:s3+s10], $0x20, s22, s10, $0xb8;
	[tilespmem:$0x13800] =	vst v63  }
0xd0: {  	s24 =	simm.s32 $0x8C0  }
0xd1: {  	[tilespmem:s26], [sflag:$0x1] =	stream.indirect.gather [hbm4b:s3+s10], $0x20, s24, s10, $0xb8;
	[tilespmem:$0x13800] =	vst v63  }
0xd2: {  	s0 =	simm.s32 $0x8F8  }
0xd3: {  	[tilespmem:s18], [sflag:$0x1] =	stream.indirect.gather [hbm4b:s3+s10], $0x20, s0, s10, $0xb8;
	[tilespmem:$0x13800] =	vst v63  }
0xd4: {  	s1 =	simm.s32 $0x930  }
0xd5: {  	[tilespmem:s4], [sflag:$0x1] =	stream.indirect.gather [hbm4b:s3+s10], $0x20, s1, s10, $0xb8;
	[tilespmem:$0x13800] =	vst v63  }
0xd6: {  	s4 =	simm.s32 $0x968  }
0xd7: {  	[tilespmem:s6], [sflag:$0x1] =	stream.indirect.gather [hbm4b:s3+s10], $0x20, s4, s10, $0xb8;
	[tilespmem:$0x13800] =	vst v63  }
0xd8: {  	s6 =	simm.s32 $0x9A0  }
0xd9: {  	[tilespmem:s7], [sflag:$0x1] =	stream.indirect.gather [hbm4b:s3+s10], $0x20, s6, s10, $0xb8;
	[tilespmem:$0x13800] =	vst v63  }
0xda: {  	s12 =	simm.s32 $0x9D8  }
0xdb: {  	[tilespmem:s5], [sflag:$0x1] =	stream.indirect.gather [hbm4b:s3+s10], $0x20, s12, s10, $0xb8;
	[tilespmem:$0x13800] =	vst v63  }
0xdc: {  	s16 =	simm.s32 $0xA10  }
0xdd: {  	[tilespmem:s9], [sflag:$0x1] =	stream.indirect.gather [hbm4b:s3+s10], $0x20, s16, s10, $0xb8;
	[tilespmem:$0x13800] =	vst v63  }
0xde: {  	s18 =	simm.s32 $0xA48  }
0xdf: {  	[tilespmem:s8], [sflag:$0x1] =	stream.indirect.gather [hbm4b:s3+s10], $0x20, s18, s10, $0xb8;
	[tilespmem:$0x13800] =	vst v63  }
0xe0: {  	_ =	swait.ge [sflag:s31], $0x640  }
0xe1: {  	[sflag:s31] =	ssyncset.done $0x0  }
0xe2: {  	[sflag:s31] =	ssyncadd.s32 $0xFFFFF9C0  }
0xe3: {  	_ =	swait.ge [sflag:s31], $0x640  }
0xe4: {  	[sflag:s31] =	ssyncset.done $0x0  }
0xe5: {  	[sflag:s31] =	ssyncadd.s32 $0xFFFFF9C0  }
0xe6: {  	_ =	swait.ge [sflag:s31], $0x640  }
0xe7: {  	[sflag:s31] =	ssyncset.done $0x0  }
0xe8: {  	[sflag:s31] =	ssyncadd.s32 $0xFFFFF9C0  }
0xe9: {  	_ =	swait.ge [sflag:s31], $0x640  }
0xea: {  	[sflag:s31] =	ssyncset.done $0x0  }
0xeb: {  	[sflag:s31] =	ssyncadd.s32 $0xFFFFF9C0  }
0xec: {  	_ =	swait.ge [sflag:s31], $0x640  }
0xed: {  	[sflag:s31] =	ssyncset.done $0x0  }
0xee: {  	[sflag:s31] =	ssyncadd.s32 $0xFFFFF9C0  }
0xef: {  	_ =	swait.ge [sflag:s31], $0x640  }
0xf0: {  	[sflag:s31] =	ssyncset.done $0x0  }
0xf1: {  	[sflag:s31] =	ssyncadd.s32 $0xFFFFF9C0  }
0xf2: {  	_ =	swait.ge [sflag:s31], $0x640  }
0xf3: {  	[sflag:s31] =	ssyncset.done $0x0  }
0xf4: {  	[sflag:s31] =	ssyncadd.s32 $0xFFFFF9C0  }
0xf5: {  	_ =	swait.ge [sflag:s31], $0x640  }
0xf6: {  	[sflag:s31] =	ssyncset.done $0x0  }
0xf7: {  	[sflag:s31] =	ssyncadd.s32 $0xFFFFF9C0  }
0xf8: {  	_ =	swait.ge [sflag:s31], $0x640  }
0xf9: {  	[sflag:s31] =	ssyncset.done $0x0  }
0xfa: {  	[sflag:s31] =	ssyncadd.s32 $0xFFFFF9C0  }
0xfb: {  	_ =	swait.ge [sflag:s31], $0x640  }
0xfc: {  	[sflag:s31] =	ssyncset.done $0x0  }
0xfd: {  	[sflag:s31] =	ssyncadd.s32 $0xFFFFF9C0  }
0xfe: {  	_ =	swait.ge [sflag:s31], $0x640  }
0xff: {  	[sflag:s31] =	ssyncset.done $0x0  }
0x100: {  	[sflag:s31] =	ssyncadd.s32 $0xFFFFF9C0  }
0x101: {  	_ =	swait.ge [sflag:s31], $0x640  }
0x102: {  	[sflag:s31] =	ssyncset.done $0x0  }
0x103: {  	[sflag:s31] =	ssyncadd.s32 $0xFFFFF9C0  }
0x104: {  	_ =	swait.ge [sflag:s31], $0x640  }
0x105: {  	[sflag:s31] =	ssyncset.done $0x0  }
0x106: {  	[sflag:s31] =	ssyncadd.s32 $0xFFFFF9C0  }
0x107: {  	_ =	swait.ge [sflag:s31], $0x640  }
0x108: {  	[sflag:s31] =	ssyncset.done $0x0  }
0x109: {  	[sflag:s31] =	ssyncadd.s32 $0xFFFFF9C0  }
0x10a: {  	_ =	swait.ge [sflag:s31], $0x640  }
0x10b: {  	[sflag:s31] =	ssyncset.done $0x0  }
0x10c: {  	[sflag:s31] =	ssyncadd.s32 $0xFFFFF9C0  }
0x10d: {  	_ =	swait.ge [sflag:s31], $0x640  }
0x10e: {  	[sflag:s31] =	ssyncset.done $0x0  }
0x10f: {  	s1 =	rddreg [dreg:$0x7];
	[sflag:s31] =	ssyncadd.s32 $0xFFFFF9C0  }
0x110: {  	[hbm4b:s1+s29] =	stream.linear.scatter [tilespmem:s11], [sflag:$0x2], $0x6400, $0x38;
	[tilespmem:$0x13800] =	vst v63  }
0x111: {  	_ =	swait.ge [sflag:s23], $0x6400  }
0x112: {  	[sflag:s23] =	ssyncset.done $0x0  }
0x113: {  	s20 =	simm.s32 $0xA80;
	[sflag:s23] =	ssyncadd.s32 $0xFFFF9C00  }
0x114: {  	[tilespmem:s14], [sflag:$0x1] =	stream.indirect.gather [hbm4b:s3+s10], $0x20, s20, s10, $0xb8;
	[tilespmem:$0x13800] =	vst v63  }
0x115: {  	s22 =	simm.s32 $0xAB8  }
0x116: {  	[tilespmem:s13], [sflag:$0x1] =	stream.indirect.gather [hbm4b:s3+s10], $0x20, s22, s10, $0xb8;
	[tilespmem:$0x13800] =	vst v63  }
0x117: {  	s24 =	simm.s32 $0xAF0  }
0x118: {  	[tilespmem:s15], [sflag:$0x1] =	stream.indirect.gather [hbm4b:s3+s10], $0x20, s24, s10, $0xb8;
	[tilespmem:$0x13800] =	vst v63  }
0x119: {  	s26 =	simm.s32 $0xB28  }
0x11a: {  	[tilespmem:s17], [sflag:$0x1] =	stream.indirect.gather [hbm4b:s3+s10], $0x20, s26, s10, $0xb8;
	[tilespmem:$0x13800] =	vst v63  }
0x11b: {  	s0 =	simm.s32 $0xB60  }
0x11c: {  	[tilespmem:s19], [sflag:$0x1] =	stream.indirect.gather [hbm4b:s3+s10], $0x20, s0, s10, $0xb8;
	[tilespmem:$0x13800] =	vst v63  }
0x11d: {  	s4 =	simm.s32 $0xB98  }
0x11e: {  	[tilespmem:s21], [sflag:$0x1] =	stream.indirect.gather [hbm4b:s3+s10], $0x20, s4, s10, $0xb8;
	[tilespmem:$0x13800] =	vst v63  }
0x11f: {  	s5 =	simm.s32 $0xBD0  }
0x120: {  	[tilespmem:s2], [sflag:$0x1] =	stream.indirect.gather [hbm4b:s3+s10], $0x20, s5, s10, $0xb8;
	[tilespmem:$0x13800] =	vst v63  }
0x121: {  	s6 =	simm.s32 $0xC08  }
0x122: {  	[tilespmem:s30], [sflag:$0x1] =	stream.indirect.gather [hbm4b:s3+s10], $0x20, s6, s10, $0xb8;
	[tilespmem:$0x13800] =	vst v63  }
0x123: {  	s7 =	simm.s32 $0xC40;
	s8 =	simm.s32 $0x10600  }
0x124: {  	[tilespmem:s8], [sflag:$0x1] =	stream.indirect.gather [hbm4b:s3+s10], $0x20, s7, s10, $0xb8;
	[tilespmem:$0x13800] =	vst v63  }
0x125: {  	s9 =	simm.s32 $0xC78;
	s11 =	simm.s32 $0x10C40  }
0x126: {  	[tilespmem:s11], [sflag:$0x1] =	stream.indirect.gather [hbm4b:s3+s10], $0x20, s9, s10, $0xb8;
	[tilespmem:$0x13800] =	vst v63  }
0x127: {  	s12 =	simm.s32 $0xCB0;
	s13 =	simm.s32 $0x11280  }
0x128: {  	[tilespmem:s13], [sflag:$0x1] =	stream.indirect.gather [hbm4b:s3+s10], $0x20, s12, s10, $0xb8;
	[tilespmem:$0x13800] =	vst v63  }
0x129: {  	s16 =	simm.s32 $0x118C0;
	s15 =	simm.s32 $0xCE8  }
0x12a: {  	[tilespmem:s16], [sflag:$0x1] =	stream.indirect.gather [hbm4b:s3+s10], $0x20, s15, s10, $0xb8;
	[tilespmem:$0x13800] =	vst v63  }
0x12b: {  	s18 =	simm.s32 $0x11F00;
	s17 =	simm.s32 $0xD20  }
0x12c: {  	[tilespmem:s18], [sflag:$0x1] =	stream.indirect.gather [hbm4b:s3+s10], $0x20, s17, s10, $0xb8;
	[tilespmem:$0x13800] =	vst v63  }
0x12d: {  	s20 =	simm.s32 $0x12540;
	s19 =	simm.s32 $0xD58  }
0x12e: {  	[tilespmem:s20], [sflag:$0x1] =	stream.indirect.gather [hbm4b:s3+s10], $0x20, s19, s10, $0xb8;
	[tilespmem:$0x13800] =	vst v63  }
0x12f: {  	s22 =	simm.s32 $0x12B80;
	s21 =	simm.s32 $0xD90  }
0x130: {  	[tilespmem:s22], [sflag:$0x1] =	stream.indirect.gather [hbm4b:s3+s10], $0x20, s21, s10, $0xb8;
	[tilespmem:$0x13800] =	vst v63  }
0x131: {  	s24 =	simm.s32 $0xDC8;
	s26 =	simm.s32 $0x131C0  }
0x132: {  	[tilespmem:s26], [sflag:$0x1] =	stream.indirect.gather [hbm4b:s3+s10], $0x20, s24, s10, $0xb8;
	[tilespmem:$0x13800] =	vst v63  }
0x133: {  	_ =	swait.ge [sflag:s31], $0x640  }
0x134: {  	[sflag:s31] =	ssyncset.done $0x0  }
0x135: {  	[sflag:s31] =	ssyncadd.s32 $0xFFFFF9C0  }
0x136: {  	_ =	swait.ge [sflag:s31], $0x640  }
0x137: {  	[sflag:s31] =	ssyncset.done $0x0  }
0x138: {  	[sflag:s31] =	ssyncadd.s32 $0xFFFFF9C0  }
0x139: {  	_ =	swait.ge [sflag:s31], $0x640  }
0x13a: {  	[sflag:s31] =	ssyncset.done $0x0  }
0x13b: {  	[sflag:s31] =	ssyncadd.s32 $0xFFFFF9C0  }
0x13c: {  	_ =	swait.ge [sflag:s31], $0x640  }
0x13d: {  	[sflag:s31] =	ssyncset.done $0x0  }
0x13e: {  	[sflag:s31] =	ssyncadd.s32 $0xFFFFF9C0  }
0x13f: {  	_ =	swait.ge [sflag:s31], $0x640  }
0x140: {  	[sflag:s31] =	ssyncset.done $0x0  }
0x141: {  	[sflag:s31] =	ssyncadd.s32 $0xFFFFF9C0  }
0x142: {  	_ =	swait.ge [sflag:s31], $0x640  }
0x143: {  	[sflag:s31] =	ssyncset.done $0x0  }
0x144: {  	[sflag:s31] =	ssyncadd.s32 $0xFFFFF9C0  }
0x145: {  	_ =	swait.ge [sflag:s31], $0x640  }
0x146: {  	[sflag:s31] =	ssyncset.done $0x0  }
0x147: {  	[sflag:s31] =	ssyncadd.s32 $0xFFFFF9C0  }
0x148: {  	_ =	swait.ge [sflag:s31], $0x640  }
0x149: {  	[sflag:s31] =	ssyncset.done $0x0  }
0x14a: {  	[sflag:s31] =	ssyncadd.s32 $0xFFFFF9C0  }
0x14b: {  	_ =	swait.ge [sflag:s31], $0x640  }
0x14c: {  	[sflag:s31] =	ssyncset.done $0x0  }
0x14d: {  	[sflag:s31] =	ssyncadd.s32 $0xFFFFF9C0  }
0x14e: {  	_ =	swait.ge [sflag:s31], $0x640  }
0x14f: {  	[sflag:s31] =	ssyncset.done $0x0  }
0x150: {  	[sflag:s31] =	ssyncadd.s32 $0xFFFFF9C0  }
0x151: {  	_ =	swait.ge [sflag:s31], $0x640  }
0x152: {  	[sflag:s31] =	ssyncset.done $0x0  }
0x153: {  	[sflag:s31] =	ssyncadd.s32 $0xFFFFF9C0  }
0x154: {  	_ =	swait.ge [sflag:s31], $0x640  }
0x155: {  	[sflag:s31] =	ssyncset.done $0x0  }
0x156: {  	[sflag:s31] =	ssyncadd.s32 $0xFFFFF9C0  }
0x157: {  	s25 =	simm.s32 $0x1C00;
	_ =	swait.ge [sflag:s31], $0x640  }
0x158: {  	s28 =	sadd.s32 $0x1900, s1;
	s29 =	simm.s32 $0x8F40;
	[sflag:s31] =	ssyncset.done $0x0  }
0x159: {  	s0 =	simm.s32 $0x9BC0;
	s4 =	simm.s32 $0xAE80;
	[sflag:s31] =	ssyncadd.s32 $0xFFFFF9C0  }
0x15a: {  	s5 =	simm.s32 $0xC140;
	s2 =	simm.s32 $0xF980;
	_ =	swait.ge [sflag:s31], $0x640  }
0x15b: {  	s30 =	sadd.s32 $0xC80, s1;
	s6 =	simm.s32 $0xB4C0;
	[sflag:s31] =	ssyncset.done $0x0  }
0x15c: {  	s7 =	simm.s32 $0xBB00;
	s8 =	simm.s32 $0xCDC0;
	[sflag:s31] =	ssyncadd.s32 $0xFFFFF9C0  }
0x15d: {  	s9 =	simm.s32 $0xC780;
	s13 =	simm.s32 $0xDA40;
	_ =	swait.ge [sflag:s31], $0x640  }
0x15e: {  	s16 =	simm.s32 $0x7000;
	s15 =	simm.s32 $0xE080;
	[sflag:s31] =	ssyncset.done $0x0  }
0x15f: {  	s18 =	simm.s32 $0xA840;
	s17 =	simm.s32 $0xE6C0;
	[sflag:s31] =	ssyncadd.s32 $0xFFFFF9C0  }
0x160: {  	s20 =	simm.s32 $0x82C0;
	s19 =	simm.s32 $0xED00;
	_ =	swait.ge [sflag:s31], $0x640  }
0x161: {  	s22 =	simm.s32 $0x9580;
	s21 =	simm.s32 $0xF340;
	[sflag:s31] =	ssyncset.done $0x0  }
0x162: {  	s24 =	simm.s32 $0x8900;
	s26 =	simm.s32 $0xA200;
	[sflag:s31] =	ssyncadd.s32 $0xFFFFF9C0  }
.LBB2_2:
0x163: {  	s12 =	simm.s32 $0x0  }
0x164: {  	[hbm4b:s30+s12] =	stream.linear.scatter [tilespmem:s14], [sflag:$0x2], $0x6400, $0x38;
	[tilespmem:$0x13800] =	vst v63  }
0x165: {  	s30 =	smov.u32 s25  }
0x166: {  	p0 =	sne.s32 s25, $0x18800;
	s25 =	sadd.s32 $0x1C00, s25;
	_ =	swait.ge [sflag:s23], $0x6400  }
0x167: {  	s30 =	sshra.s32 s30, $0x2;
	[sflag:s23] =	ssyncset.done $0x0  }
0x168: {  	s1 =	sadd.s32 $0x700, s30;
	[sflag:s23] =	ssyncadd.s32 $0xFFFF9C00  }
0x169: {  	[tilespmem:s16], [sflag:$0x1] =	stream.indirect.gather [hbm4b:s3+s10], $0x20, s1, s10, $0xb8;
	[tilespmem:$0x13800] =	vst v63  }
0x16a: {  	s11 =	simm.s32 $0x7640;
	s1 =	sadd.s32 $0x738, s30  }
0x16b: {  	[tilespmem:s11], [sflag:$0x1] =	stream.indirect.gather [hbm4b:s3+s10], $0x20, s1, s10, $0xb8;
	[tilespmem:$0x13800] =	vst v63  }
0x16c: {  	s1 =	sadd.s32 $0x770, s30;
	s11 =	simm.s32 $0x7C80  }
0x16d: {  	[tilespmem:s11], [sflag:$0x1] =	stream.indirect.gather [hbm4b:s3+s10], $0x20, s1, s10, $0xb8;
	[tilespmem:$0x13800] =	vst v63  }
0x16e: {  	s1 =	sadd.s32 $0x7A8, s30  }
0x16f: {  	[tilespmem:s20], [sflag:$0x1] =	stream.indirect.gather [hbm4b:s3+s10], $0x20, s1, s10, $0xb8;
	[tilespmem:$0x13800] =	vst v63  }
0x170: {  	s1 =	sadd.s32 $0x7E0, s30  }
0x171: {  	[tilespmem:s24], [sflag:$0x1] =	stream.indirect.gather [hbm4b:s3+s10], $0x20, s1, s10, $0xb8;
	[tilespmem:$0x13800] =	vst v63  }
0x172: {  	s1 =	sadd.s32 $0x818, s30  }
0x173: {  	[tilespmem:s29], [sflag:$0x1] =	stream.indirect.gather [hbm4b:s3+s10], $0x20, s1, s10, $0xb8;
	[tilespmem:$0x13800] =	vst v63  }
0x174: {  	s1 =	sadd.s32 $0x850, s30  }
0x175: {  	[tilespmem:s22], [sflag:$0x1] =	stream.indirect.gather [hbm4b:s3+s10], $0x20, s1, s10, $0xb8;
	[tilespmem:$0x13800] =	vst v63  }
0x176: {  	s1 =	sadd.s32 $0x888, s30  }
0x177: {  	[tilespmem:s0], [sflag:$0x1] =	stream.indirect.gather [hbm4b:s3+s10], $0x20, s1, s10, $0xb8;
	[tilespmem:$0x13800] =	vst v63  }
0x178: {  	s1 =	sadd.s32 $0x8C0, s30  }
0x179: {  	[tilespmem:s26], [sflag:$0x1] =	stream.indirect.gather [hbm4b:s3+s10], $0x20, s1, s10, $0xb8;
	[tilespmem:$0x13800] =	vst v63  }
0x17a: {  	s1 =	sadd.s32 $0x8F8, s30  }
0x17b: {  	[tilespmem:s18], [sflag:$0x1] =	stream.indirect.gather [hbm4b:s3+s10], $0x20, s1, s10, $0xb8;
	[tilespmem:$0x13800] =	vst v63  }
0x17c: {  	s1 =	sadd.s32 $0x930, s30  }
0x17d: {  	[tilespmem:s4], [sflag:$0x1] =	stream.indirect.gather [hbm4b:s3+s10], $0x20, s1, s10, $0xb8;
	[tilespmem:$0x13800] =	vst v63  }
0x17e: {  	s1 =	sadd.s32 $0x968, s30  }
0x17f: {  	[tilespmem:s6], [sflag:$0x1] =	stream.indirect.gather [hbm4b:s3+s10], $0x20, s1, s10, $0xb8;
	[tilespmem:$0x13800] =	vst v63  }
0x180: {  	s1 =	sadd.s32 $0x9A0, s30  }
0x181: {  	[tilespmem:s7], [sflag:$0x1] =	stream.indirect.gather [hbm4b:s3+s10], $0x20, s1, s10, $0xb8;
	[tilespmem:$0x13800] =	vst v63  }
0x182: {  	s1 =	sadd.s32 $0x9D8, s30  }
0x183: {  	[tilespmem:s5], [sflag:$0x1] =	stream.indirect.gather [hbm4b:s3+s10], $0x20, s1, s10, $0xb8;
	[tilespmem:$0x13800] =	vst v63  }
0x184: {  	s1 =	sadd.s32 $0xA10, s30  }
0x185: {  	[tilespmem:s9], [sflag:$0x1] =	stream.indirect.gather [hbm4b:s3+s10], $0x20, s1, s10, $0xb8;
	[tilespmem:$0x13800] =	vst v63  }
0x186: {  	s1 =	sadd.s32 $0xA48, s30  }
0x187: {  	[tilespmem:s8], [sflag:$0x1] =	stream.indirect.gather [hbm4b:s3+s10], $0x20, s1, s10, $0xb8;
	[tilespmem:$0x13800] =	vst v63  }
0x188: {  	_ =	swait.ge [sflag:s31], $0x640  }
0x189: {  	[sflag:s31] =	ssyncset.done $0x0  }
0x18a: {  	[sflag:s31] =	ssyncadd.s32 $0xFFFFF9C0  }
0x18b: {  	_ =	swait.ge [sflag:s31], $0x640  }
0x18c: {  	[sflag:s31] =	ssyncset.done $0x0  }
0x18d: {  	[sflag:s31] =	ssyncadd.s32 $0xFFFFF9C0  }
0x18e: {  	_ =	swait.ge [sflag:s31], $0x640  }
0x18f: {  	[sflag:s31] =	ssyncset.done $0x0  }
0x190: {  	[sflag:s31] =	ssyncadd.s32 $0xFFFFF9C0  }
0x191: {  	_ =	swait.ge [sflag:s31], $0x640  }
0x192: {  	[sflag:s31] =	ssyncset.done $0x0  }
0x193: {  	[sflag:s31] =	ssyncadd.s32 $0xFFFFF9C0  }
0x194: {  	_ =	swait.ge [sflag:s31], $0x640  }
0x195: {  	[sflag:s31] =	ssyncset.done $0x0  }
0x196: {  	[sflag:s31] =	ssyncadd.s32 $0xFFFFF9C0  }
0x197: {  	_ =	swait.ge [sflag:s31], $0x640  }
0x198: {  	[sflag:s31] =	ssyncset.done $0x0  }
0x199: {  	[sflag:s31] =	ssyncadd.s32 $0xFFFFF9C0  }
0x19a: {  	_ =	swait.ge [sflag:s31], $0x640  }
0x19b: {  	[sflag:s31] =	ssyncset.done $0x0  }
0x19c: {  	[sflag:s31] =	ssyncadd.s32 $0xFFFFF9C0  }
0x19d: {  	_ =	swait.ge [sflag:s31], $0x640  }
0x19e: {  	[sflag:s31] =	ssyncset.done $0x0  }
0x19f: {  	[sflag:s31] =	ssyncadd.s32 $0xFFFFF9C0  }
0x1a0: {  	_ =	swait.ge [sflag:s31], $0x640  }
0x1a1: {  	[sflag:s31] =	ssyncset.done $0x0  }
0x1a2: {  	[sflag:s31] =	ssyncadd.s32 $0xFFFFF9C0  }
0x1a3: {  	_ =	swait.ge [sflag:s31], $0x640  }
0x1a4: {  	[sflag:s31] =	ssyncset.done $0x0  }
0x1a5: {  	[sflag:s31] =	ssyncadd.s32 $0xFFFFF9C0  }
0x1a6: {  	_ =	swait.ge [sflag:s31], $0x640  }
0x1a7: {  	[sflag:s31] =	ssyncset.done $0x0  }
0x1a8: {  	[sflag:s31] =	ssyncadd.s32 $0xFFFFF9C0  }
0x1a9: {  	_ =	swait.ge [sflag:s31], $0x640  }
0x1aa: {  	[sflag:s31] =	ssyncset.done $0x0  }
0x1ab: {  	[sflag:s31] =	ssyncadd.s32 $0xFFFFF9C0  }
0x1ac: {  	_ =	swait.ge [sflag:s31], $0x640  }
0x1ad: {  	[sflag:s31] =	ssyncset.done $0x0  }
0x1ae: {  	[sflag:s31] =	ssyncadd.s32 $0xFFFFF9C0  }
0x1af: {  	_ =	swait.ge [sflag:s31], $0x640  }
0x1b0: {  	[sflag:s31] =	ssyncset.done $0x0  }
0x1b1: {  	[sflag:s31] =	ssyncadd.s32 $0xFFFFF9C0  }
0x1b2: {  	_ =	swait.ge [sflag:s31], $0x640  }
0x1b3: {  	[sflag:s31] =	ssyncset.done $0x0  }
0x1b4: {  	[sflag:s31] =	ssyncadd.s32 $0xFFFFF9C0  }
0x1b5: {  	_ =	swait.ge [sflag:s31], $0x640  }
0x1b6: {  	[sflag:s31] =	ssyncset.done $0x0  }
0x1b7: {  	s11 =	simm.s32 $0x0;
	[sflag:s31] =	ssyncadd.s32 $0xFFFFF9C0  }
0x1b8: {  	[hbm4b:s28+s12] =	stream.linear.scatter [tilespmem:s16], [sflag:$0x2], $0x6400, $0x38;
	[tilespmem:$0x13800] =	vst v63  }
0x1b9: {  	_ =	swait.ge [sflag:s23], $0x6400  }
0x1ba: {  	[sflag:s23] =	ssyncset.done $0x0  }
0x1bb: {  	s1 =	sadd.s32 $0xA80, s30;
	[sflag:s23] =	ssyncadd.s32 $0xFFFF9C00  }
0x1bc: {  	[tilespmem:s14], [sflag:$0x1] =	stream.indirect.gather [hbm4b:s3+s10], $0x20, s1, s10, $0xb8;
	[tilespmem:$0x13800] =	vst v63  }
0x1bd: {  	s1 =	sadd.s32 $0xAB8, s30  }
0x1be: {  	[tilespmem:s13], [sflag:$0x1] =	stream.indirect.gather [hbm4b:s3+s10], $0x20, s1, s10, $0xb8;
	[tilespmem:$0x13800] =	vst v63  }
0x1bf: {  	s1 =	sadd.s32 $0xAF0, s30  }
0x1c0: {  	[tilespmem:s15], [sflag:$0x1] =	stream.indirect.gather [hbm4b:s3+s10], $0x20, s1, s10, $0xb8;
	[tilespmem:$0x13800] =	vst v63  }
0x1c1: {  	s1 =	sadd.s32 $0xB28, s30  }
0x1c2: {  	[tilespmem:s17], [sflag:$0x1] =	stream.indirect.gather [hbm4b:s3+s10], $0x20, s1, s10, $0xb8;
	[tilespmem:$0x13800] =	vst v63  }
0x1c3: {  	s1 =	sadd.s32 $0xB60, s30  }
0x1c4: {  	[tilespmem:s19], [sflag:$0x1] =	stream.indirect.gather [hbm4b:s3+s10], $0x20, s1, s10, $0xb8;
	[tilespmem:$0x13800] =	vst v63  }
0x1c5: {  	s1 =	sadd.s32 $0xB98, s30  }
0x1c6: {  	[tilespmem:s21], [sflag:$0x1] =	stream.indirect.gather [hbm4b:s3+s10], $0x20, s1, s10, $0xb8;
	[tilespmem:$0x13800] =	vst v63  }
0x1c7: {  	s1 =	sadd.s32 $0xBD0, s30  }
0x1c8: {  	[tilespmem:s2], [sflag:$0x1] =	stream.indirect.gather [hbm4b:s3+s10], $0x20, s1, s10, $0xb8;
	[tilespmem:$0x13800] =	vst v63  }
0x1c9: {  	s12 =	simm.s32 $0xFFC0;
	s1 =	sadd.s32 $0xC08, s30  }
0x1ca: {  	[tilespmem:s12], [sflag:$0x1] =	stream.indirect.gather [hbm4b:s3+s10], $0x20, s1, s10, $0xb8;
	[tilespmem:$0x13800] =	vst v63  }
0x1cb: {  	s1 =	sadd.s32 $0xC40, s30;
	s12 =	simm.s32 $0x10600  }
0x1cc: {  	[tilespmem:s12], [sflag:$0x1] =	stream.indirect.gather [hbm4b:s3+s10], $0x20, s1, s10, $0xb8;
	[tilespmem:$0x13800] =	vst v63  }
0x1cd: {  	s1 =	sadd.s32 $0xC78, s30;
	s12 =	simm.s32 $0x10C40  }
0x1ce: {  	[tilespmem:s12], [sflag:$0x1] =	stream.indirect.gather [hbm4b:s3+s10], $0x20, s1, s10, $0xb8;
	[tilespmem:$0x13800] =	vst v63  }
0x1cf: {  	s1 =	sadd.s32 $0xCB0, s30;
	s12 =	simm.s32 $0x11280  }
0x1d0: {  	[tilespmem:s12], [sflag:$0x1] =	stream.indirect.gather [hbm4b:s3+s10], $0x20, s1, s10, $0xb8;
	[tilespmem:$0x13800] =	vst v63  }
0x1d1: {  	s1 =	sadd.s32 $0xCE8, s30;
	s12 =	simm.s32 $0x118C0  }
0x1d2: {  	[tilespmem:s12], [sflag:$0x1] =	stream.indirect.gather [hbm4b:s3+s10], $0x20, s1, s10, $0xb8;
	[tilespmem:$0x13800] =	vst v63  }
0x1d3: {  	s1 =	sadd.s32 $0xD20, s30;
	s12 =	simm.s32 $0x11F00  }
0x1d4: {  	[tilespmem:s12], [sflag:$0x1] =	stream.indirect.gather [hbm4b:s3+s10], $0x20, s1, s10, $0xb8;
	[tilespmem:$0x13800] =	vst v63  }
0x1d5: {  	s1 =	sadd.s32 $0xD58, s30;
	s12 =	simm.s32 $0x12540  }
0x1d6: {  	[tilespmem:s12], [sflag:$0x1] =	stream.indirect.gather [hbm4b:s3+s10], $0x20, s1, s10, $0xb8;
	[tilespmem:$0x13800] =	vst v63  }
0x1d7: {  	s1 =	sadd.s32 $0xD90, s30;
	s12 =	simm.s32 $0x12B80  }
0x1d8: {  	[tilespmem:s12], [sflag:$0x1] =	stream.indirect.gather [hbm4b:s3+s10], $0x20, s1, s10, $0xb8;
	[tilespmem:$0x13800] =	vst v63  }
0x1d9: {  	s1 =	sadd.s32 $0xDC8, s30;
	s12 =	simm.s32 $0x131C0  }
0x1da: {  	[tilespmem:s12], [sflag:$0x1] =	stream.indirect.gather [hbm4b:s3+s10], $0x20, s1, s10, $0xb8;
	[tilespmem:$0x13800] =	vst v63  }
0x1db: {  	_ =	swait.ge [sflag:s31], $0x640  }
0x1dc: {  	[sflag:s31] =	ssyncset.done $0x0  }
0x1dd: {  	[sflag:s31] =	ssyncadd.s32 $0xFFFFF9C0  }
0x1de: {  	_ =	swait.ge [sflag:s31], $0x640  }
0x1df: {  	[sflag:s31] =	ssyncset.done $0x0  }
0x1e0: {  	[sflag:s31] =	ssyncadd.s32 $0xFFFFF9C0  }
0x1e1: {  	_ =	swait.ge [sflag:s31], $0x640  }
0x1e2: {  	[sflag:s31] =	ssyncset.done $0x0  }
0x1e3: {  	[sflag:s31] =	ssyncadd.s32 $0xFFFFF9C0  }
0x1e4: {  	_ =	swait.ge [sflag:s31], $0x640  }
0x1e5: {  	[sflag:s31] =	ssyncset.done $0x0  }
0x1e6: {  	[sflag:s31] =	ssyncadd.s32 $0xFFFFF9C0  }
0x1e7: {  	_ =	swait.ge [sflag:s31], $0x640  }
0x1e8: {  	[sflag:s31] =	ssyncset.done $0x0  }
0x1e9: {  	[sflag:s31] =	ssyncadd.s32 $0xFFFFF9C0  }
0x1ea: {  	_ =	swait.ge [sflag:s31], $0x640  }
0x1eb: {  	[sflag:s31] =	ssyncset.done $0x0  }
0x1ec: {  	[sflag:s31] =	ssyncadd.s32 $0xFFFFF9C0  }
0x1ed: {  	_ =	swait.ge [sflag:s31], $0x640  }
0x1ee: {  	[sflag:s31] =	ssyncset.done $0x0  }
0x1ef: {  	[sflag:s31] =	ssyncadd.s32 $0xFFFFF9C0  }
0x1f0: {  	_ =	swait.ge [sflag:s31], $0x640  }
0x1f1: {  	[sflag:s31] =	ssyncset.done $0x0  }
0x1f2: {  	[sflag:s31] =	ssyncadd.s32 $0xFFFFF9C0  }
0x1f3: {  	_ =	swait.ge [sflag:s31], $0x640  }
0x1f4: {  	[sflag:s31] =	ssyncset.done $0x0  }
0x1f5: {  	[sflag:s31] =	ssyncadd.s32 $0xFFFFF9C0  }
0x1f6: {  	_ =	swait.ge [sflag:s31], $0x640  }
0x1f7: {  	[sflag:s31] =	ssyncset.done $0x0  }
0x1f8: {  	[sflag:s31] =	ssyncadd.s32 $0xFFFFF9C0  }
0x1f9: {  	_ =	swait.ge [sflag:s31], $0x640  }
0x1fa: {  	[sflag:s31] =	ssyncset.done $0x0  }
0x1fb: {  	[sflag:s31] =	ssyncadd.s32 $0xFFFFF9C0  }
0x1fc: {  	_ =	swait.ge [sflag:s31], $0x640  }
0x1fd: {  	[sflag:s31] =	ssyncset.done $0x0  }
0x1fe: {  	[sflag:s31] =	ssyncadd.s32 $0xFFFFF9C0  }
0x1ff: {  	_ =	swait.ge [sflag:s31], $0x640  }
0x200: {  	[sflag:s31] =	ssyncset.done $0x0  }
0x201: {  	[sflag:s31] =	ssyncadd.s32 $0xFFFFF9C0  }
0x202: {  	_ =	swait.ge [sflag:s31], $0x640  }
0x203: {  	[sflag:s31] =	ssyncset.done $0x0  }
0x204: {  	[sflag:s31] =	ssyncadd.s32 $0xFFFFF9C0  }
0x205: {  	_ =	swait.ge [sflag:s31], $0x640  }
.Ltmp0:
0x206: {  	[sflag:s31] =	ssyncset.done $0x0;
	(pc) =	sbr.rel @p0 .LBB2_2-.Ltmp0, $4  }
0x207: {  	[sflag:s31] =	ssyncadd.s32 $0xFFFFF9C0  }
0x208: {  	_ =	swait.ge [sflag:s31], $0x640  }
0x209: {  	[sflag:s31] =	ssyncset.done $0x0  }
0x20a: {  	s30 =	sadd.s32 $0xC80, s28;
	s28 =	sadd.s32 $0x1900, s28;
	[sflag:s31] =	ssyncadd.s32 $0xFFFFF9C0  }
0x20b: {  	[hbm4b:s30+s11] =	stream.linear.scatter [tilespmem:s14], [sflag:$0x2], $0x6400, $0x38;
	[tilespmem:$0x13800] =	vst v63  }
0x20c: {  	s12 =	simm.s32 $0x7640;
	_ =	swait.ge [sflag:s23], $0x6400  }
0x20d: {  	s16 =	simm.s32 $0x7C80;
	s20 =	simm.s32 $0x82C0;
	[sflag:s23] =	ssyncset.done $0x0  }
0x20e: {  	s24 =	simm.s32 $0x8900;
	s28 =	simm.s32 $0x8F40;
	[sflag:s23] =	ssyncadd.s32 $0xFFFF9C00  }
0x20f: {  	s22 =	simm.s32 $0x9580;
	s0 =	simm.s32 $0x9BC0;
	_ =	swait.ge [sflag:s23], $0x6400  }
0x210: {  	s26 =	simm.s32 $0xA200;
	s18 =	simm.s32 $0xA840;
	s29 =	rddreg [dreg:$0x8]  }
0x211: {  	s4 =	simm.s32 $0xAE80;
	s1 =	rddreg [dreg:$0x6];
	s29 =	sadd.s32 $0x1, s29  }
0x212: {  	s6 =	simm.s32 $0xB4C0;
	s7 =	simm.s32 $0xBB00;
	p0 =	sne.s32 s29, s1  }
.Ltmp1:
0x213: {  	s5 =	simm.s32 $0xC140;
	s9 =	simm.s32 $0xC780;
	(pc) =	sbr.rel @p0 .LBB2_1-.Ltmp1, $4  }
0x214: {  	s8 =	simm.s32 $0xCDC0;
	s13 =	simm.s32 $0xDA40;
	s15 =	simm.s32 $0xE080  }
0x215: {  	s17 =	simm.s32 $0xE6C0;
	s19 =	simm.s32 $0xED00;
	s21 =	simm.s32 $0xF340  }
0x216: {  	s2 =	simm.s32 $0xF980;
	s11 =	simm.s32 $0x7000;
	[sflag:s23] =	ssyncset.done $0x0  }
0x217: {  	s30 =	simm.s32 $0xFFC0;
	s25 =	simm.s32 $0x10600;
	[sflag:s23] =	ssyncadd.s32 $0xFFFF9C00  }
0x218: {  	_ =	sfence.sel $0x180000  }
0x219: {  	[bflag:$0x0] =	sbarrier.arrive $0xFFFF  }
0x21a: {  	_ =	strace $0x90000047  }
0x21b: {  	s0 =	stileid.u32;
	[bflag:$0x2] =	sbarrier.arrive $0xFFFF  }
0x21c: {  	p0 =	sne.s32 s0, $0x0;
	s0 =	rddreg [dreg:$0x2]  }
0x21d: {  	s0 =	sadd.s32 @!p0 $0x100000, s0  }
0x21e: {  	[sflag:s0] =	ssyncadd.tile.s32 @!p0 $0x1;
	_ =	shalt  }
.Lfunc_end2:
_tile_overlayer_lowered:
.L_overlay_start_2:
0x21f: {  	(tag) =	ssettag $0x2  }
0x220: {  	s0 =	rddreg [dreg:$0x0];
	s2 =	stileid.u32  }
0x221: {  	s1 =	rddreg [dreg:$0x1];
	p0 =	sne.s32 s2, $0x0  }
0x222: {  	s3 =	rddreg [dreg:$0x2];
	[bflag:$0x3] =	sbarrier.arrive $0xFFFF;
	s2 =	simm.s32 @!p0 $0x1C03  }
0x223: {  	[timem:s3], [sflag:s2] =	dma.local @!p0 [hbm:s0], s1  }
0x224: {  	s0 =	simm.s32 @!p0 $0x3  }
0x225: {  	_ =	swait.ge @!p0 [sflag:s0], s1  }
0x226: {  	s1 =	ssub.s32 @!p0 $0x0, s1;
	[sflag:s0] =	ssyncset.done @!p0 $0x0  }
0x227: {  	[sflag:s0] =	ssyncadd.s32 @!p0 s1  }
0x228: {  	[bflag:$0x3] =	sbarrier.arrive $0xFFFF  }
0x229: {  	_ =	shalt  }

// kernel: sparse-core-data-format-call.cloned.1.call-start
scs
called_computation_lowered:
.L_overlay_start_0:
0x0: {  	s2 =	sld [smem:$0x3FD9]  }
0x1: {  	s3 =	sld [smem:$0x3FFE];
	_ =	sdelay $0x1  }
0x2: {  	s1 =	srdreg.scid  }
0x3: {  	s0 =	sand.u32 $0x1, s1  }
0x4: {  	s18 =	sshll.u32 s0, $0xA;
	s2 =	sadd.s32 s3, s2  }
0x5: {  	s2 =	sadd.s32 s2, s18  }
0x6: {  	[smem:$0x3FC6] =	sst s2  }
0x7: {  	_ = 	snop  }
0x8: {  	s2 =	sld [smem:$0x3FD0];
	(tm) =	ssettm $0x1  }
0x9: {  	s19 =	sld [smem:$0x3FFB];
	_ =	sdelay $0x3  }
0xa: {  	_ =	strace s19  }
0xb: {  	s3 =	sld [smem:$0x3FFC];
	_ =	sdelay $0x3  }
0xc: {  	_ =	strace s3  }
0xd: {  	s3 =	sld [smem:$0x3FFD];
	_ =	sdelay $0x3  }
0xe: {  	_ =	strace s3  }
0xf: {  	_ =	strace $0x8FFFFFFF  }
0x10: {  	s20 =	sld [smem:$0x3FDB];
	_ =	sdelay $0x1  }
0x11: {  	s4 =	simm.s32 $_scs_section_size  }
0x12: {  	s5 =	simm.s32 $_size__tile_overlayer_lowered;
	s6 =	simm.s32 $_tile_overlayer_lowered  }
0x13: {  	s23 =	simm.s32 $0x1BFF;
	s22 =	sshll.u32 s6, $0x1;
	s3 =	sadd.s32 s4, s20  }
0x14: {  	s7 =	simm.s32 $0x0;
	s21 =	sshll.u32 s5, $0x1;
	s5 =	sadd.s32 s22, s3  }
0x15: {  	[timem:s7], [sflag:s23] =	dma.local [hbm:s5], s21  }
0x16: {  	_ =	swait.ge [sflag:s23], s21  }
0x17: {  	s4 =	ssub.s32 $0x0, s21;
	[sflag:s23] =	ssyncset.done $0x0  }
0x18: {  	[sflag:s23] =	ssyncadd.s32 s4;
	_ =	sdelay $0x1  }
0x19: {  	s24 =	simm.s32 $0x1B8B  }
0x1a: {  	_ =	swait.ge [sflag:s24], $0x1  }
0x1b: {  	[sflag:s24] =	ssyncset.done $0x0  }
0x1c: {  	s26 =	simm.s32 $0x1B8E;
	s25 =	sld [smem:$0x3FFE];
	[sflag:s24] =	ssyncadd.s32 $0xFFFFFFFF  }
0x1d: {  	s27 =	simm.s32 $execute0_lowered;
	[smem:$0x3FD2] =	sst s26  }
0x1e: {  	s5 =	sshll.u32 s27, $0x1;
	_ =	strace $0x80000049;
	[dreg:$0x1] =	wrdreg $0xFFFFFFFF  }
0x1f: {  	s28 =	simm.s32 $_size_execute0_lowered;
	s3 =	sadd.s32 s3, s5;
	[dreg:$0x0] =	wrdreg $0x0  }
0x20: {  	s5 =	sshll.u32 s28, $0x1;
	[dreg:$0x2] =	wrdreg s3  }
0x21: {  	[dreg:$0x3] =	wrdreg s5  }
0x22: {  	[dreg:$0x4] =	wrdreg $0xC0  }
0x23: {  	_ =	task [dreg:s7], $0x5FFFF  }
0x24: {  	[dreg:$0x1] =	wrdreg $0xFFFFFFFF  }
0x25: {  	[dreg:$0x0] =	wrdreg $0x60  }
0x26: {  	[dreg:$0x2] =	wrdreg s25  }
0x27: {  	[dreg:$0x3] =	wrdreg s2  }
0x28: {  	[dreg:$0x4] =	wrdreg $0x9  }
0x29: {  	_ =	task.clear_ibuf [dreg:s7], $0x5FFFF;
	_ =	strace $0x90000049  }
0x2a: {  	s29 =	simm.s32 $0x9;
	_ =	strace $0x8000004B  }
0x2b: {  	_ =	swait.ge [sflag:s29], $0x1  }
0x2c: {  	[sflag:s29] =	ssyncadd.s32 $0xFFFFFFFF  }
0x2d: {  	_ =	strace $0x9000004B  }
0x2e: {  	_ =	sfence  }
0x2f: {  	s30 =	sld [smem:$0x0];
	_ =	sdelay $0x2  }
0x30: {  	s31 =	sshll.u32 s1, $0xD;
	s1 =	sshrl.u32 s1, $0x2  }
0x31: {  	s3 =	sand.u32 $0x4000, s31;
	s1 =	sadd.s32 s1, s30  }
0x32: {  	s0 =	sor.u32 s3, s0;
	s1 =	sshll.u32 s1, $0x11  }
0x33: {  	s0 =	sor.u32 s1, s0  }
0x34: {  	s0 =	sadd.s32 $0x8F2B, s0  }
0x35: {  	[sflag:s0] =	ssyncadd.remote.s32 $0x1  }
0x36: {  	_ =	sfence.sel $0xFFFF  }
0x37: {  	[dreg:$0x0] =	wrdreg $0xFFFFFFFF;
	(pc) =	sbr.abs _section_cstart, $3  }
0x38: {  	[dreg:$0x1] =	wrdreg $0xFFFFFFFF  }
0x39: {  	_ =	task.clear_ibuf [dreg:s7], $0x2FFFF;
	_ =	strace $0x9FFFFFFF  }
0x3a: {  	(tm) =	ssettm $0x7FFFFFFF  }
0x3b: {  	_ =	shalt  }
tec
execute0_lowered:
.L_overlay_start_1:
0x0: {  	(tag) =	ssettag $0x1  }
0x1: {  	s0 =	srdreg.scid  }
0x2: {  	s1 =	sshll.u32 s0, $0x4  }
0x3: {  	s0 =	stileid.u32;
	s1 =	sand.u32 $0x10, s1  }
0x4: {  	s1 =	sor.u32 s0, s1  }
0x5: {  	s6 =	rddreg [dreg:$0x0];
	s4 =	simm.s32 $0x1;
	s2 =	sshll.u32 s1, $0x7  }
0x6: {  	s7 =	simm.s32 $0x2;
	s12 =	simm.s32 $0x0;
	s1 =	ssub.s32 $0x4000, s2  }
0x7: {  	s8 =	simm.s32 $0x20000;
	s13 =	simm.s32 $0x0;
	s3 =	sand.u32 $0xF80, s1  }
0x8: {  	s9 =	simm.s32 $0x0;
	s5 =	sshrl.u32 s1, $0xC;
	p0 =	sne.s32 s3, $0x0  }
.Ltmp0:
0x9: {  	s1 =	rddreg [dreg:$0x2];
	s4 =	simm.s32 @!p0 $0x0;
	(pc) =	sbr.rel .LBB1_1-.Ltmp0, $4  }
0xa: {  	s11 =	simm.s32 $0x0;
	s3 =	rddreg [dreg:$0x1];
	s5 =	sadd.s32 s4, s5  }
0xb: {  	_ =	strace $0x8000004A;
	s4 =	simm.s32 $0x1;
	s5 =	smul.u32 $0x32, s5  }
0xc: {  	s6 =	sadd.s32 $0x800, s6;
	s10 =	smov.u32 s2;
	[sflag:s4] =	ssyncpa.u1 $0x0  }
0xd: {  	p0 =	por $0x0, $0x0;
	[sflag:s7] =	ssyncpa.u1 $0x0;
	s7 =	sor.u32 $0x1, s5  }
.LBB1_4:
0xe: {  	s16 =	sshll.u32 s13, $0x3;
	s17 =	sand.u32 $0x78, s13  }
0xf: {  	s30 =	sand.u32 $0xF800, s13;
	s12 =	sshll.u32 s12, $0x10;
	s16 =	sand.u32 $0x3C00, s16  }
0x10: {  	s31 =	sand.u32 $0x7, s13;
	s16 =	sor.u32 s17, s16;
	s17 =	sadd.s32 s3, s30  }
0x11: {  	s13 =	sshll.u32 s31, $0x12;
	s16 =	sshrl.u32 s16, $0x3;
	s12 =	sadd.s32 s12, s17  }
0x12: {  	[tilespmem:s15+$0x0 ss:$0x81] =	vst.msk $0xffff, v0;
	s13 =	sor.u32 $0x400, s13;
	s12 =	sadd.s32 s16, s12  }
0x13: {  	[hbm4b:s12+s13] =	stream.strided.scatter [tilespmem:s14], [sflag:$0x2], $0x1000, s8, s13, $0x20;
	[tilespmem:$0x4040] =	vst v63  }
.LBB1_5:
0x14: {  	s14 =	sadd.s32 $0x1, s9  }
0x15: {  	s12 =	sadd.s32 $0x1000, s10;
	s16 =	smov.u32 s10;
	p2 =	sgt.s32 s14, $0x31  }
0x16: {  	s16 =	smov.u32 @p2 s12  }
0x17: {  	s14 =	simm.s32 @p2 $0x0;
	p2 =	sgt.s32 s16, $0x3FFF  }
0x18: {  	s16 =	smov.u32 @p2 s2;
	p2 =	sne.s32 s11, s7  }
.Ltmp1:
0x19: {  	p1 =	slt.u32 s11, $0x2;
	(pc) =	sbr.rel @!p2 .LBB1_6-.Ltmp1, $4  }
0x1a: {  	s15 =	simm.s32 @!p1 $0x2  }
0x1b: {  	s13 =	smov.u32 s10;
	p0 =	por !p0, !p0;
	_ =	swait.ge @!p1 [sflag:s15], $0x1000  }
0x1c: {  	s12 =	smov.u32 s9;
	[sflag:s15] =	ssyncset.done @!p1 $0x0;
	s9 =	smov.u32 s14  }
0x1d: {  	s11 =	sadd.s32 $0x1, s11;
	[sflag:s15] =	ssyncadd.s32 @!p1 $0xFFFFF000;
	s10 =	smov.u32 s16  }
.LBB1_1:
0x1e: {  	p1 =	sge.u32 s11, s5  }
0x1f: {  	s14 =	sand.u32 @!p1 $0x1FFFFFF, s9  }
0x20: {  	s15 =	smulhi.u32 @!p1 $0x4924925, s14;
	_ =	sdelay $0x1  }
0x21: {  	s15 =	smul.u32 @!p1 $0x38, s15  }
0x22: {  	s16 =	sxor.u32 @!p1 $0xFFFFFFFF, s11;
	s17 =	smul.u32 @!p1 $0x380, s10  }
0x23: {  	s31 =	sadd.s32 $0xFFFFFFFF, s11;
	s16 =	sshll.u32 @!p1 s16, $0xC;
	s14 =	ssub.s32 @!p1 s14, s15  }
0x24: {  	s15 =	sand.u32 @!p1 $0x1000, s16;
	s16 =	sadd.s32 @!p1 s6, s17;
	s14 =	sshll.u32 @!p1 s14, $0x4  }
0x25: {  	s17 =	simm.s32 @!p1 $0x1C00;
	s14 =	sadd.s32 @!p1 s14, s16;
	s16 =	simm.s32 @!p1 $0x20  }
0x26: {  	[tilespmem:s15], [sflag:$0x1] =	stream.strided.gather @!p1 [hbm4b:s14+s16], $0x1000, s17, s16, $0x38;
	[tilespmem:$0x4040] =	vst v63  }
0x27: {  	p1 =	sge.u32 s31, s5  }
.Ltmp2:
0x28: {  	_ = 	snop;
	(pc) =	sbr.rel @p1 .LBB1_5-.Ltmp2, $1  }
0x29: {  	_ =	sdelay $0x3  }
0x2a: {  	s14 =	simm.s32 $0x1  }
0x2b: {  	_ =	swait.ge [sflag:s4], $0x1000;
	s14 =	simm.s32 @!p0 $0x0  }
0x2c: {  	[sflag:s4] =	ssyncset.done $0x0;
	s15 =	sshll.u32 s14, $0xC  }
0x2d: {  	[sflag:s4] =	ssyncadd.s32 $0xFFFFF000;
	s18 =	sor.u32 $0x10, s15  }
0x2e: {  	s14 =	smul.u32 $0x4080, s14;
	v1 =	vld [tilespmem:s18+$0x0]  }
0x2f: {  	s30 =	sand.u32 $0x1, s11;
	v0 =	vld [tilespmem:s18+$0xFFFFFFF0]  }
0x30: {  	s15 =	smul.u32 $0x4080, s30;
	s14 =	sshrl.u32 s14, $0x2  }
0x31: {  	s16 =	sor.u32 $0x2000, s14  }
0x32: {  	s31 =	sshrl.u32 s15, $0x2;
	s15 =	sadd.s32 $0x0, s16  }
0x33: {  	s17 =	simm.s32 $0x4;
	s18 =	sadd.s32 $0x20, s18;
	s14 =	sor.u32 $0x2000, s31;
	[tilespmem:s15+$0x810 ss:$0x81] =	vst.msk $0xffff, v1  }
.LBB1_3:
0x34: {  	v1 =	vld [tilespmem:s18+$0x0];
	p1 =	sne.s32 s17, $0x1FC;
	[tilespmem:s15+$0x0 ss:$0x81] =	vst.msk $0xffff, v0;
	s15 =	smov.u32 s17;
	s17 =	sadd.s32 $0x4, s17  }
.Ltmp3:
0x35: {  	v0 =	vld [tilespmem:s18+$0xFFFFFFF0];
	(pc) =	sbr.rel @p1 .LBB1_3-.Ltmp3, $4  }
0x36: {  	_ = 	snop  }
0x37: {  	s15 =	sshra.s32 s15, $0x2  }
0x38: {  	s15 =	sadd.s32 s15, s16  }
0x39: {  	s18 =	sadd.s32 $0x20, s18;
	[tilespmem:s15+$0x810 ss:$0x81] =	vst.msk $0xffff, v1  }
.Ltmp4:
0x3a: {  	_ = 	snop;
	(pc) =	sbr.rel .LBB1_4-.Ltmp4, $1  }
0x3b: {  	_ =	sdelay $0x3  }
.LBB1_6:
0x3c: {  	_ =	sfence.sel $0x180000  }
0x3d: {  	s2 =	simm.s32 $0x1;
	[bflag:$0x0] =	sbarrier.arrive $0xFFFF  }
0x3e: {  	s31 =	simm.s32 $0x2;
	[sflag:s2] =	ssyncpa.u1 $0x1  }
0x3f: {  	[sflag:s31] =	ssyncpa.u1 $0x1  }
0x40: {  	p0 =	sne.s32 s0, $0x0;
	_ =	strace $0x9000004A  }
0x41: {  	s0 =	sadd.s32 @!p0 $0x100000, s1;
	[bflag:$0x2] =	sbarrier.arrive $0xFFFF  }
0x42: {  	[sflag:s0] =	ssyncadd.tile.s32 @!p0 $0x1;
	_ =	shalt  }
.Lfunc_end1:
_tile_overlayer_lowered:
.L_overlay_start_2:
0x43: {  	(tag) =	ssettag $0x2  }
0x44: {  	s0 =	rddreg [dreg:$0x0];
	s2 =	stileid.u32  }
0x45: {  	s1 =	rddreg [dreg:$0x1];
	p0 =	sne.s32 s2, $0x0  }
0x46: {  	s3 =	rddreg [dreg:$0x2];
	[bflag:$0x3] =	sbarrier.arrive $0xFFFF;
	s2 =	simm.s32 @!p0 $0x1C01  }
0x47: {  	[timem:s3], [sflag:s2] =	dma.local @!p0 [hbm:s0], s1  }
0x48: {  	s0 =	simm.s32 @!p0 $0x1  }
0x49: {  	_ =	swait.ge @!p0 [sflag:s0], s1  }
0x4a: {  	s1 =	ssub.s32 @!p0 $0x0, s1;
	[sflag:s0] =	ssyncset.done @!p0 $0x0  }
0x4b: {  	[sflag:s0] =	ssyncadd.s32 @!p0 s1  }
0x4c: {  	[bflag:$0x3] =	sbarrier.arrive $0xFFFF  }
0x4d: {  	_ =	shalt  }

</sc_bundles>
